<compile_context>
chip_gen: v7x
topology: tpu7x:2x2x1
jax: 0.10.2.dev20260603
libtpu: 0.0.44.dev20260713+nightly
codegen_flags: <defaults>
</compile_context>

<pallas_src>
import functools

import jax
import jax.numpy as jnp
import numpy as np
from jax import lax
from jax.experimental import pallas as pl
from jax.experimental.pallas import tpu as pltpu
from jax.experimental.pallas import tpu_sc as plsc

N = 10000
E = 320000
H = 128
C = 4096
BN_EPS = 1e-5

NC = 2
NS = 16
NW = NC * NS
K = 128
NCHG = E // K
NCH = (NCHG // NW) & ~1
NEXTRA = NCHG - NCH * NW
NPAD = NS * 632
PADR = NPAD - N
RPT = NPAD // NS
RD = 2000
RC = 1024


def _sc_scatter_partials(h, edge_index, zeros):
    mesh = plsc.VectorSubcoreMesh(core_axis_name="c", subcore_axis_name="s")

    @functools.partial(
        pl.kernel,
        mesh=mesh,
        out_type=jax.ShapeDtypeStruct((NC, NPAD, H), jnp.float32),
        scratch_types=[
            pltpu.VMEM((2, K), jnp.int32),
            pltpu.VMEM((2, K), jnp.int32),
            pltpu.VMEM((K,), jnp.int32),
            pltpu.VMEM((K,), jnp.int32),
            pltpu.VMEM((K, H), jnp.float32),
            pltpu.VMEM((K, H), jnp.float32),
            pltpu.VMEM_SHARED((NPAD, H), jnp.float32),
            pltpu.SemaphoreType.DMA,
            pltpu.SemaphoreType.DMA,
            pltpu.SemaphoreType.DMA,
            pltpu.SemaphoreType.DMA,
        ],
    )
    def scatter_kernel(h_hbm, ei_hbm, zero_hbm, out_hbm,
                       sd_a, sd_b, didx_a, didx_b, rows_a, rows_b, agg_sh,
                       sem_ga, sem_gb, sem_ia, sem_ib):
        cid = lax.axis_index("c")
        sid = lax.axis_index("s")
        wid = sid * NC + cid
        pltpu.sync_copy(ei_hbm.at[:, pl.ds(wid * K, K)], sd_a)
        pltpu.async_copy(h_hbm.at[sd_a.at[0]], rows_a, sem_ga)
        pltpu.sync_copy(ei_hbm.at[:, pl.ds((wid + NW) * K, K)], sd_b)
        pltpu.async_copy(h_hbm.at[sd_b.at[0]], rows_b, sem_gb)
        pltpu.sync_copy(zero_hbm.at[pl.ds(sid * RPT, RPT)],
                        agg_sh.at[pl.ds(sid * RPT, RPT)])
        plsc.subcore_barrier()

        @pl.loop(0, NCH, step=2)
        def _(j):
            o2 = (wid + (j + 2) * NW) * K
            o3 = (wid + (j + 3) * NW) * K
            pltpu.make_async_copy(h_hbm.at[sd_a.at[0]], rows_a, sem_ga).wait()
            for i in range(K // 16):
                didx_a[pl.ds(i * 16, 16)] = sd_a[1, pl.ds(i * 16, 16)]

            @pl.when(j + 2 < NCH)
            def _():
                pltpu.async_copy(ei_hbm.at[:, pl.ds(o2, K)], sd_a, sem_ia)

            pltpu.sync_copy(rows_a, agg_sh.at[didx_a], add=True)

            @pl.when(j + 2 < NCH)
            def _():
                pltpu.make_async_copy(
                    ei_hbm.at[:, pl.ds(o2, K)], sd_a, sem_ia).wait()
                pltpu.async_copy(h_hbm.at[sd_a.at[0]], rows_a, sem_ga)

            pltpu.make_async_copy(h_hbm.at[sd_b.at[0]], rows_b, sem_gb).wait()
            for i in range(K // 16):
                didx_b[pl.ds(i * 16, 16)] = sd_b[1, pl.ds(i * 16, 16)]

            @pl.when(j + 3 < NCH)
            def _():
                pltpu.async_copy(ei_hbm.at[:, pl.ds(o3, K)], sd_b, sem_ib)

            pltpu.sync_copy(rows_b, agg_sh.at[didx_b], add=True)

            @pl.when(j + 3 < NCH)
            def _():
                pltpu.make_async_copy(
                    ei_hbm.at[:, pl.ds(o3, K)], sd_b, sem_ib).wait()
                pltpu.async_copy(h_hbm.at[sd_b.at[0]], rows_b, sem_gb)

        @pl.when(wid < NEXTRA)
        def _():
            ox = (NCH * NW + wid) * K
            pltpu.sync_copy(ei_hbm.at[:, pl.ds(ox, K)], sd_a)
            pltpu.async_copy(h_hbm.at[sd_a.at[0]], rows_a, sem_ga)
            pltpu.make_async_copy(h_hbm.at[sd_a.at[0]], rows_a, sem_ga).wait()
            pltpu.sync_copy(rows_a, agg_sh.at[sd_a.at[1]], add=True)

        plsc.subcore_barrier()
        pltpu.sync_copy(agg_sh.at[pl.ds(sid * RPT, RPT)],
                        out_hbm.at[cid, pl.ds(sid * RPT, RPT)])

    return scatter_kernel(h, edge_index, zeros)


def _sc_gather_pairs(h, ca, cb, first_edge):
    mesh = plsc.VectorSubcoreMesh(core_axis_name="c", subcore_axis_name="s")
    ck = C // NW

    @functools.partial(
        pl.kernel,
        mesh=mesh,
        out_type=(
            jax.ShapeDtypeStruct((C, H), jnp.float32),
            jax.ShapeDtypeStruct((C, H), jnp.float32),
            jax.ShapeDtypeStruct((2, H), jnp.float32),
        ),
        scratch_types=[
            pltpu.VMEM((ck,), jnp.int32),
            pltpu.VMEM((ck, H), jnp.float32),
            pltpu.VMEM((2,), jnp.int32),
            pltpu.VMEM((2, H), jnp.float32),
            pltpu.SemaphoreType.DMA,
        ],
    )
    def gather_kernel(h_hbm, ca_hbm, cb_hbm, fe_hbm, oa, ob, ouv,
                      idx_v, rows_v, fe_v, fr_v, sem):
        cid = lax.axis_index("c")
        sid = lax.axis_index("s")
        wid = sid * NC + cid
        base = wid * ck
        pltpu.sync_copy(ca_hbm.at[pl.ds(base, ck)], idx_v)
        pltpu.async_copy(h_hbm.at[idx_v], rows_v, sem).wait()
        pltpu.sync_copy(rows_v, oa.at[pl.ds(base, ck)])
        pltpu.sync_copy(cb_hbm.at[pl.ds(base, ck)], idx_v)
        pltpu.async_copy(h_hbm.at[idx_v], rows_v, sem).wait()
        pltpu.sync_copy(rows_v, ob.at[pl.ds(base, ck)])

        @pl.when(wid == 0)
        def _():
            pltpu.sync_copy(fe_hbm, fe_v)
            pltpu.async_copy(h_hbm.at[fe_v], fr_v, sem).wait()
            pltpu.sync_copy(fr_v, ouv)

    return gather_kernel(h, ca, cb, first_edge)


def _dense_body(h_ref, p_ref, w1_ref, w2_ref, eps_ref, b1_ref, b2_ref,
                sc_ref, be_ref, o_ref):
    h = h_ref[...]
    z0 = eps_ref[...] * h + p_ref[0] + p_ref[1]
    z1 = jnp.maximum(
        jnp.dot(z0, w1_ref[...], preferred_element_type=jnp.float32)
        + b1_ref[...], 0.0)
    z2 = (jnp.dot(z1, w2_ref[...], preferred_element_type=jnp.float32)
          + b2_ref[...])
    o_ref[...] = z2 * sc_ref[...] + be_ref[...] + h


def _tc_dense(h, parts, lp):
    eps1 = jnp.broadcast_to((1.0 + lp['eps'])[None, None], (1, H))
    scale = (lp['gamma'] * np.float32(1.0 / np.sqrt(1.0 + BN_EPS))).reshape(1, H)
    row = pl.BlockSpec((1, H), lambda i: (0, 0))
    return pl.pallas_call(
        _dense_body,
        grid=(N // RD,),
        in_specs=[
            pl.BlockSpec((RD, H), lambda i: (i, 0)),
            pl.BlockSpec((2, RD, H), lambda i: (0, i, 0)),
            pl.BlockSpec((H, H), lambda i: (0, 0)),
            pl.BlockSpec((H, H), lambda i: (0, 0)),
            row, row, row, row, row,
        ],
        out_specs=pl.BlockSpec((RD, H), lambda i: (i, 0)),
        out_shape=jax.ShapeDtypeStruct((N, H), jnp.float32),
    )(h, parts, lp['W1'], lp['W2'], eps1, lp['b1'].reshape(1, H),
      lp['b2'].reshape(1, H), scale, lp['beta'].reshape(1, H))


def _head_body(ha_ref, hb_ref, huv_ref, wt2_ref, pt2_ref, tv_ref,
               ewus_ref, ewud_ref, ews_ref, ewd_ref, ewt_ref, eb1_ref,
               ew2_ref, eb2_ref,
               owus_ref, owud_ref, ows_ref, owd_ref, owt_ref, ob1_ref,
               ow2_ref, ob2_ref,
               op_ref, oo_ref):
    hu = huv_ref[0:1, :]
    hv = huv_ref[1:2, :]
    us = hu + hv
    ud = jnp.abs(hu - hv)
    tz = wt2_ref[...] * tv_ref[...] + pt2_ref[...]
    lane = lax.broadcasted_iota(jnp.int32, (1, H), 1)
    temb = jnp.where(lane < H // 2, jnp.sin(tz), jnp.cos(tz))

    def mm(a, w_ref):
        return jnp.dot(a, w_ref[...], preferred_element_type=jnp.float32)

    bias_e = eb1_ref[...] + mm(us, ewus_ref) + mm(ud, ewud_ref) + mm(temb, ewt_ref)
    bias_o = ob1_ref[...] + mm(us, owus_ref) + mm(ud, owud_ref) + mm(temb, owt_ref)

    a = ha_ref[...]
    b = hb_ref[...]
    s = a + b
    d = jnp.abs(a - b)
    ze = jnp.maximum(mm(s, ews_ref) + mm(d, ewd_ref) + bias_e, 0.0)
    op_ref[...] = (mm(ze, ew2_ref) + eb2_ref[...])[:, 0]
    zo = jnp.maximum(mm(s, ows_ref) + mm(d, owd_ref) + bias_o, 0.0)
    oo_ref[...] = mm(zo, ow2_ref) + ob2_ref[...]


def _tc_head(ha, hb, huv, t, params):
    wtcol = params['Wt'][:, 0]
    wt2 = jnp.concatenate([wtcol, wtcol]).reshape(1, H)
    pt2 = jnp.concatenate([params['Pt'], params['Pt']]).reshape(1, H)
    tv = jnp.broadcast_to(jnp.float32(t)[None, None], (1, H))
    ew = params['ep_W1']
    ow = params['or_W1']
    full = pl.BlockSpec((H, H), lambda i: (0, 0))
    row = pl.BlockSpec((1, H), lambda i: (0, 0))
    outs = pl.pallas_call(
        _head_body,
        grid=(C // RC,),
        in_specs=[
            pl.BlockSpec((RC, H), lambda i: (i, 0)),
            pl.BlockSpec((RC, H), lambda i: (i, 0)),
            pl.BlockSpec((2, H), lambda i: (0, 0)),
            row, row, row,
            full, full, full, full, full, row,
            pl.BlockSpec((H, 1), lambda i: (0, 0)),
            pl.BlockSpec((1, 1), lambda i: (0, 0)),
            full, full, full, full, full, row,
            pl.BlockSpec((H, 2), lambda i: (0, 0)),
            pl.BlockSpec((1, 2), lambda i: (0, 0)),
        ],
        out_specs=[
            pl.BlockSpec((RC,), lambda i: (i,)),
            pl.BlockSpec((RC, 2), lambda i: (i, 0)),
        ],
        out_shape=[
            jax.ShapeDtypeStruct((C,), jnp.float32),
            jax.ShapeDtypeStruct((C, 2), jnp.float32),
        ],
    )(ha, hb, huv, wt2, pt2, tv,
      ew[0:H], ew[H:2 * H], ew[2 * H:3 * H], ew[3 * H:4 * H], ew[4 * H:5 * H],
      params['ep_b1'].reshape(1, H), params['ep_W2'],
      params['ep_b2'].reshape(1, 1),
      ow[0:H], ow[H:2 * H], ow[2 * H:3 * H], ow[3 * H:4 * H], ow[4 * H:5 * H],
      params['or_b1'].reshape(1, H), params['or_W2'],
      params['or_b2'].reshape(1, 2))
    return outs


def kernel(x, edge_index, first_edge, candidate_edges, t, params):
    zeros = jnp.zeros((NPAD, H), jnp.float32)

    h = x
    for lp in params['layers']:
        parts = _sc_scatter_partials(h, edge_index, zeros)
        h = _tc_dense(h, parts, lp)

    ca = candidate_edges[:, 0]
    cb = candidate_edges[:, 1]
    ha, hb, huv = _sc_gather_pairs(h, ca, cb, first_edge)
    partner, orient = _tc_head(ha, hb, huv, t, params)
    return partner, orient

# --- scband reference (transcript-rebuilt; emitter-appended) ---
"""Pipeline reference for scband-graph-er-37443524886604 (READ-ONLY COPY).

The authoritative reference and input builder live on the scoring server;
editing this copy changes nothing except your own understanding.
"""

import jax, jax.numpy as jnp
import numpy as np

N_NODES = 10000
N_EDGES = 320000
IN_CH = 128
H = 128
N_LAYERS = 3
C = 4096
BN_EPS = 1e-5


def setup_inputs(seed: int = 0) -> dict:
    key = jax.random.key(seed)
    ks = jax.random.split(key, 64)
    x = jax.random.normal(ks[0], (N_NODES, IN_CH), dtype=jnp.float32)
    edge_index = jax.random.randint(ks[1], (2, N_EDGES), 0, N_NODES, dtype=jnp.int32)
    first_edge = jax.random.randint(ks[2], (2,), 0, N_NODES, dtype=jnp.int32)
    candidate_edges = jax.random.randint(ks[3], (C, 2), 0, N_NODES, dtype=jnp.int32)
    t = 10
    layers = []
    ki = 4
    for l in range(N_LAYERS):
        in_dim = IN_CH if l == 0 else H
        W1 = jax.random.normal(ks[ki], (in_dim, H), dtype=jnp.float32) * 0.05; ki += 1
        W2 = jax.random.normal(ks[ki], (H, H), dtype=jnp.float32) * 0.05; ki += 1
        layers.append({
            'W1': W1, 'b1': jnp.zeros((H,), jnp.float32),
            'W2': W2, 'b2': jnp.zeros((H,), jnp.float32),
            'eps': jnp.zeros((), jnp.float32),
            'gamma': jnp.ones((H,), jnp.float32),
            'beta': jnp.zeros((H,), jnp.float32),
        })
    params = {
        'layers': layers,
        'Wt': jax.random.normal(ks[ki], (H // 2, 1), dtype=jnp.float32) * 0.05,
        'Pt': jnp.zeros((H // 2,), jnp.float32),
        'ep_W1': jax.random.normal(ks[ki + 1], (H * 5, H), dtype=jnp.float32) * 0.05,
        'ep_b1': jnp.zeros((H,), jnp.float32),
        'ep_W2': jax.random.normal(ks[ki + 2], (H, 1), dtype=jnp.float32) * 0.05,
        'ep_b2': jnp.zeros((1,), jnp.float32),
        'or_W1': jax.random.normal(ks[ki + 3], (H * 5, H), dtype=jnp.float32) * 0.05,
        'or_b1': jnp.zeros((H,), jnp.float32),
        'or_W2': jax.random.normal(ks[ki + 4], (H, 2), dtype=jnp.float32) * 0.05,
        'or_b2': jnp.zeros((2,), jnp.float32),
    }
    return {'x': x, 'edge_index': edge_index, 'first_edge': first_edge,
            'candidate_edges': candidate_edges, 't': t, 'params': params}


def _forward(x, params, edge_index, first_edge, candidate_edges, t):
    src = edge_index[0]
    dst = edge_index[1]
    h = x
    for lp in params['layers']:
        # GINConv: nn1((1+eps)*x + sum_{j in N(i)} x_j) via scatter-add
        agg = jnp.zeros_like(h).at[dst].add(h[src])
        z = (1.0 + lp['eps']) * h + agg
        z = jnp.maximum(z @ lp['W1'] + lp['b1'], 0.0) @ lp['W2'] + lp['b2']
        # BatchNorm1d in eval mode (running_mean=0, running_var=1)
        z = z / jnp.sqrt(1.0 + BN_EPS) * lp['gamma'] + lp['beta']
        # dropout is identity in eval; residual proj is Identity (in_dim == out_dim)
        h = z + h
    hu = h[first_edge[0]]
    hv = h[first_edge[1]]
    uv = jnp.concatenate([hu + hv, jnp.abs(hu - hv)], axis=-1)  # (2H,)
    tz = params['Wt'][:, 0] * jnp.float32(t) + params['Pt']
    t_emb = jnp.concatenate([jnp.sin(tz), jnp.cos(tz)], axis=-1)  # (H,)
    ha = h[candidate_edges[:, 0]]
    hb = h[candidate_edges[:, 1]]
    xy = jnp.concatenate([ha + hb, jnp.abs(ha - hb)], axis=-1)  # (C, 2H)
    n_cand = xy.shape[0]
    Fmat = jnp.concatenate([
        jnp.broadcast_to(uv[None, :], (n_cand, uv.shape[0])),
        xy,
        jnp.broadcast_to(t_emb[None, :], (n_cand, t_emb.shape[0])),
    ], axis=-1)  # (C, 5H)
    partner_logits = (jnp.maximum(Fmat @ params['ep_W1'] + params['ep_b1'], 0.0) @ params['ep_W2'] + params['ep_b2'])[:, 0]
    orient_logits = jnp.maximum(Fmat @ params['or_W1'] + params['or_b1'], 0.0) @ params['or_W2'] + params['or_b2']
    return (partner_logits, orient_logits)


def reference(x, edge_index, first_edge, candidate_edges, t, params):
    return _forward(x, params, edge_index, first_edge, candidate_edges, t)

if __name__ == "__main__":
    import jax
    _d = setup_inputs()
    print(jax.jit(kernel)(*tuple(_d.values())))

</pallas_src>

<mosaic_0001>
#map = affine_map<(d0, d1) -> (0, 0)>
#map1 = affine_map<(d0, d1) -> (0, 0, 0)>
module attributes {stable_mosaic.version = 14 : i64} {
  func.func @scatter_kernel(%arg0: i32, %arg1: i32, %arg2: memref<10000x128xf32, #tpu.memory_space<hbm>>, %arg3: memref<2x320000xi32, #tpu.memory_space<hbm>>, %arg4: memref<10112x128xf32, #tpu.memory_space<hbm>>, %arg5: memref<2x10112x128xf32, #tpu.memory_space<hbm>>, %arg6: memref<2x128xi32, #tpu.memory_space<vmem>>, %arg7: memref<2x128xi32, #tpu.memory_space<vmem>>, %arg8: memref<128xi32, #tpu.memory_space<vmem>>, %arg9: memref<128xi32, #tpu.memory_space<vmem>>, %arg10: memref<128x128xf32, #tpu.memory_space<vmem>>, %arg11: memref<128x128xf32, #tpu.memory_space<vmem>>, %arg12: memref<10112x128xf32, #tpu.memory_space<vmem_shared>>, %arg13: memref<!tpu.dma_semaphore, #tpu.memory_space<semaphore_mem>>, %arg14: memref<!tpu.dma_semaphore, #tpu.memory_space<semaphore_mem>>, %arg15: memref<!tpu.dma_semaphore, #tpu.memory_space<semaphore_mem>>, %arg16: memref<!tpu.dma_semaphore, #tpu.memory_space<semaphore_mem>>) attributes {dimension_semantics = [#tpu.dimension_semantics<core_parallel>, #tpu.dimension_semantics<subcore_parallel>], iteration_bounds = array<i64: 2, 16>, scalar_prefetch = 0 : i64, scratch_operands = 11 : i64, tpu.core_type = #tpu.core_type<sc_vector_subcore>, window_params = [{transform_indices = #map}, {transform_indices = #map}, {transform_indices = #map}, {transform_indices = #map1}]} {
    %mul3A = arith.constant 2 : i32
    %mul3A_0 = arith.muli %arg1, %mul3A : i32
    %add3A = arith.addi %mul3A_0, %arg0 : i32
    %mul3A_1 = arith.constant 128 : i32
    %mul3A_2 = arith.muli %add3A, %mul3A_1 : i32
    "tpu.region"() ({
      %run_scoped3A = tpu.sem_alloc : memref<!tpu.dma_semaphore, #tpu.memory_space<semaphore_mem>>
      %dma_start3A_35 = arith.constant 0 : i32
      %dma_start3A_36 = tpu.memref_slice %arg3[%dma_start3A_35, %mul3A_2] : memref<2x320000xi32, #tpu.memory_space<hbm>> -> memref<2x128xi32, #tpu.memory_space<hbm>>
      %dma_start3A_37 = arith.constant 0 : i32
      %dma_start3A_38 = tpu.memref_slice %arg3[%dma_start3A_37, %mul3A_2] : memref<2x320000xi32, #tpu.memory_space<hbm>> -> memref<2x128xi32, #tpu.memory_space<hbm>>
      tpu.enqueue_dma source(%dma_start3A_38 : memref<2x128xi32, #tpu.memory_space<hbm>>) target(%arg6 : memref<2x128xi32, #tpu.memory_space<vmem>>) target_semaphore(%run_scoped3A : memref<!tpu.dma_semaphore, #tpu.memory_space<semaphore_mem>>)
      %dma_wait3A = arith.constant 0 : i32
      %dma_wait3A_39 = tpu.memref_slice %arg3[%dma_wait3A, %mul3A_2] : memref<2x320000xi32, #tpu.memory_space<hbm>> -> memref<2x128xi32, #tpu.memory_space<hbm>>
      %dma_wait3A_40 = arith.constant 0 : i32
      %dma_wait3A_41 = tpu.memref_slice %arg3[%dma_wait3A_40, %mul3A_2] : memref<2x320000xi32, #tpu.memory_space<hbm>> -> memref<2x128xi32, #tpu.memory_space<hbm>>
      tpu.wait_dma2 semaphore(%run_scoped3A : memref<!tpu.dma_semaphore, #tpu.memory_space<semaphore_mem>>) src(%dma_wait3A_41 : memref<2x128xi32, #tpu.memory_space<hbm>>) dst(%arg6 : memref<2x128xi32, #tpu.memory_space<vmem>>)
      tpu.yield
    }) : () -> ()
    %dma_start3A = arith.constant 0 : i32
    %dma_start3A_3 = arith.constant 0 : i32
    %dma_start3A_4 = tpu.memref_slice %arg6[%dma_start3A, %dma_start3A_3] : memref<2x128xi32, #tpu.memory_space<vmem>> -> memref<1x128xi32, #tpu.memory_space<vmem>>
    %dma_start3A_5 = tpu.memref_squeeze %dma_start3A_4 : memref<1x128xi32, #tpu.memory_space<vmem>> -> memref<128xi32, #tpu.memory_space<vmem>>
    %dma_start3A_6 = arith.constant 0 : i32
    %dma_start3A_7 = arith.constant 0 : i32
    %dma_start3A_8 = tpu.memref_slice %arg2[%dma_start3A_6, %dma_start3A_7] : memref<10000x128xf32, #tpu.memory_space<hbm>> -> memref<10000x128xf32, #tpu.memory_space<hbm>>
    tpu.enqueue_indirect_dma source(%dma_start3A_8 : memref<10000x128xf32, #tpu.memory_space<hbm>>) target(%arg10 : memref<128x128xf32, #tpu.memory_space<vmem>>) offsets(%dma_start3A_5 : memref<128xi32, #tpu.memory_space<vmem>>) semaphore(%arg13 : memref<!tpu.dma_semaphore, #tpu.memory_space<semaphore_mem>>)
    %add3A_9 = arith.constant 32 : i32
    %add3A_10 = arith.addi %add3A, %add3A_9 : i32
    %mul3A_11 = arith.constant 128 : i32
    %mul3A_12 = arith.muli %add3A_10, %mul3A_11 : i32
    "tpu.region"() ({
      %run_scoped3A = tpu.sem_alloc : memref<!tpu.dma_semaphore, #tpu.memory_space<semaphore_mem>>
      %dma_start3A_35 = arith.constant 0 : i32
      %dma_start3A_36 = tpu.memref_slice %arg3[%dma_start3A_35, %mul3A_12] : memref<2x320000xi32, #tpu.memory_space<hbm>> -> memref<2x128xi32, #tpu.memory_space<hbm>>
      %dma_start3A_37 = arith.constant 0 : i32
      %dma_start3A_38 = tpu.memref_slice %arg3[%dma_start3A_37, %mul3A_12] : memref<2x320000xi32, #tpu.memory_space<hbm>> -> memref<2x128xi32, #tpu.memory_space<hbm>>
      tpu.enqueue_dma source(%dma_start3A_38 : memref<2x128xi32, #tpu.memory_space<hbm>>) target(%arg7 : memref<2x128xi32, #tpu.memory_space<vmem>>) target_semaphore(%run_scoped3A : memref<!tpu.dma_semaphore, #tpu.memory_space<semaphore_mem>>)
      %dma_wait3A = arith.constant 0 : i32
      %dma_wait3A_39 = tpu.memref_slice %arg3[%dma_wait3A, %mul3A_12] : memref<2x320000xi32, #tpu.memory_space<hbm>> -> memref<2x128xi32, #tpu.memory_space<hbm>>
      %dma_wait3A_40 = arith.constant 0 : i32
      %dma_wait3A_41 = tpu.memref_slice %arg3[%dma_wait3A_40, %mul3A_12] : memref<2x320000xi32, #tpu.memory_space<hbm>> -> memref<2x128xi32, #tpu.memory_space<hbm>>
      tpu.wait_dma2 semaphore(%run_scoped3A : memref<!tpu.dma_semaphore, #tpu.memory_space<semaphore_mem>>) src(%dma_wait3A_41 : memref<2x128xi32, #tpu.memory_space<hbm>>) dst(%arg7 : memref<2x128xi32, #tpu.memory_space<vmem>>)
      tpu.yield
    }) : () -> ()
    %dma_start3A_13 = arith.constant 0 : i32
    %dma_start3A_14 = arith.constant 0 : i32
    %dma_start3A_15 = tpu.memref_slice %arg7[%dma_start3A_13, %dma_start3A_14] : memref<2x128xi32, #tpu.memory_space<vmem>> -> memref<1x128xi32, #tpu.memory_space<vmem>>
    %dma_start3A_16 = tpu.memref_squeeze %dma_start3A_15 : memref<1x128xi32, #tpu.memory_space<vmem>> -> memref<128xi32, #tpu.memory_space<vmem>>
    %dma_start3A_17 = arith.constant 0 : i32
    %dma_start3A_18 = arith.constant 0 : i32
    %dma_start3A_19 = tpu.memref_slice %arg2[%dma_start3A_17, %dma_start3A_18] : memref<10000x128xf32, #tpu.memory_space<hbm>> -> memref<10000x128xf32, #tpu.memory_space<hbm>>
    tpu.enqueue_indirect_dma source(%dma_start3A_19 : memref<10000x128xf32, #tpu.memory_space<hbm>>) target(%arg11 : memref<128x128xf32, #tpu.memory_space<vmem>>) offsets(%dma_start3A_16 : memref<128xi32, #tpu.memory_space<vmem>>) semaphore(%arg14 : memref<!tpu.dma_semaphore, #tpu.memory_space<semaphore_mem>>)
    %mul3A_20 = arith.constant 632 : i32
    %mul3A_21 = arith.muli %arg1, %mul3A_20 : i32
    %mul3A_22 = arith.constant 632 : i32
    %mul3A_23 = arith.muli %arg1, %mul3A_22 : i32
    "tpu.region"() ({
      %run_scoped3A = tpu.sem_alloc : memref<!tpu.dma_semaphore, #tpu.memory_space<semaphore_mem>>
      %dma_start3A_35 = arith.constant 0 : i32
      %dma_start3A_36 = tpu.memref_slice %arg12[%mul3A_23, %dma_start3A_35] : memref<10112x128xf32, #tpu.memory_space<vmem_shared>> -> memref<632x128xf32, #tpu.memory_space<vmem_shared>>
      %dma_start3A_37 = arith.constant 0 : i32
      %dma_start3A_38 = tpu.memref_slice %arg4[%mul3A_21, %dma_start3A_37] : memref<10112x128xf32, #tpu.memory_space<hbm>> -> memref<632x128xf32, #tpu.memory_space<hbm>>
      tpu.enqueue_dma source(%dma_start3A_38 : memref<632x128xf32, #tpu.memory_space<hbm>>) target(%dma_start3A_36 : memref<632x128xf32, #tpu.memory_space<vmem_shared>>) target_semaphore(%run_scoped3A : memref<!tpu.dma_semaphore, #tpu.memory_space<semaphore_mem>>)
      %dma_wait3A = arith.constant 0 : i32
      %dma_wait3A_39 = tpu.memref_slice %arg12[%mul3A_23, %dma_wait3A] : memref<10112x128xf32, #tpu.memory_space<vmem_shared>> -> memref<632x128xf32, #tpu.memory_space<vmem_shared>>
      %dma_wait3A_40 = arith.constant 0 : i32
      %dma_wait3A_41 = tpu.memref_slice %arg4[%mul3A_21, %dma_wait3A_40] : memref<10112x128xf32, #tpu.memory_space<hbm>> -> memref<632x128xf32, #tpu.memory_space<hbm>>
      tpu.wait_dma2 semaphore(%run_scoped3A : memref<!tpu.dma_semaphore, #tpu.memory_space<semaphore_mem>>) src(%dma_wait3A_41 : memref<632x128xf32, #tpu.memory_space<hbm>>) dst(%dma_wait3A_39 : memref<632x128xf32, #tpu.memory_space<vmem_shared>>)
      tpu.yield
    }) : () -> ()
    %barrier3A = arith.constant 0 : index
    tpu.barrier barrier_id(%barrier3A)
    %scan3A = arith.constant 0 : i32
    %scan3A_24 = arith.constant 39 : i32
    %scan3A_25 = arith.addi %scan3A, %scan3A_24 : i32
    %scan3A_26 = arith.constant 1 : i32
    scf.for %scan3A_35 = %scan3A to %scan3A_25 step %scan3A_26  : i32 {
      %mul3A_36 = arith.constant 2 : i32
      %mul3A_37 = arith.muli %scan3A_35, %mul3A_36 : i32
      %add3A_38 = arith.constant 0 : i32
      %add3A_39 = arith.addi %add3A_38, %mul3A_37 : i32
      %add3A_40 = arith.constant 2 : i32
      %add3A_41 = arith.addi %add3A_39, %add3A_40 : i32
      %mul3A_42 = arith.constant 32 : i32
      %mul3A_43 = arith.muli %add3A_41, %mul3A_42 : i32
      %add3A_44 = arith.addi %add3A, %mul3A_43 : i32
      %mul3A_45 = arith.constant 128 : i32
      %mul3A_46 = arith.muli %add3A_44, %mul3A_45 : i32
      %add3A_47 = arith.constant 3 : i32
      %add3A_48 = arith.addi %add3A_39, %add3A_47 : i32
      %mul3A_49 = arith.constant 32 : i32
      %mul3A_50 = arith.muli %add3A_48, %mul3A_49 : i32
      %add3A_51 = arith.addi %add3A, %mul3A_50 : i32
      %mul3A_52 = arith.constant 128 : i32
      %mul3A_53 = arith.muli %add3A_51, %mul3A_52 : i32
      %dma_wait3A = arith.constant 0 : i32
      %dma_wait3A_54 = arith.constant 0 : i32
      %dma_wait3A_55 = tpu.memref_slice %arg6[%dma_wait3A, %dma_wait3A_54] : memref<2x128xi32, #tpu.memory_space<vmem>> -> memref<1x128xi32, #tpu.memory_space<vmem>>
      %dma_wait3A_56 = tpu.memref_squeeze %dma_wait3A_55 : memref<1x128xi32, #tpu.memory_space<vmem>> -> memref<128xi32, #tpu.memory_space<vmem>>
      %dma_wait3A_57 = arith.constant 0 : i32
      %dma_wait3A_58 = arith.constant 0 : i32
      %dma_wait3A_59 = tpu.memref_slice %arg2[%dma_wait3A_57, %dma_wait3A_58] : memref<10000x128xf32, #tpu.memory_space<hbm>> -> memref<10000x128xf32, #tpu.memory_space<hbm>>
      tpu.wait_indirect_dma semaphore(%arg13 : memref<!tpu.dma_semaphore, #tpu.memory_space<semaphore_mem>>) src(%dma_wait3A_59 : memref<10000x128xf32, #tpu.memory_space<hbm>>) dst(%arg10 : memref<128x128xf32, #tpu.memory_space<vmem>>)
      %get3A = arith.constant 1 : i32
      %get3A_60 = arith.index_cast %get3A : i32 to index
      %get3A_61 = arith.constant 0 : index
      %get3A_62 = tpu.vector_load %arg6[%get3A_60, %get3A_61] {strides = array<i32>} : memref<2x128xi32, #tpu.memory_space<vmem>>, vector<1x16xi32>,
      %get3A_63 = vector.shape_cast %get3A_62 : vector<1x16xi32> to vector<16xi32>
      %swap3A = arith.constant 0 : index
      %swap3A_64 = tpu.vector_load %arg8[%swap3A] {strides = array<i32>} : memref<128xi32, #tpu.memory_space<vmem>>, vector<16xi32>,
      %swap3A_65 = vector.shape_cast %swap3A_64 : vector<16xi32> to vector<16xi32>
      %swap3A_66 = vector.shape_cast %get3A_63 : vector<16xi32> to vector<16xi32>
      tpu.vector_store %arg8[%swap3A], %swap3A_66 {strides = array<i32>} : memref<128xi32, #tpu.memory_space<vmem>>, vector<16xi32>,
      %get3A_67 = arith.constant 1 : i32
      %get3A_68 = arith.index_cast %get3A_67 : i32 to index
      %get3A_69 = arith.constant 16 : index
      %get3A_70 = tpu.vector_load %arg6[%get3A_68, %get3A_69] {strides = array<i32>} : memref<2x128xi32, #tpu.memory_space<vmem>>, vector<1x16xi32>,
      %get3A_71 = vector.shape_cast %get3A_70 : vector<1x16xi32> to vector<16xi32>
      %swap3A_72 = arith.constant 16 : index
      %swap3A_73 = tpu.vector_load %arg8[%swap3A_72] {strides = array<i32>} : memref<128xi32, #tpu.memory_space<vmem>>, vector<16xi32>,
      %swap3A_74 = vector.shape_cast %swap3A_73 : vector<16xi32> to vector<16xi32>
      %swap3A_75 = vector.shape_cast %get3A_71 : vector<16xi32> to vector<16xi32>
      tpu.vector_store %arg8[%swap3A_72], %swap3A_75 {strides = array<i32>} : memref<128xi32, #tpu.memory_space<vmem>>, vector<16xi32>,
      %get3A_76 = arith.constant 1 : i32
      %get3A_77 = arith.index_cast %get3A_76 : i32 to index
      %get3A_78 = arith.constant 32 : index
      %get3A_79 = tpu.vector_load %arg6[%get3A_77, %get3A_78] {strides = array<i32>} : memref<2x128xi32, #tpu.memory_space<vmem>>, vector<1x16xi32>,
      %get3A_80 = vector.shape_cast %get3A_79 : vector<1x16xi32> to vector<16xi32>
      %swap3A_81 = arith.constant 32 : index
      %swap3A_82 = tpu.vector_load %arg8[%swap3A_81] {strides = array<i32>} : memref<128xi32, #tpu.memory_space<vmem>>, vector<16xi32>,
      %swap3A_83 = vector.shape_cast %swap3A_82 : vector<16xi32> to vector<16xi32>
      %swap3A_84 = vector.shape_cast %get3A_80 : vector<16xi32> to vector<16xi32>
      tpu.vector_store %arg8[%swap3A_81], %swap3A_84 {strides = array<i32>} : memref<128xi32, #tpu.memory_space<vmem>>, vector<16xi32>,
      %get3A_85 = arith.constant 1 : i32
      %get3A_86 = arith.index_cast %get3A_85 : i32 to index
      %get3A_87 = arith.constant 48 : index
      %get3A_88 = tpu.vector_load %arg6[%get3A_86, %get3A_87] {strides = array<i32>} : memref<2x128xi32, #tpu.memory_space<vmem>>, vector<1x16xi32>,
      %get3A_89 = vector.shape_cast %get3A_88 : vector<1x16xi32> to vector<16xi32>
      %swap3A_90 = arith.constant 48 : index
      %swap3A_91 = tpu.vector_load %arg8[%swap3A_90] {strides = array<i32>} : memref<128xi32, #tpu.memory_space<vmem>>, vector<16xi32>,
      %swap3A_92 = vector.shape_cast %swap3A_91 : vector<16xi32> to vector<16xi32>
      %swap3A_93 = vector.shape_cast %get3A_89 : vector<16xi32> to vector<16xi32>
      tpu.vector_store %arg8[%swap3A_90], %swap3A_93 {strides = array<i32>} : memref<128xi32, #tpu.memory_space<vmem>>, vector<16xi32>,
      %get3A_94 = arith.constant 1 : i32
      %get3A_95 = arith.index_cast %get3A_94 : i32 to index
      %get3A_96 = arith.constant 64 : index
      %get3A_97 = tpu.vector_load %arg6[%get3A_95, %get3A_96] {strides = array<i32>} : memref<2x128xi32, #tpu.memory_space<vmem>>, vector<1x16xi32>,
      %get3A_98 = vector.shape_cast %get3A_97 : vector<1x16xi32> to vector<16xi32>
      %swap3A_99 = arith.constant 64 : index
      %swap3A_100 = tpu.vector_load %arg8[%swap3A_99] {strides = array<i32>} : memref<128xi32, #tpu.memory_space<vmem>>, vector<16xi32>,
      %swap3A_101 = vector.shape_cast %swap3A_100 : vector<16xi32> to vector<16xi32>
      %swap3A_102 = vector.shape_cast %get3A_98 : vector<16xi32> to vector<16xi32>
      tpu.vector_store %arg8[%swap3A_99], %swap3A_102 {strides = array<i32>} : memref<128xi32, #tpu.memory_space<vmem>>, vector<16xi32>,
      %get3A_103 = arith.constant 1 : i32
      %get3A_104 = arith.index_cast %get3A_103 : i32 to index
      %get3A_105 = arith.constant 80 : index
      %get3A_106 = tpu.vector_load %arg6[%get3A_104, %get3A_105] {strides = array<i32>} : memref<2x128xi32, #tpu.memory_space<vmem>>, vector<1x16xi32>,
      %get3A_107 = vector.shape_cast %get3A_106 : vector<1x16xi32> to vector<16xi32>
      %swap3A_108 = arith.constant 80 : index
      %swap3A_109 = tpu.vector_load %arg8[%swap3A_108] {strides = array<i32>} : memref<128xi32, #tpu.memory_space<vmem>>, vector<16xi32>,
      %swap3A_110 = vector.shape_cast %swap3A_109 : vector<16xi32> to vector<16xi32>
      %swap3A_111 = vector.shape_cast %get3A_107 : vector<16xi32> to vector<16xi32>
      tpu.vector_store %arg8[%swap3A_108], %swap3A_111 {strides = array<i32>} : memref<128xi32, #tpu.memory_space<vmem>>, vector<16xi32>,
      %get3A_112 = arith.constant 1 : i32
      %get3A_113 = arith.index_cast %get3A_112 : i32 to index
      %get3A_114 = arith.constant 96 : index
      %get3A_115 = tpu.vector_load %arg6[%get3A_113, %get3A_114] {strides = array<i32>} : memref<2x128xi32, #tpu.memory_space<vmem>>, vector<1x16xi32>,
      %get3A_116 = vector.shape_cast %get3A_115 : vector<1x16xi32> to vector<16xi32>
      %swap3A_117 = arith.constant 96 : index
      %swap3A_118 = tpu.vector_load %arg8[%swap3A_117] {strides = array<i32>} : memref<128xi32, #tpu.memory_space<vmem>>, vector<16xi32>,
      %swap3A_119 = vector.shape_cast %swap3A_118 : vector<16xi32> to vector<16xi32>
      %swap3A_120 = vector.shape_cast %get3A_116 : vector<16xi32> to vector<16xi32>
      tpu.vector_store %arg8[%swap3A_117], %swap3A_120 {strides = array<i32>} : memref<128xi32, #tpu.memory_space<vmem>>, vector<16xi32>,
      %get3A_121 = arith.constant 1 : i32
      %get3A_122 = arith.index_cast %get3A_121 : i32 to index
      %get3A_123 = arith.constant 112 : index
      %get3A_124 = tpu.vector_load %arg6[%get3A_122, %get3A_123] {strides = array<i32>} : memref<2x128xi32, #tpu.memory_space<vmem>>, vector<1x16xi32>,
      %get3A_125 = vector.shape_cast %get3A_124 : vector<1x16xi32> to vector<16xi32>
      %swap3A_126 = arith.constant 112 : index
      %swap3A_127 = tpu.vector_load %arg8[%swap3A_126] {strides = array<i32>} : memref<128xi32, #tpu.memory_space<vmem>>, vector<16xi32>,
      %swap3A_128 = vector.shape_cast %swap3A_127 : vector<16xi32> to vector<16xi32>
      %swap3A_129 = vector.shape_cast %get3A_125 : vector<16xi32> to vector<16xi32>
      tpu.vector_store %arg8[%swap3A_126], %swap3A_129 {strides = array<i32>} : memref<128xi32, #tpu.memory_space<vmem>>, vector<16xi32>,
      %add3A_130 = arith.constant 2 : i32
      %add3A_131 = arith.addi %add3A_39, %add3A_130 : i32
      %lt3A_132 = arith.constant 78 : i32
      %lt3A_133 = arith.cmpi slt, %add3A_131, %lt3A_132 : i32
      %convert_element_type3A_134 = arith.extui %lt3A_133 : i1 to i32
      %cond3A_135 = arith.constant 0 : i32
      %cond3A_136 = arith.cmpi ne, %convert_element_type3A_134, %cond3A_135 : i32
      scf.if %cond3A_136 {
        %dma_start3A_237 = arith.constant 0 : i32
        %dma_start3A_238 = tpu.memref_slice %arg3[%dma_start3A_237, %mul3A_46] : memref<2x320000xi32, #tpu.memory_space<hbm>> -> memref<2x128xi32, #tpu.memory_space<hbm>>
        %dma_start3A_239 = arith.constant 0 : i32
        %dma_start3A_240 = tpu.memref_slice %arg3[%dma_start3A_239, %mul3A_46] : memref<2x320000xi32, #tpu.memory_space<hbm>> -> memref<2x128xi32, #tpu.memory_space<hbm>>
        tpu.enqueue_dma source(%dma_start3A_240 : memref<2x128xi32, #tpu.memory_space<hbm>>) target(%arg6 : memref<2x128xi32, #tpu.memory_space<vmem>>) target_semaphore(%arg15 : memref<!tpu.dma_semaphore, #tpu.memory_space<semaphore_mem>>)
      } else {
      }
      "tpu.region"() ({
        %run_scoped3A = tpu.sem_alloc : memref<!tpu.dma_semaphore, #tpu.memory_space<semaphore_mem>>
        %dma_start3A_237 = arith.constant 0 : i32
        %dma_start3A_238 = arith.constant 0 : i32
        %dma_start3A_239 = tpu.memref_slice %arg12[%dma_start3A_237, %dma_start3A_238] : memref<10112x128xf32, #tpu.memory_space<vmem_shared>> -> memref<10112x128xf32, #tpu.memory_space<vmem_shared>>
        tpu.enqueue_indirect_dma source(%arg10 : memref<128x128xf32, #tpu.memory_space<vmem>>) target(%dma_start3A_239 : memref<10112x128xf32, #tpu.memory_space<vmem_shared>>) offsets(%arg8 : memref<128xi32, #tpu.memory_space<vmem>>) semaphore(%run_scoped3A : memref<!tpu.dma_semaphore, #tpu.memory_space<semaphore_mem>>) {add = true}
        %dma_wait3A_240 = arith.constant 0 : i32
        %dma_wait3A_241 = arith.constant 0 : i32
        %dma_wait3A_242 = tpu.memref_slice %arg12[%dma_wait3A_240, %dma_wait3A_241] : memref<10112x128xf32, #tpu.memory_space<vmem_shared>> -> memref<10112x128xf32, #tpu.memory_space<vmem_shared>>
        tpu.wait_indirect_dma semaphore(%run_scoped3A : memref<!tpu.dma_semaphore, #tpu.memory_space<semaphore_mem>>) src(%arg10 : memref<128x128xf32, #tpu.memory_space<vmem>>) dst(%dma_wait3A_242 : memref<10112x128xf32, #tpu.memory_space<vmem_shared>>)
        tpu.yield
      }) : () -> ()
      %add3A_137 = arith.constant 2 : i32
      %add3A_138 = arith.addi %add3A_39, %add3A_137 : i32
      %lt3A_139 = arith.constant 78 : i32
      %lt3A_140 = arith.cmpi slt, %add3A_138, %lt3A_139 : i32
      %convert_element_type3A_141 = arith.extui %lt3A_140 : i1 to i32
      %cond3A_142 = arith.constant 0 : i32
      %cond3A_143 = arith.cmpi ne, %convert_element_type3A_141, %cond3A_142 : i32
      scf.if %cond3A_143 {
        %dma_wait3A_237 = arith.constant 0 : i32
        %dma_wait3A_238 = tpu.memref_slice %arg3[%dma_wait3A_237, %mul3A_46] : memref<2x320000xi32, #tpu.memory_space<hbm>> -> memref<2x128xi32, #tpu.memory_space<hbm>>
        %dma_wait3A_239 = arith.constant 0 : i32
        %dma_wait3A_240 = tpu.memref_slice %arg3[%dma_wait3A_239, %mul3A_46] : memref<2x320000xi32, #tpu.memory_space<hbm>> -> memref<2x128xi32, #tpu.memory_space<hbm>>
        tpu.wait_dma2 semaphore(%arg15 : memref<!tpu.dma_semaphore, #tpu.memory_space<semaphore_mem>>) src(%dma_wait3A_240 : memref<2x128xi32, #tpu.memory_space<hbm>>) dst(%arg6 : memref<2x128xi32, #tpu.memory_space<vmem>>)
        %dma_start3A_241 = arith.constant 0 : i32
        %dma_start3A_242 = arith.constant 0 : i32
        %dma_start3A_243 = tpu.memref_slice %arg6[%dma_start3A_241, %dma_start3A_242] : memref<2x128xi32, #tpu.memory_space<vmem>> -> memref<1x128xi32, #tpu.memory_space<vmem>>
        %dma_start3A_244 = tpu.memref_squeeze %dma_start3A_243 : memref<1x128xi32, #tpu.memory_space<vmem>> -> memref<128xi32, #tpu.memory_space<vmem>>
        %dma_start3A_245 = arith.constant 0 : i32
        %dma_start3A_246 = arith.constant 0 : i32
        %dma_start3A_247 = tpu.memref_slice %arg2[%dma_start3A_245, %dma_start3A_246] : memref<10000x128xf32, #tpu.memory_space<hbm>> -> memref<10000x128xf32, #tpu.memory_space<hbm>>
        tpu.enqueue_indirect_dma source(%dma_start3A_247 : memref<10000x128xf32, #tpu.memory_space<hbm>>) target(%arg10 : memref<128x128xf32, #tpu.memory_space<vmem>>) offsets(%dma_start3A_244 : memref<128xi32, #tpu.memory_space<vmem>>) semaphore(%arg13 : memref<!tpu.dma_semaphore, #tpu.memory_space<semaphore_mem>>)
      } else {
      }
      %dma_wait3A_144 = arith.constant 0 : i32
      %dma_wait3A_145 = arith.constant 0 : i32
      %dma_wait3A_146 = tpu.memref_slice %arg7[%dma_wait3A_144, %dma_wait3A_145] : memref<2x128xi32, #tpu.memory_space<vmem>> -> memref<1x128xi32, #tpu.memory_space<vmem>>
      %dma_wait3A_147 = tpu.memref_squeeze %dma_wait3A_146 : memref<1x128xi32, #tpu.memory_space<vmem>> -> memref<128xi32, #tpu.memory_space<vmem>>
      %dma_wait3A_148 = arith.constant 0 : i32
      %dma_wait3A_149 = arith.constant 0 : i32
      %dma_wait3A_150 = tpu.memref_slice %arg2[%dma_wait3A_148, %dma_wait3A_149] : memref<10000x128xf32, #tpu.memory_space<hbm>> -> memref<10000x128xf32, #tpu.memory_space<hbm>>
      tpu.wait_indirect_dma semaphore(%arg14 : memref<!tpu.dma_semaphore, #tpu.memory_space<semaphore_mem>>) src(%dma_wait3A_150 : memref<10000x128xf32, #tpu.memory_space<hbm>>) dst(%arg11 : memref<128x128xf32, #tpu.memory_space<vmem>>)
      %get3A_151 = arith.constant 1 : i32
      %get3A_152 = arith.index_cast %get3A_151 : i32 to index
      %get3A_153 = arith.constant 0 : index
      %get3A_154 = tpu.vector_load %arg7[%get3A_152, %get3A_153] {strides = array<i32>} : memref<2x128xi32, #tpu.memory_space<vmem>>, vector<1x16xi32>,
      %get3A_155 = vector.shape_cast %get3A_154 : vector<1x16xi32> to vector<16xi32>
      %swap3A_156 = arith.constant 0 : index
      %swap3A_157 = tpu.vector_load %arg9[%swap3A_156] {strides = array<i32>} : memref<128xi32, #tpu.memory_space<vmem>>, vector<16xi32>,
      %swap3A_158 = vector.shape_cast %swap3A_157 : vector<16xi32> to vector<16xi32>
      %swap3A_159 = vector.shape_cast %get3A_155 : vector<16xi32> to vector<16xi32>
      tpu.vector_store %arg9[%swap3A_156], %swap3A_159 {strides = array<i32>} : memref<128xi32, #tpu.memory_space<vmem>>, vector<16xi32>,
      %get3A_160 = arith.constant 1 : i32
      %get3A_161 = arith.index_cast %get3A_160 : i32 to index
      %get3A_162 = arith.constant 16 : index
      %get3A_163 = tpu.vector_load %arg7[%get3A_161, %get3A_162] {strides = array<i32>} : memref<2x128xi32, #tpu.memory_space<vmem>>, vector<1x16xi32>,
      %get3A_164 = vector.shape_cast %get3A_163 : vector<1x16xi32> to vector<16xi32>
      %swap3A_165 = arith.constant 16 : index
      %swap3A_166 = tpu.vector_load %arg9[%swap3A_165] {strides = array<i32>} : memref<128xi32, #tpu.memory_space<vmem>>, vector<16xi32>,
      %swap3A_167 = vector.shape_cast %swap3A_166 : vector<16xi32> to vector<16xi32>
      %swap3A_168 = vector.shape_cast %get3A_164 : vector<16xi32> to vector<16xi32>
      tpu.vector_store %arg9[%swap3A_165], %swap3A_168 {strides = array<i32>} : memref<128xi32, #tpu.memory_space<vmem>>, vector<16xi32>,
      %get3A_169 = arith.constant 1 : i32
      %get3A_170 = arith.index_cast %get3A_169 : i32 to index
      %get3A_171 = arith.constant 32 : index
      %get3A_172 = tpu.vector_load %arg7[%get3A_170, %get3A_171] {strides = array<i32>} : memref<2x128xi32, #tpu.memory_space<vmem>>, vector<1x16xi32>,
      %get3A_173 = vector.shape_cast %get3A_172 : vector<1x16xi32> to vector<16xi32>
      %swap3A_174 = arith.constant 32 : index
      %swap3A_175 = tpu.vector_load %arg9[%swap3A_174] {strides = array<i32>} : memref<128xi32, #tpu.memory_space<vmem>>, vector<16xi32>,
      %swap3A_176 = vector.shape_cast %swap3A_175 : vector<16xi32> to vector<16xi32>
      %swap3A_177 = vector.shape_cast %get3A_173 : vector<16xi32> to vector<16xi32>
      tpu.vector_store %arg9[%swap3A_174], %swap3A_177 {strides = array<i32>} : memref<128xi32, #tpu.memory_space<vmem>>, vector<16xi32>,
      %get3A_178 = arith.constant 1 : i32
      %get3A_179 = arith.index_cast %get3A_178 : i32 to index
      %get3A_180 = arith.constant 48 : index
      %get3A_181 = tpu.vector_load %arg7[%get3A_179, %get3A_180] {strides = array<i32>} : memref<2x128xi32, #tpu.memory_space<vmem>>, vector<1x16xi32>,
      %get3A_182 = vector.shape_cast %get3A_181 : vector<1x16xi32> to vector<16xi32>
      %swap3A_183 = arith.constant 48 : index
      %swap3A_184 = tpu.vector_load %arg9[%swap3A_183] {strides = array<i32>} : memref<128xi32, #tpu.memory_space<vmem>>, vector<16xi32>,
      %swap3A_185 = vector.shape_cast %swap3A_184 : vector<16xi32> to vector<16xi32>
      %swap3A_186 = vector.shape_cast %get3A_182 : vector<16xi32> to vector<16xi32>
      tpu.vector_store %arg9[%swap3A_183], %swap3A_186 {strides = array<i32>} : memref<128xi32, #tpu.memory_space<vmem>>, vector<16xi32>,
      %get3A_187 = arith.constant 1 : i32
      %get3A_188 = arith.index_cast %get3A_187 : i32 to index
      %get3A_189 = arith.constant 64 : index
      %get3A_190 = tpu.vector_load %arg7[%get3A_188, %get3A_189] {strides = array<i32>} : memref<2x128xi32, #tpu.memory_space<vmem>>, vector<1x16xi32>,
      %get3A_191 = vector.shape_cast %get3A_190 : vector<1x16xi32> to vector<16xi32>
      %swap3A_192 = arith.constant 64 : index
      %swap3A_193 = tpu.vector_load %arg9[%swap3A_192] {strides = array<i32>} : memref<128xi32, #tpu.memory_space<vmem>>, vector<16xi32>,
      %swap3A_194 = vector.shape_cast %swap3A_193 : vector<16xi32> to vector<16xi32>
      %swap3A_195 = vector.shape_cast %get3A_191 : vector<16xi32> to vector<16xi32>
      tpu.vector_store %arg9[%swap3A_192], %swap3A_195 {strides = array<i32>} : memref<128xi32, #tpu.memory_space<vmem>>, vector<16xi32>,
      %get3A_196 = arith.constant 1 : i32
      %get3A_197 = arith.index_cast %get3A_196 : i32 to index
      %get3A_198 = arith.constant 80 : index
      %get3A_199 = tpu.vector_load %arg7[%get3A_197, %get3A_198] {strides = array<i32>} : memref<2x128xi32, #tpu.memory_space<vmem>>, vector<1x16xi32>,
      %get3A_200 = vector.shape_cast %get3A_199 : vector<1x16xi32> to vector<16xi32>
      %swap3A_201 = arith.constant 80 : index
      %swap3A_202 = tpu.vector_load %arg9[%swap3A_201] {strides = array<i32>} : memref<128xi32, #tpu.memory_space<vmem>>, vector<16xi32>,
      %swap3A_203 = vector.shape_cast %swap3A_202 : vector<16xi32> to vector<16xi32>
      %swap3A_204 = vector.shape_cast %get3A_200 : vector<16xi32> to vector<16xi32>
      tpu.vector_store %arg9[%swap3A_201], %swap3A_204 {strides = array<i32>} : memref<128xi32, #tpu.memory_space<vmem>>, vector<16xi32>,
      %get3A_205 = arith.constant 1 : i32
      %get3A_206 = arith.index_cast %get3A_205 : i32 to index
      %get3A_207 = arith.constant 96 : index
      %get3A_208 = tpu.vector_load %arg7[%get3A_206, %get3A_207] {strides = array<i32>} : memref<2x128xi32, #tpu.memory_space<vmem>>, vector<1x16xi32>,
      %get3A_209 = vector.shape_cast %get3A_208 : vector<1x16xi32> to vector<16xi32>
      %swap3A_210 = arith.constant 96 : index
      %swap3A_211 = tpu.vector_load %arg9[%swap3A_210] {strides = array<i32>} : memref<128xi32, #tpu.memory_space<vmem>>, vector<16xi32>,
      %swap3A_212 = vector.shape_cast %swap3A_211 : vector<16xi32> to vector<16xi32>
      %swap3A_213 = vector.shape_cast %get3A_209 : vector<16xi32> to vector<16xi32>
      tpu.vector_store %arg9[%swap3A_210], %swap3A_213 {strides = array<i32>} : memref<128xi32, #tpu.memory_space<vmem>>, vector<16xi32>,
      %get3A_214 = arith.constant 1 : i32
      %get3A_215 = arith.index_cast %get3A_214 : i32 to index
      %get3A_216 = arith.constant 112 : index
      %get3A_217 = tpu.vector_load %arg7[%get3A_215, %get3A_216] {strides = array<i32>} : memref<2x128xi32, #tpu.memory_space<vmem>>, vector<1x16xi32>,
      %get3A_218 = vector.shape_cast %get3A_217 : vector<1x16xi32> to vector<16xi32>
      %swap3A_219 = arith.constant 112 : index
      %swap3A_220 = tpu.vector_load %arg9[%swap3A_219] {strides = array<i32>} : memref<128xi32, #tpu.memory_space<vmem>>, vector<16xi32>,
      %swap3A_221 = vector.shape_cast %swap3A_220 : vector<16xi32> to vector<16xi32>
      %swap3A_222 = vector.shape_cast %get3A_218 : vector<16xi32> to vector<16xi32>
      tpu.vector_store %arg9[%swap3A_219], %swap3A_222 {strides = array<i32>} : memref<128xi32, #tpu.memory_space<vmem>>, vector<16xi32>,
      %add3A_223 = arith.constant 3 : i32
      %add3A_224 = arith.addi %add3A_39, %add3A_223 : i32
      %lt3A_225 = arith.constant 78 : i32
      %lt3A_226 = arith.cmpi slt, %add3A_224, %lt3A_225 : i32
      %convert_element_type3A_227 = arith.extui %lt3A_226 : i1 to i32
      %cond3A_228 = arith.constant 0 : i32
      %cond3A_229 = arith.cmpi ne, %convert_element_type3A_227, %cond3A_228 : i32
      scf.if %cond3A_229 {
        %dma_start3A_237 = arith.constant 0 : i32
        %dma_start3A_238 = tpu.memref_slice %arg3[%dma_start3A_237, %mul3A_53] : memref<2x320000xi32, #tpu.memory_space<hbm>> -> memref<2x128xi32, #tpu.memory_space<hbm>>
        %dma_start3A_239 = arith.constant 0 : i32
        %dma_start3A_240 = tpu.memref_slice %arg3[%dma_start3A_239, %mul3A_53] : memref<2x320000xi32, #tpu.memory_space<hbm>> -> memref<2x128xi32, #tpu.memory_space<hbm>>
        tpu.enqueue_dma source(%dma_start3A_240 : memref<2x128xi32, #tpu.memory_space<hbm>>) target(%arg7 : memref<2x128xi32, #tpu.memory_space<vmem>>) target_semaphore(%arg16 : memref<!tpu.dma_semaphore, #tpu.memory_space<semaphore_mem>>)
      } else {
      }
      "tpu.region"() ({
        %run_scoped3A = tpu.sem_alloc : memref<!tpu.dma_semaphore, #tpu.memory_space<semaphore_mem>>
        %dma_start3A_237 = arith.constant 0 : i32
        %dma_start3A_238 = arith.constant 0 : i32
        %dma_start3A_239 = tpu.memref_slice %arg12[%dma_start3A_237, %dma_start3A_238] : memref<10112x128xf32, #tpu.memory_space<vmem_shared>> -> memref<10112x128xf32, #tpu.memory_space<vmem_shared>>
        tpu.enqueue_indirect_dma source(%arg11 : memref<128x128xf32, #tpu.memory_space<vmem>>) target(%dma_start3A_239 : memref<10112x128xf32, #tpu.memory_space<vmem_shared>>) offsets(%arg9 : memref<128xi32, #tpu.memory_space<vmem>>) semaphore(%run_scoped3A : memref<!tpu.dma_semaphore, #tpu.memory_space<semaphore_mem>>) {add = true}
        %dma_wait3A_240 = arith.constant 0 : i32
        %dma_wait3A_241 = arith.constant 0 : i32
        %dma_wait3A_242 = tpu.memref_slice %arg12[%dma_wait3A_240, %dma_wait3A_241] : memref<10112x128xf32, #tpu.memory_space<vmem_shared>> -> memref<10112x128xf32, #tpu.memory_space<vmem_shared>>
        tpu.wait_indirect_dma semaphore(%run_scoped3A : memref<!tpu.dma_semaphore, #tpu.memory_space<semaphore_mem>>) src(%arg11 : memref<128x128xf32, #tpu.memory_space<vmem>>) dst(%dma_wait3A_242 : memref<10112x128xf32, #tpu.memory_space<vmem_shared>>)
        tpu.yield
      }) : () -> ()
      %add3A_230 = arith.constant 3 : i32
      %add3A_231 = arith.addi %add3A_39, %add3A_230 : i32
      %lt3A_232 = arith.constant 78 : i32
      %lt3A_233 = arith.cmpi slt, %add3A_231, %lt3A_232 : i32
      %convert_element_type3A_234 = arith.extui %lt3A_233 : i1 to i32
      %cond3A_235 = arith.constant 0 : i32
      %cond3A_236 = arith.cmpi ne, %convert_element_type3A_234, %cond3A_235 : i32
      scf.if %cond3A_236 {
        %dma_wait3A_237 = arith.constant 0 : i32
        %dma_wait3A_238 = tpu.memref_slice %arg3[%dma_wait3A_237, %mul3A_53] : memref<2x320000xi32, #tpu.memory_space<hbm>> -> memref<2x128xi32, #tpu.memory_space<hbm>>
        %dma_wait3A_239 = arith.constant 0 : i32
        %dma_wait3A_240 = tpu.memref_slice %arg3[%dma_wait3A_239, %mul3A_53] : memref<2x320000xi32, #tpu.memory_space<hbm>> -> memref<2x128xi32, #tpu.memory_space<hbm>>
        tpu.wait_dma2 semaphore(%arg16 : memref<!tpu.dma_semaphore, #tpu.memory_space<semaphore_mem>>) src(%dma_wait3A_240 : memref<2x128xi32, #tpu.memory_space<hbm>>) dst(%arg7 : memref<2x128xi32, #tpu.memory_space<vmem>>)
        %dma_start3A_241 = arith.constant 0 : i32
        %dma_start3A_242 = arith.constant 0 : i32
        %dma_start3A_243 = tpu.memref_slice %arg7[%dma_start3A_241, %dma_start3A_242] : memref<2x128xi32, #tpu.memory_space<vmem>> -> memref<1x128xi32, #tpu.memory_space<vmem>>
        %dma_start3A_244 = tpu.memref_squeeze %dma_start3A_243 : memref<1x128xi32, #tpu.memory_space<vmem>> -> memref<128xi32, #tpu.memory_space<vmem>>
        %dma_start3A_245 = arith.constant 0 : i32
        %dma_start3A_246 = arith.constant 0 : i32
        %dma_start3A_247 = tpu.memref_slice %arg2[%dma_start3A_245, %dma_start3A_246] : memref<10000x128xf32, #tpu.memory_space<hbm>> -> memref<10000x128xf32, #tpu.memory_space<hbm>>
        tpu.enqueue_indirect_dma source(%dma_start3A_247 : memref<10000x128xf32, #tpu.memory_space<hbm>>) target(%arg11 : memref<128x128xf32, #tpu.memory_space<vmem>>) offsets(%dma_start3A_244 : memref<128xi32, #tpu.memory_space<vmem>>) semaphore(%arg14 : memref<!tpu.dma_semaphore, #tpu.memory_space<semaphore_mem>>)
      } else {
      }
    }
    %scan3A_27 = arith.constant 39 : i32
    %lt3A = arith.constant 4 : i32
    %lt3A_28 = arith.cmpi slt, %add3A, %lt3A : i32
    %convert_element_type3A = arith.extui %lt3A_28 : i1 to i32
    %cond3A = arith.constant 0 : i32
    %cond3A_29 = arith.cmpi ne, %convert_element_type3A, %cond3A : i32
    scf.if %cond3A_29 {
      %add3A_35 = arith.constant 2496 : i32
      %add3A_36 = arith.addi %add3A_35, %add3A : i32
      %mul3A_37 = arith.constant 128 : i32
      %mul3A_38 = arith.muli %add3A_36, %mul3A_37 : i32
      "tpu.region"() ({
        %run_scoped3A_52 = tpu.sem_alloc : memref<!tpu.dma_semaphore, #tpu.memory_space<semaphore_mem>>
        %dma_start3A_53 = arith.constant 0 : i32
        %dma_start3A_54 = tpu.memref_slice %arg3[%dma_start3A_53, %mul3A_38] : memref<2x320000xi32, #tpu.memory_space<hbm>> -> memref<2x128xi32, #tpu.memory_space<hbm>>
        %dma_start3A_55 = arith.constant 0 : i32
        %dma_start3A_56 = tpu.memref_slice %arg3[%dma_start3A_55, %mul3A_38] : memref<2x320000xi32, #tpu.memory_space<hbm>> -> memref<2x128xi32, #tpu.memory_space<hbm>>
        tpu.enqueue_dma source(%dma_start3A_56 : memref<2x128xi32, #tpu.memory_space<hbm>>) target(%arg6 : memref<2x128xi32, #tpu.memory_space<vmem>>) target_semaphore(%run_scoped3A_52 : memref<!tpu.dma_semaphore, #tpu.memory_space<semaphore_mem>>)
        %dma_wait3A_57 = arith.constant 0 : i32
        %dma_wait3A_58 = tpu.memref_slice %arg3[%dma_wait3A_57, %mul3A_38] : memref<2x320000xi32, #tpu.memory_space<hbm>> -> memref<2x128xi32, #tpu.memory_space<hbm>>
        %dma_wait3A_59 = arith.constant 0 : i32
        %dma_wait3A_60 = tpu.memref_slice %arg3[%dma_wait3A_59, %mul3A_38] : memref<2x320000xi32, #tpu.memory_space<hbm>> -> memref<2x128xi32, #tpu.memory_space<hbm>>
        tpu.wait_dma2 semaphore(%run_scoped3A_52 : memref<!tpu.dma_semaphore, #tpu.memory_space<semaphore_mem>>) src(%dma_wait3A_60 : memref<2x128xi32, #tpu.memory_space<hbm>>) dst(%arg6 : memref<2x128xi32, #tpu.memory_space<vmem>>)
        tpu.yield
      }) : () -> ()
      %dma_start3A_39 = arith.constant 0 : i32
      %dma_start3A_40 = arith.constant 0 : i32
      %dma_start3A_41 = tpu.memref_slice %arg6[%dma_start3A_39, %dma_start3A_40] : memref<2x128xi32, #tpu.memory_space<vmem>> -> memref<1x128xi32, #tpu.memory_space<vmem>>
      %dma_start3A_42 = tpu.memref_squeeze %dma_start3A_41 : memref<1x128xi32, #tpu.memory_space<vmem>> -> memref<128xi32, #tpu.memory_space<vmem>>
      %dma_start3A_43 = arith.constant 0 : i32
      %dma_start3A_44 = arith.constant 0 : i32
      %dma_start3A_45 = tpu.memref_slice %arg2[%dma_start3A_43, %dma_start3A_44] : memref<10000x128xf32, #tpu.memory_space<hbm>> -> memref<10000x128xf32, #tpu.memory_space<hbm>>
      tpu.enqueue_indirect_dma source(%dma_start3A_45 : memref<10000x128xf32, #tpu.memory_space<hbm>>) target(%arg10 : memref<128x128xf32, #tpu.memory_space<vmem>>) offsets(%dma_start3A_42 : memref<128xi32, #tpu.memory_space<vmem>>) semaphore(%arg13 : memref<!tpu.dma_semaphore, #tpu.memory_space<semaphore_mem>>)
      %dma_wait3A = arith.constant 0 : i32
      %dma_wait3A_46 = arith.constant 0 : i32
      %dma_wait3A_47 = tpu.memref_slice %arg6[%dma_wait3A, %dma_wait3A_46] : memref<2x128xi32, #tpu.memory_space<vmem>> -> memref<1x128xi32, #tpu.memory_space<vmem>>
      %dma_wait3A_48 = tpu.memref_squeeze %dma_wait3A_47 : memref<1x128xi32, #tpu.memory_space<vmem>> -> memref<128xi32, #tpu.memory_space<vmem>>
      %dma_wait3A_49 = arith.constant 0 : i32
      %dma_wait3A_50 = arith.constant 0 : i32
      %dma_wait3A_51 = tpu.memref_slice %arg2[%dma_wait3A_49, %dma_wait3A_50] : memref<10000x128xf32, #tpu.memory_space<hbm>> -> memref<10000x128xf32, #tpu.memory_space<hbm>>
      tpu.wait_indirect_dma semaphore(%arg13 : memref<!tpu.dma_semaphore, #tpu.memory_space<semaphore_mem>>) src(%dma_wait3A_51 : memref<10000x128xf32, #tpu.memory_space<hbm>>) dst(%arg10 : memref<128x128xf32, #tpu.memory_space<vmem>>)
      %run_scoped3A = arith.constant 1 : i32
      "tpu.region"() ({
        %run_scoped3A_52 = tpu.sem_alloc : memref<!tpu.dma_semaphore, #tpu.memory_space<semaphore_mem>>
        %dma_start3A_53 = arith.constant 0 : i32
        %dma_start3A_54 = tpu.memref_slice %arg6[%run_scoped3A, %dma_start3A_53] : memref<2x128xi32, #tpu.memory_space<vmem>> -> memref<1x128xi32, #tpu.memory_space<vmem>>
        %dma_start3A_55 = tpu.memref_squeeze %dma_start3A_54 : memref<1x128xi32, #tpu.memory_space<vmem>> -> memref<128xi32, #tpu.memory_space<vmem>>
        %dma_start3A_56 = arith.constant 0 : i32
        %dma_start3A_57 = arith.constant 0 : i32
        %dma_start3A_58 = tpu.memref_slice %arg12[%dma_start3A_56, %dma_start3A_57] : memref<10112x128xf32, #tpu.memory_space<vmem_shared>> -> memref<10112x128xf32, #tpu.memory_space<vmem_shared>>
        tpu.enqueue_indirect_dma source(%arg10 : memref<128x128xf32, #tpu.memory_space<vmem>>) target(%dma_start3A_58 : memref<10112x128xf32, #tpu.memory_space<vmem_shared>>) offsets(%dma_start3A_55 : memref<128xi32, #tpu.memory_space<vmem>>) semaphore(%run_scoped3A_52 : memref<!tpu.dma_semaphore, #tpu.memory_space<semaphore_mem>>) {add = true}
        %dma_wait3A_59 = arith.constant 0 : i32
        %dma_wait3A_60 = tpu.memref_slice %arg6[%run_scoped3A, %dma_wait3A_59] : memref<2x128xi32, #tpu.memory_space<vmem>> -> memref<1x128xi32, #tpu.memory_space<vmem>>
        %dma_wait3A_61 = tpu.memref_squeeze %dma_wait3A_60 : memref<1x128xi32, #tpu.memory_space<vmem>> -> memref<128xi32, #tpu.memory_space<vmem>>
        %dma_wait3A_62 = arith.constant 0 : i32
        %dma_wait3A_63 = arith.constant 0 : i32
        %dma_wait3A_64 = tpu.memref_slice %arg12[%dma_wait3A_62, %dma_wait3A_63] : memref<10112x128xf32, #tpu.memory_space<vmem_shared>> -> memref<10112x128xf32, #tpu.memory_space<vmem_shared>>
        tpu.wait_indirect_dma semaphore(%run_scoped3A_52 : memref<!tpu.dma_semaphore, #tpu.memory_space<semaphore_mem>>) src(%arg10 : memref<128x128xf32, #tpu.memory_space<vmem>>) dst(%dma_wait3A_64 : memref<10112x128xf32, #tpu.memory_space<vmem_shared>>)
        tpu.yield
      }) : () -> ()
    } else {
    }
    %barrier3A_30 = arith.constant 0 : index
    tpu.barrier barrier_id(%barrier3A_30)
    %mul3A_31 = arith.constant 632 : i32
    %mul3A_32 = arith.muli %arg1, %mul3A_31 : i32
    %mul3A_33 = arith.constant 632 : i32
    %mul3A_34 = arith.muli %arg1, %mul3A_33 : i32
    "tpu.region"() ({
      %run_scoped3A = tpu.sem_alloc : memref<!tpu.dma_semaphore, #tpu.memory_space<semaphore_mem>>
      %dma_start3A_35 = arith.constant 0 : i32
      %dma_start3A_36 = tpu.memref_slice %arg5[%arg0, %mul3A_34, %dma_start3A_35] : memref<2x10112x128xf32, #tpu.memory_space<hbm>> -> memref<1x632x128xf32, #tpu.memory_space<hbm>>
      %dma_start3A_37 = tpu.memref_squeeze %dma_start3A_36 : memref<1x632x128xf32, #tpu.memory_space<hbm>> -> memref<632x128xf32, #tpu.memory_space<hbm>>
      %dma_start3A_38 = arith.constant 0 : i32
      %dma_start3A_39 = tpu.memref_slice %arg12[%mul3A_32, %dma_start3A_38] : memref<10112x128xf32, #tpu.memory_space<vmem_shared>> -> memref<632x128xf32, #tpu.memory_space<vmem_shared>>
      tpu.enqueue_dma source(%dma_start3A_39 : memref<632x128xf32, #tpu.memory_space<vmem_shared>>) target(%dma_start3A_37 : memref<632x128xf32, #tpu.memory_space<hbm>>) target_semaphore(%run_scoped3A : memref<!tpu.dma_semaphore, #tpu.memory_space<semaphore_mem>>)
      %dma_wait3A = arith.constant 0 : i32
      %dma_wait3A_40 = tpu.memref_slice %arg5[%arg0, %mul3A_34, %dma_wait3A] : memref<2x10112x128xf32, #tpu.memory_space<hbm>> -> memref<1x632x128xf32, #tpu.memory_space<hbm>>
      %dma_wait3A_41 = tpu.memref_squeeze %dma_wait3A_40 : memref<1x632x128xf32, #tpu.memory_space<hbm>> -> memref<632x128xf32, #tpu.memory_space<hbm>>
      %dma_wait3A_42 = arith.constant 0 : i32
      %dma_wait3A_43 = tpu.memref_slice %arg12[%mul3A_32, %dma_wait3A_42] : memref<10112x128xf32, #tpu.memory_space<vmem_shared>> -> memref<632x128xf32, #tpu.memory_space<vmem_shared>>
      tpu.wait_dma2 semaphore(%run_scoped3A : memref<!tpu.dma_semaphore, #tpu.memory_space<semaphore_mem>>) src(%dma_wait3A_43 : memref<632x128xf32, #tpu.memory_space<vmem_shared>>) dst(%dma_wait3A_41 : memref<632x128xf32, #tpu.memory_space<hbm>>)
      tpu.yield
    }) : () -> ()
    return
  }
}

#map = affine_map<(d0, d1) -> (0, 0)>
#map1 = affine_map<(d0, d1) -> (0, 0, 0)>
module attributes {stable_mosaic.version = 14 : i64} {
  func.func @scatter_kernel(%arg0: i32, %arg1: i32, %arg2: memref<10000x128xf32, #tpu.memory_space<hbm>>, %arg3: memref<2x320000xi32, #tpu.memory_space<hbm>>, %arg4: memref<10112x128xf32, #tpu.memory_space<hbm>>, %arg5: memref<2x10112x128xf32, #tpu.memory_space<hbm>>, %arg6: memref<2x128xi32, #tpu.memory_space<vmem>>, %arg7: memref<2x128xi32, #tpu.memory_space<vmem>>, %arg8: memref<128xi32, #tpu.memory_space<vmem>>, %arg9: memref<128xi32, #tpu.memory_space<vmem>>, %arg10: memref<128x128xf32, #tpu.memory_space<vmem>>, %arg11: memref<128x128xf32, #tpu.memory_space<vmem>>, %arg12: memref<10112x128xf32, #tpu.memory_space<vmem_shared>>, %arg13: memref<!tpu.dma_semaphore, #tpu.memory_space<semaphore_mem>>, %arg14: memref<!tpu.dma_semaphore, #tpu.memory_space<semaphore_mem>>, %arg15: memref<!tpu.dma_semaphore, #tpu.memory_space<semaphore_mem>>, %arg16: memref<!tpu.dma_semaphore, #tpu.memory_space<semaphore_mem>>) attributes {dimension_semantics = [#tpu.dimension_semantics<core_parallel>, #tpu.dimension_semantics<subcore_parallel>], iteration_bounds = array<i64: 2, 16>, scalar_prefetch = 0 : i64, scratch_operands = 11 : i64, tpu.core_type = #tpu.core_type<sc_vector_subcore>, window_params = [{transform_indices = #map}, {transform_indices = #map}, {transform_indices = #map}, {transform_indices = #map1}]} {
    %mul3A = arith.constant 2 : i32
    %mul3A_0 = arith.muli %arg1, %mul3A : i32
    %add3A = arith.addi %mul3A_0, %arg0 : i32
    %mul3A_1 = arith.constant 128 : i32
    %mul3A_2 = arith.muli %add3A, %mul3A_1 : i32
    "tpu.region"() ({
      %run_scoped3A = tpu.sem_alloc : memref<!tpu.dma_semaphore, #tpu.memory_space<semaphore_mem>>
      %dma_start3A_35 = arith.constant 0 : i32
      %dma_start3A_36 = tpu.memref_slice %arg3[%dma_start3A_35, %mul3A_2] : memref<2x320000xi32, #tpu.memory_space<hbm>> -> memref<2x128xi32, #tpu.memory_space<hbm>>
      %dma_start3A_37 = arith.constant 0 : i32
      %dma_start3A_38 = tpu.memref_slice %arg3[%dma_start3A_37, %mul3A_2] : memref<2x320000xi32, #tpu.memory_space<hbm>> -> memref<2x128xi32, #tpu.memory_space<hbm>>
      tpu.enqueue_dma source(%dma_start3A_38 : memref<2x128xi32, #tpu.memory_space<hbm>>) target(%arg6 : memref<2x128xi32, #tpu.memory_space<vmem>>) target_semaphore(%run_scoped3A : memref<!tpu.dma_semaphore, #tpu.memory_space<semaphore_mem>>)
      %dma_wait3A = arith.constant 0 : i32
      %dma_wait3A_39 = tpu.memref_slice %arg3[%dma_wait3A, %mul3A_2] : memref<2x320000xi32, #tpu.memory_space<hbm>> -> memref<2x128xi32, #tpu.memory_space<hbm>>
      %dma_wait3A_40 = arith.constant 0 : i32
      %dma_wait3A_41 = tpu.memref_slice %arg3[%dma_wait3A_40, %mul3A_2] : memref<2x320000xi32, #tpu.memory_space<hbm>> -> memref<2x128xi32, #tpu.memory_space<hbm>>
      tpu.wait_dma2 semaphore(%run_scoped3A : memref<!tpu.dma_semaphore, #tpu.memory_space<semaphore_mem>>) src(%dma_wait3A_41 : memref<2x128xi32, #tpu.memory_space<hbm>>) dst(%arg6 : memref<2x128xi32, #tpu.memory_space<vmem>>)
      tpu.yield
    }) : () -> ()
    %dma_start3A = arith.constant 0 : i32
    %dma_start3A_3 = arith.constant 0 : i32
    %dma_start3A_4 = tpu.memref_slice %arg6[%dma_start3A, %dma_start3A_3] : memref<2x128xi32, #tpu.memory_space<vmem>> -> memref<1x128xi32, #tpu.memory_space<vmem>>
    %dma_start3A_5 = tpu.memref_squeeze %dma_start3A_4 : memref<1x128xi32, #tpu.memory_space<vmem>> -> memref<128xi32, #tpu.memory_space<vmem>>
    %dma_start3A_6 = arith.constant 0 : i32
    %dma_start3A_7 = arith.constant 0 : i32
    %dma_start3A_8 = tpu.memref_slice %arg2[%dma_start3A_6, %dma_start3A_7] : memref<10000x128xf32, #tpu.memory_space<hbm>> -> memref<10000x128xf32, #tpu.memory_space<hbm>>
    tpu.enqueue_indirect_dma source(%dma_start3A_8 : memref<10000x128xf32, #tpu.memory_space<hbm>>) target(%arg10 : memref<128x128xf32, #tpu.memory_space<vmem>>) offsets(%dma_start3A_5 : memref<128xi32, #tpu.memory_space<vmem>>) semaphore(%arg13 : memref<!tpu.dma_semaphore, #tpu.memory_space<semaphore_mem>>)
    %add3A_9 = arith.constant 32 : i32
    %add3A_10 = arith.addi %add3A, %add3A_9 : i32
    %mul3A_11 = arith.constant 128 : i32
    %mul3A_12 = arith.muli %add3A_10, %mul3A_11 : i32
    "tpu.region"() ({
      %run_scoped3A = tpu.sem_alloc : memref<!tpu.dma_semaphore, #tpu.memory_space<semaphore_mem>>
      %dma_start3A_35 = arith.constant 0 : i32
      %dma_start3A_36 = tpu.memref_slice %arg3[%dma_start3A_35, %mul3A_12] : memref<2x320000xi32, #tpu.memory_space<hbm>> -> memref<2x128xi32, #tpu.memory_space<hbm>>
      %dma_start3A_37 = arith.constant 0 : i32
      %dma_start3A_38 = tpu.memref_slice %arg3[%dma_start3A_37, %mul3A_12] : memref<2x320000xi32, #tpu.memory_space<hbm>> -> memref<2x128xi32, #tpu.memory_space<hbm>>
      tpu.enqueue_dma source(%dma_start3A_38 : memref<2x128xi32, #tpu.memory_space<hbm>>) target(%arg7 : memref<2x128xi32, #tpu.memory_space<vmem>>) target_semaphore(%run_scoped3A : memref<!tpu.dma_semaphore, #tpu.memory_space<semaphore_mem>>)
      %dma_wait3A = arith.constant 0 : i32
      %dma_wait3A_39 = tpu.memref_slice %arg3[%dma_wait3A, %mul3A_12] : memref<2x320000xi32, #tpu.memory_space<hbm>> -> memref<2x128xi32, #tpu.memory_space<hbm>>
      %dma_wait3A_40 = arith.constant 0 : i32
      %dma_wait3A_41 = tpu.memref_slice %arg3[%dma_wait3A_40, %mul3A_12] : memref<2x320000xi32, #tpu.memory_space<hbm>> -> memref<2x128xi32, #tpu.memory_space<hbm>>
      tpu.wait_dma2 semaphore(%run_scoped3A : memref<!tpu.dma_semaphore, #tpu.memory_space<semaphore_mem>>) src(%dma_wait3A_41 : memref<2x128xi32, #tpu.memory_space<hbm>>) dst(%arg7 : memref<2x128xi32, #tpu.memory_space<vmem>>)
      tpu.yield
    }) : () -> ()
    %dma_start3A_13 = arith.constant 0 : i32
    %dma_start3A_14 = arith.constant 0 : i32
    %dma_start3A_15 = tpu.memref_slice %arg7[%dma_start3A_13, %dma_start3A_14] : memref<2x128xi32, #tpu.memory_space<vmem>> -> memref<1x128xi32, #tpu.memory_space<vmem>>
    %dma_start3A_16 = tpu.memref_squeeze %dma_start3A_15 : memref<1x128xi32, #tpu.memory_space<vmem>> -> memref<128xi32, #tpu.memory_space<vmem>>
    %dma_start3A_17 = arith.constant 0 : i32
    %dma_start3A_18 = arith.constant 0 : i32
    %dma_start3A_19 = tpu.memref_slice %arg2[%dma_start3A_17, %dma_start3A_18] : memref<10000x128xf32, #tpu.memory_space<hbm>> -> memref<10000x128xf32, #tpu.memory_space<hbm>>
    tpu.enqueue_indirect_dma source(%dma_start3A_19 : memref<10000x128xf32, #tpu.memory_space<hbm>>) target(%arg11 : memref<128x128xf32, #tpu.memory_space<vmem>>) offsets(%dma_start3A_16 : memref<128xi32, #tpu.memory_space<vmem>>) semaphore(%arg14 : memref<!tpu.dma_semaphore, #tpu.memory_space<semaphore_mem>>)
    %mul3A_20 = arith.constant 632 : i32
    %mul3A_21 = arith.muli %arg1, %mul3A_20 : i32
    %mul3A_22 = arith.constant 632 : i32
    %mul3A_23 = arith.muli %arg1, %mul3A_22 : i32
    "tpu.region"() ({
      %run_scoped3A = tpu.sem_alloc : memref<!tpu.dma_semaphore, #tpu.memory_space<semaphore_mem>>
      %dma_start3A_35 = arith.constant 0 : i32
      %dma_start3A_36 = tpu.memref_slice %arg12[%mul3A_23, %dma_start3A_35] : memref<10112x128xf32, #tpu.memory_space<vmem_shared>> -> memref<632x128xf32, #tpu.memory_space<vmem_shared>>
      %dma_start3A_37 = arith.constant 0 : i32
      %dma_start3A_38 = tpu.memref_slice %arg4[%mul3A_21, %dma_start3A_37] : memref<10112x128xf32, #tpu.memory_space<hbm>> -> memref<632x128xf32, #tpu.memory_space<hbm>>
      tpu.enqueue_dma source(%dma_start3A_38 : memref<632x128xf32, #tpu.memory_space<hbm>>) target(%dma_start3A_36 : memref<632x128xf32, #tpu.memory_space<vmem_shared>>) target_semaphore(%run_scoped3A : memref<!tpu.dma_semaphore, #tpu.memory_space<semaphore_mem>>)
      %dma_wait3A = arith.constant 0 : i32
      %dma_wait3A_39 = tpu.memref_slice %arg12[%mul3A_23, %dma_wait3A] : memref<10112x128xf32, #tpu.memory_space<vmem_shared>> -> memref<632x128xf32, #tpu.memory_space<vmem_shared>>
      %dma_wait3A_40 = arith.constant 0 : i32
      %dma_wait3A_41 = tpu.memref_slice %arg4[%mul3A_21, %dma_wait3A_40] : memref<10112x128xf32, #tpu.memory_space<hbm>> -> memref<632x128xf32, #tpu.memory_space<hbm>>
      tpu.wait_dma2 semaphore(%run_scoped3A : memref<!tpu.dma_semaphore, #tpu.memory_space<semaphore_mem>>) src(%dma_wait3A_41 : memref<632x128xf32, #tpu.memory_space<hbm>>) dst(%dma_wait3A_39 : memref<632x128xf32, #tpu.memory_space<vmem_shared>>)
      tpu.yield
    }) : () -> ()
    %barrier3A = arith.constant 0 : index
    tpu.barrier barrier_id(%barrier3A)
    %scan3A = arith.constant 0 : i32
    %scan3A_24 = arith.constant 39 : i32
    %scan3A_25 = arith.addi %scan3A, %scan3A_24 : i32
    %scan3A_26 = arith.constant 1 : i32
    scf.for %scan3A_35 = %scan3A to %scan3A_25 step %scan3A_26  : i32 {
      %mul3A_36 = arith.constant 2 : i32
      %mul3A_37 = arith.muli %scan3A_35, %mul3A_36 : i32
      %add3A_38 = arith.constant 0 : i32
      %add3A_39 = arith.addi %add3A_38, %mul3A_37 : i32
      %add3A_40 = arith.constant 2 : i32
      %add3A_41 = arith.addi %add3A_39, %add3A_40 : i32
      %mul3A_42 = arith.constant 32 : i32
      %mul3A_43 = arith.muli %add3A_41, %mul3A_42 : i32
      %add3A_44 = arith.addi %add3A, %mul3A_43 : i32
      %mul3A_45 = arith.constant 128 : i32
      %mul3A_46 = arith.muli %add3A_44, %mul3A_45 : i32
      %add3A_47 = arith.constant 3 : i32
      %add3A_48 = arith.addi %add3A_39, %add3A_47 : i32
      %mul3A_49 = arith.constant 32 : i32
      %mul3A_50 = arith.muli %add3A_48, %mul3A_49 : i32
      %add3A_51 = arith.addi %add3A, %mul3A_50 : i32
      %mul3A_52 = arith.constant 128 : i32
      %mul3A_53 = arith.muli %add3A_51, %mul3A_52 : i32
      %dma_wait3A = arith.constant 0 : i32
      %dma_wait3A_54 = arith.constant 0 : i32
      %dma_wait3A_55 = tpu.memref_slice %arg6[%dma_wait3A, %dma_wait3A_54] : memref<2x128xi32, #tpu.memory_space<vmem>> -> memref<1x128xi32, #tpu.memory_space<vmem>>
      %dma_wait3A_56 = tpu.memref_squeeze %dma_wait3A_55 : memref<1x128xi32, #tpu.memory_space<vmem>> -> memref<128xi32, #tpu.memory_space<vmem>>
      %dma_wait3A_57 = arith.constant 0 : i32
      %dma_wait3A_58 = arith.constant 0 : i32
      %dma_wait3A_59 = tpu.memref_slice %arg2[%dma_wait3A_57, %dma_wait3A_58] : memref<10000x128xf32, #tpu.memory_space<hbm>> -> memref<10000x128xf32, #tpu.memory_space<hbm>>
      tpu.wait_indirect_dma semaphore(%arg13 : memref<!tpu.dma_semaphore, #tpu.memory_space<semaphore_mem>>) src(%dma_wait3A_59 : memref<10000x128xf32, #tpu.memory_space<hbm>>) dst(%arg10 : memref<128x128xf32, #tpu.memory_space<vmem>>)
      %get3A = arith.constant 1 : i32
      %get3A_60 = arith.index_cast %get3A : i32 to index
      %get3A_61 = arith.constant 0 : index
      %get3A_62 = tpu.vector_load %arg6[%get3A_60, %get3A_61] {strides = array<i32>} : memref<2x128xi32, #tpu.memory_space<vmem>>, vector<1x16xi32>,
      %get3A_63 = vector.shape_cast %get3A_62 : vector<1x16xi32> to vector<16xi32>
      %swap3A = arith.constant 0 : index
      %swap3A_64 = tpu.vector_load %arg8[%swap3A] {strides = array<i32>} : memref<128xi32, #tpu.memory_space<vmem>>, vector<16xi32>,
      %swap3A_65 = vector.shape_cast %swap3A_64 : vector<16xi32> to vector<16xi32>
      %swap3A_66 = vector.shape_cast %get3A_63 : vector<16xi32> to vector<16xi32>
      tpu.vector_store %arg8[%swap3A], %swap3A_66 {strides = array<i32>} : memref<128xi32, #tpu.memory_space<vmem>>, vector<16xi32>,
      %get3A_67 = arith.constant 1 : i32
      %get3A_68 = arith.index_cast %get3A_67 : i32 to index
      %get3A_69 = arith.constant 16 : index
      %get3A_70 = tpu.vector_load %arg6[%get3A_68, %get3A_69] {strides = array<i32>} : memref<2x128xi32, #tpu.memory_space<vmem>>, vector<1x16xi32>,
      %get3A_71 = vector.shape_cast %get3A_70 : vector<1x16xi32> to vector<16xi32>
      %swap3A_72 = arith.constant 16 : index
      %swap3A_73 = tpu.vector_load %arg8[%swap3A_72] {strides = array<i32>} : memref<128xi32, #tpu.memory_space<vmem>>, vector<16xi32>,
      %swap3A_74 = vector.shape_cast %swap3A_73 : vector<16xi32> to vector<16xi32>
      %swap3A_75 = vector.shape_cast %get3A_71 : vector<16xi32> to vector<16xi32>
      tpu.vector_store %arg8[%swap3A_72], %swap3A_75 {strides = array<i32>} : memref<128xi32, #tpu.memory_space<vmem>>, vector<16xi32>,
      %get3A_76 = arith.constant 1 : i32
      %get3A_77 = arith.index_cast %get3A_76 : i32 to index
      %get3A_78 = arith.constant 32 : index
      %get3A_79 = tpu.vector_load %arg6[%get3A_77, %get3A_78] {strides = array<i32>} : memref<2x128xi32, #tpu.memory_space<vmem>>, vector<1x16xi32>,
      %get3A_80 = vector.shape_cast %get3A_79 : vector<1x16xi32> to vector<16xi32>
      %swap3A_81 = arith.constant 32 : index
      %swap3A_82 = tpu.vector_load %arg8[%swap3A_81] {strides = array<i32>} : memref<128xi32, #tpu.memory_space<vmem>>, vector<16xi32>,
      %swap3A_83 = vector.shape_cast %swap3A_82 : vector<16xi32> to vector<16xi32>
      %swap3A_84 = vector.shape_cast %get3A_80 : vector<16xi32> to vector<16xi32>
      tpu.vector_store %arg8[%swap3A_81], %swap3A_84 {strides = array<i32>} : memref<128xi32, #tpu.memory_space<vmem>>, vector<16xi32>,
      %get3A_85 = arith.constant 1 : i32
      %get3A_86 = arith.index_cast %get3A_85 : i32 to index
      %get3A_87 = arith.constant 48 : index
      %get3A_88 = tpu.vector_load %arg6[%get3A_86, %get3A_87] {strides = array<i32>} : memref<2x128xi32, #tpu.memory_space<vmem>>, vector<1x16xi32>,
      %get3A_89 = vector.shape_cast %get3A_88 : vector<1x16xi32> to vector<16xi32>
      %swap3A_90 = arith.constant 48 : index
      %swap3A_91 = tpu.vector_load %arg8[%swap3A_90] {strides = array<i32>} : memref<128xi32, #tpu.memory_space<vmem>>, vector<16xi32>,
      %swap3A_92 = vector.shape_cast %swap3A_91 : vector<16xi32> to vector<16xi32>
      %swap3A_93 = vector.shape_cast %get3A_89 : vector<16xi32> to vector<16xi32>
      tpu.vector_store %arg8[%swap3A_90], %swap3A_93 {strides = array<i32>} : memref<128xi32, #tpu.memory_space<vmem>>, vector<16xi32>,
      %get3A_94 = arith.constant 1 : i32
      %get3A_95 = arith.index_cast %get3A_94 : i32 to index
      %get3A_96 = arith.constant 64 : index
      %get3A_97 = tpu.vector_load %arg6[%get3A_95, %get3A_96] {strides = array<i32>} : memref<2x128xi32, #tpu.memory_space<vmem>>, vector<1x16xi32>,
      %get3A_98 = vector.shape_cast %get3A_97 : vector<1x16xi32> to vector<16xi32>
      %swap3A_99 = arith.constant 64 : index
      %swap3A_100 = tpu.vector_load %arg8[%swap3A_99] {strides = array<i32>} : memref<128xi32, #tpu.memory_space<vmem>>, vector<16xi32>,
      %swap3A_101 = vector.shape_cast %swap3A_100 : vector<16xi32> to vector<16xi32>
      %swap3A_102 = vector.shape_cast %get3A_98 : vector<16xi32> to vector<16xi32>
      tpu.vector_store %arg8[%swap3A_99], %swap3A_102 {strides = array<i32>} : memref<128xi32, #tpu.memory_space<vmem>>, vector<16xi32>,
      %get3A_103 = arith.constant 1 : i32
      %get3A_104 = arith.index_cast %get3A_103 : i32 to index
      %get3A_105 = arith.constant 80 : index
      %get3A_106 = tpu.vector_load %arg6[%get3A_104, %get3A_105] {strides = array<i32>} : memref<2x128xi32, #tpu.memory_space<vmem>>, vector<1x16xi32>,
      %get3A_107 = vector.shape_cast %get3A_106 : vector<1x16xi32> to vector<16xi32>
      %swap3A_108 = arith.constant 80 : index
      %swap3A_109 = tpu.vector_load %arg8[%swap3A_108] {strides = array<i32>} : memref<128xi32, #tpu.memory_space<vmem>>, vector<16xi32>,
      %swap3A_110 = vector.shape_cast %swap3A_109 : vector<16xi32> to vector<16xi32>
      %swap3A_111 = vector.shape_cast %get3A_107 : vector<16xi32> to vector<16xi32>
      tpu.vector_store %arg8[%swap3A_108], %swap3A_111 {strides = array<i32>} : memref<128xi32, #tpu.memory_space<vmem>>, vector<16xi32>,
      %get3A_112 = arith.constant 1 : i32
      %get3A_113 = arith.index_cast %get3A_112 : i32 to index
      %get3A_114 = arith.constant 96 : index
      %get3A_115 = tpu.vector_load %arg6[%get3A_113, %get3A_114] {strides = array<i32>} : memref<2x128xi32, #tpu.memory_space<vmem>>, vector<1x16xi32>,
      %get3A_116 = vector.shape_cast %get3A_115 : vector<1x16xi32> to vector<16xi32>
      %swap3A_117 = arith.constant 96 : index
      %swap3A_118 = tpu.vector_load %arg8[%swap3A_117] {strides = array<i32>} : memref<128xi32, #tpu.memory_space<vmem>>, vector<16xi32>,
      %swap3A_119 = vector.shape_cast %swap3A_118 : vector<16xi32> to vector<16xi32>
      %swap3A_120 = vector.shape_cast %get3A_116 : vector<16xi32> to vector<16xi32>
      tpu.vector_store %arg8[%swap3A_117], %swap3A_120 {strides = array<i32>} : memref<128xi32, #tpu.memory_space<vmem>>, vector<16xi32>,
      %get3A_121 = arith.constant 1 : i32
      %get3A_122 = arith.index_cast %get3A_121 : i32 to index
      %get3A_123 = arith.constant 112 : index
      %get3A_124 = tpu.vector_load %arg6[%get3A_122, %get3A_123] {strides = array<i32>} : memref<2x128xi32, #tpu.memory_space<vmem>>, vector<1x16xi32>,
      %get3A_125 = vector.shape_cast %get3A_124 : vector<1x16xi32> to vector<16xi32>
      %swap3A_126 = arith.constant 112 : index
      %swap3A_127 = tpu.vector_load %arg8[%swap3A_126] {strides = array<i32>} : memref<128xi32, #tpu.memory_space<vmem>>, vector<16xi32>,
      %swap3A_128 = vector.shape_cast %swap3A_127 : vector<16xi32> to vector<16xi32>
      %swap3A_129 = vector.shape_cast %get3A_125 : vector<16xi32> to vector<16xi32>
      tpu.vector_store %arg8[%swap3A_126], %swap3A_129 {strides = array<i32>} : memref<128xi32, #tpu.memory_space<vmem>>, vector<16xi32>,
      %add3A_130 = arith.constant 2 : i32
      %add3A_131 = arith.addi %add3A_39, %add3A_130 : i32
      %lt3A_132 = arith.constant 78 : i32
      %lt3A_133 = arith.cmpi slt, %add3A_131, %lt3A_132 : i32
      %convert_element_type3A_134 = arith.extui %lt3A_133 : i1 to i32
      %cond3A_135 = arith.constant 0 : i32
      %cond3A_136 = arith.cmpi ne, %convert_element_type3A_134, %cond3A_135 : i32
      scf.if %cond3A_136 {
        %dma_start3A_237 = arith.constant 0 : i32
        %dma_start3A_238 = tpu.memref_slice %arg3[%dma_start3A_237, %mul3A_46] : memref<2x320000xi32, #tpu.memory_space<hbm>> -> memref<2x128xi32, #tpu.memory_space<hbm>>
        %dma_start3A_239 = arith.constant 0 : i32
        %dma_start3A_240 = tpu.memref_slice %arg3[%dma_start3A_239, %mul3A_46] : memref<2x320000xi32, #tpu.memory_space<hbm>> -> memref<2x128xi32, #tpu.memory_space<hbm>>
        tpu.enqueue_dma source(%dma_start3A_240 : memref<2x128xi32, #tpu.memory_space<hbm>>) target(%arg6 : memref<2x128xi32, #tpu.memory_space<vmem>>) target_semaphore(%arg15 : memref<!tpu.dma_semaphore, #tpu.memory_space<semaphore_mem>>)
      } else {
      }
      "tpu.region"() ({
        %run_scoped3A = tpu.sem_alloc : memref<!tpu.dma_semaphore, #tpu.memory_space<semaphore_mem>>
        %dma_start3A_237 = arith.constant 0 : i32
        %dma_start3A_238 = arith.constant 0 : i32
        %dma_start3A_239 = tpu.memref_slice %arg12[%dma_start3A_237, %dma_start3A_238] : memref<10112x128xf32, #tpu.memory_space<vmem_shared>> -> memref<10112x128xf32, #tpu.memory_space<vmem_shared>>
        tpu.enqueue_indirect_dma source(%arg10 : memref<128x128xf32, #tpu.memory_space<vmem>>) target(%dma_start3A_239 : memref<10112x128xf32, #tpu.memory_space<vmem_shared>>) offsets(%arg8 : memref<128xi32, #tpu.memory_space<vmem>>) semaphore(%run_scoped3A : memref<!tpu.dma_semaphore, #tpu.memory_space<semaphore_mem>>) {add = true}
        %dma_wait3A_240 = arith.constant 0 : i32
        %dma_wait3A_241 = arith.constant 0 : i32
        %dma_wait3A_242 = tpu.memref_slice %arg12[%dma_wait3A_240, %dma_wait3A_241] : memref<10112x128xf32, #tpu.memory_space<vmem_shared>> -> memref<10112x128xf32, #tpu.memory_space<vmem_shared>>
        tpu.wait_indirect_dma semaphore(%run_scoped3A : memref<!tpu.dma_semaphore, #tpu.memory_space<semaphore_mem>>) src(%arg10 : memref<128x128xf32, #tpu.memory_space<vmem>>) dst(%dma_wait3A_242 : memref<10112x128xf32, #tpu.memory_space<vmem_shared>>)
        tpu.yield
      }) : () -> ()
      %add3A_137 = arith.constant 2 : i32
      %add3A_138 = arith.addi %add3A_39, %add3A_137 : i32
      %lt3A_139 = arith.constant 78 : i32
      %lt3A_140 = arith.cmpi slt, %add3A_138, %lt3A_139 : i32
      %convert_element_type3A_141 = arith.extui %lt3A_140 : i1 to i32
      %cond3A_142 = arith.constant 0 : i32
      %cond3A_143 = arith.cmpi ne, %convert_element_type3A_141, %cond3A_142 : i32
      scf.if %cond3A_143 {
        %dma_wait3A_237 = arith.constant 0 : i32
        %dma_wait3A_238 = tpu.memref_slice %arg3[%dma_wait3A_237, %mul3A_46] : memref<2x320000xi32, #tpu.memory_space<hbm>> -> memref<2x128xi32, #tpu.memory_space<hbm>>
        %dma_wait3A_239 = arith.constant 0 : i32
        %dma_wait3A_240 = tpu.memref_slice %arg3[%dma_wait3A_239, %mul3A_46] : memref<2x320000xi32, #tpu.memory_space<hbm>> -> memref<2x128xi32, #tpu.memory_space<hbm>>
        tpu.wait_dma2 semaphore(%arg15 : memref<!tpu.dma_semaphore, #tpu.memory_space<semaphore_mem>>) src(%dma_wait3A_240 : memref<2x128xi32, #tpu.memory_space<hbm>>) dst(%arg6 : memref<2x128xi32, #tpu.memory_space<vmem>>)
        %dma_start3A_241 = arith.constant 0 : i32
        %dma_start3A_242 = arith.constant 0 : i32
        %dma_start3A_243 = tpu.memref_slice %arg6[%dma_start3A_241, %dma_start3A_242] : memref<2x128xi32, #tpu.memory_space<vmem>> -> memref<1x128xi32, #tpu.memory_space<vmem>>
        %dma_start3A_244 = tpu.memref_squeeze %dma_start3A_243 : memref<1x128xi32, #tpu.memory_space<vmem>> -> memref<128xi32, #tpu.memory_space<vmem>>
        %dma_start3A_245 = arith.constant 0 : i32
        %dma_start3A_246 = arith.constant 0 : i32
        %dma_start3A_247 = tpu.memref_slice %arg2[%dma_start3A_245, %dma_start3A_246] : memref<10000x128xf32, #tpu.memory_space<hbm>> -> memref<10000x128xf32, #tpu.memory_space<hbm>>
        tpu.enqueue_indirect_dma source(%dma_start3A_247 : memref<10000x128xf32, #tpu.memory_space<hbm>>) target(%arg10 : memref<128x128xf32, #tpu.memory_space<vmem>>) offsets(%dma_start3A_244 : memref<128xi32, #tpu.memory_space<vmem>>) semaphore(%arg13 : memref<!tpu.dma_semaphore, #tpu.memory_space<semaphore_mem>>)
      } else {
      }
      %dma_wait3A_144 = arith.constant 0 : i32
      %dma_wait3A_145 = arith.constant 0 : i32
      %dma_wait3A_146 = tpu.memref_slice %arg7[%dma_wait3A_144, %dma_wait3A_145] : memref<2x128xi32, #tpu.memory_space<vmem>> -> memref<1x128xi32, #tpu.memory_space<vmem>>
      %dma_wait3A_147 = tpu.memref_squeeze %dma_wait3A_146 : memref<1x128xi32, #tpu.memory_space<vmem>> -> memref<128xi32, #tpu.memory_space<vmem>>
      %dma_wait3A_148 = arith.constant 0 : i32
      %dma_wait3A_149 = arith.constant 0 : i32
      %dma_wait3A_150 = tpu.memref_slice %arg2[%dma_wait3A_148, %dma_wait3A_149] : memref<10000x128xf32, #tpu.memory_space<hbm>> -> memref<10000x128xf32, #tpu.memory_space<hbm>>
      tpu.wait_indirect_dma semaphore(%arg14 : memref<!tpu.dma_semaphore, #tpu.memory_space<semaphore_mem>>) src(%dma_wait3A_150 : memref<10000x128xf32, #tpu.memory_space<hbm>>) dst(%arg11 : memref<128x128xf32, #tpu.memory_space<vmem>>)
      %get3A_151 = arith.constant 1 : i32
      %get3A_152 = arith.index_cast %get3A_151 : i32 to index
      %get3A_153 = arith.constant 0 : index
      %get3A_154 = tpu.vector_load %arg7[%get3A_152, %get3A_153] {strides = array<i32>} : memref<2x128xi32, #tpu.memory_space<vmem>>, vector<1x16xi32>,
      %get3A_155 = vector.shape_cast %get3A_154 : vector<1x16xi32> to vector<16xi32>
      %swap3A_156 = arith.constant 0 : index
      %swap3A_157 = tpu.vector_load %arg9[%swap3A_156] {strides = array<i32>} : memref<128xi32, #tpu.memory_space<vmem>>, vector<16xi32>,
      %swap3A_158 = vector.shape_cast %swap3A_157 : vector<16xi32> to vector<16xi32>
      %swap3A_159 = vector.shape_cast %get3A_155 : vector<16xi32> to vector<16xi32>
      tpu.vector_store %arg9[%swap3A_156], %swap3A_159 {strides = array<i32>} : memref<128xi32, #tpu.memory_space<vmem>>, vector<16xi32>,
      %get3A_160 = arith.constant 1 : i32
      %get3A_161 = arith.index_cast %get3A_160 : i32 to index
      %get3A_162 = arith.constant 16 : index
      %get3A_163 = tpu.vector_load %arg7[%get3A_161, %get3A_162] {strides = array<i32>} : memref<2x128xi32, #tpu.memory_space<vmem>>, vector<1x16xi32>,
      %get3A_164 = vector.shape_cast %get3A_163 : vector<1x16xi32> to vector<16xi32>
      %swap3A_165 = arith.constant 16 : index
      %swap3A_166 = tpu.vector_load %arg9[%swap3A_165] {strides = array<i32>} : memref<128xi32, #tpu.memory_space<vmem>>, vector<16xi32>,
      %swap3A_167 = vector.shape_cast %swap3A_166 : vector<16xi32> to vector<16xi32>
      %swap3A_168 = vector.shape_cast %get3A_164 : vector<16xi32> to vector<16xi32>
      tpu.vector_store %arg9[%swap3A_165], %swap3A_168 {strides = array<i32>} : memref<128xi32, #tpu.memory_space<vmem>>, vector<16xi32>,
      %get3A_169 = arith.constant 1 : i32
      %get3A_170 = arith.index_cast %get3A_169 : i32 to index
      %get3A_171 = arith.constant 32 : index
      %get3A_172 = tpu.vector_load %arg7[%get3A_170, %get3A_171] {strides = array<i32>} : memref<2x128xi32, #tpu.memory_space<vmem>>, vector<1x16xi32>,
      %get3A_173 = vector.shape_cast %get3A_172 : vector<1x16xi32> to vector<16xi32>
      %swap3A_174 = arith.constant 32 : index
      %swap3A_175 = tpu.vector_load %arg9[%swap3A_174] {strides = array<i32>} : memref<128xi32, #tpu.memory_space<vmem>>, vector<16xi32>,
      %swap3A_176 = vector.shape_cast %swap3A_175 : vector<16xi32> to vector<16xi32>
      %swap3A_177 = vector.shape_cast %get3A_173 : vector<16xi32> to vector<16xi32>
      tpu.vector_store %arg9[%swap3A_174], %swap3A_177 {strides = array<i32>} : memref<128xi32, #tpu.memory_space<vmem>>, vector<16xi32>,
      %get3A_178 = arith.constant 1 : i32
      %get3A_179 = arith.index_cast %get3A_178 : i32 to index
      %get3A_180 = arith.constant 48 : index
      %get3A_181 = tpu.vector_load %arg7[%get3A_179, %get3A_180] {strides = array<i32>} : memref<2x128xi32, #tpu.memory_space<vmem>>, vector<1x16xi32>,
      %get3A_182 = vector.shape_cast %get3A_181 : vector<1x16xi32> to vector<16xi32>
      %swap3A_183 = arith.constant 48 : index
      %swap3A_184 = tpu.vector_load %arg9[%swap3A_183] {strides = array<i32>} : memref<128xi32, #tpu.memory_space<vmem>>, vector<16xi32>,
      %swap3A_185 = vector.shape_cast %swap3A_184 : vector<16xi32> to vector<16xi32>
      %swap3A_186 = vector.shape_cast %get3A_182 : vector<16xi32> to vector<16xi32>
      tpu.vector_store %arg9[%swap3A_183], %swap3A_186 {strides = array<i32>} : memref<128xi32, #tpu.memory_space<vmem>>, vector<16xi32>,
      %get3A_187 = arith.constant 1 : i32
      %get3A_188 = arith.index_cast %get3A_187 : i32 to index
      %get3A_189 = arith.constant 64 : index
      %get3A_190 = tpu.vector_load %arg7[%get3A_188, %get3A_189] {strides = array<i32>} : memref<2x128xi32, #tpu.memory_space<vmem>>, vector<1x16xi32>,
      %get3A_191 = vector.shape_cast %get3A_190 : vector<1x16xi32> to vector<16xi32>
      %swap3A_192 = arith.constant 64 : index
      %swap3A_193 = tpu.vector_load %arg9[%swap3A_192] {strides = array<i32>} : memref<128xi32, #tpu.memory_space<vmem>>, vector<16xi32>,
      %swap3A_194 = vector.shape_cast %swap3A_193 : vector<16xi32> to vector<16xi32>
      %swap3A_195 = vector.shape_cast %get3A_191 : vector<16xi32> to vector<16xi32>
      tpu.vector_store %arg9[%swap3A_192], %swap3A_195 {strides = array<i32>} : memref<128xi32, #tpu.memory_space<vmem>>, vector<16xi32>,
      %get3A_196 = arith.constant 1 : i32
      %get3A_197 = arith.index_cast %get3A_196 : i32 to index
      %get3A_198 = arith.constant 80 : index
      %get3A_199 = tpu.vector_load %arg7[%get3A_197, %get3A_198] {strides = array<i32>} : memref<2x128xi32, #tpu.memory_space<vmem>>, vector<1x16xi32>,
      %get3A_200 = vector.shape_cast %get3A_199 : vector<1x16xi32> to vector<16xi32>
      %swap3A_201 = arith.constant 80 : index
      %swap3A_202 = tpu.vector_load %arg9[%swap3A_201] {strides = array<i32>} : memref<128xi32, #tpu.memory_space<vmem>>, vector<16xi32>,
      %swap3A_203 = vector.shape_cast %swap3A_202 : vector<16xi32> to vector<16xi32>
      %swap3A_204 = vector.shape_cast %get3A_200 : vector<16xi32> to vector<16xi32>
      tpu.vector_store %arg9[%swap3A_201], %swap3A_204 {strides = array<i32>} : memref<128xi32, #tpu.memory_space<vmem>>, vector<16xi32>,
      %get3A_205 = arith.constant 1 : i32
      %get3A_206 = arith.index_cast %get3A_205 : i32 to index
      %get3A_207 = arith.constant 96 : index
      %get3A_208 = tpu.vector_load %arg7[%get3A_206, %get3A_207] {strides = array<i32>} : memref<2x128xi32, #tpu.memory_space<vmem>>, vector<1x16xi32>,
      %get3A_209 = vector.shape_cast %get3A_208 : vector<1x16xi32> to vector<16xi32>
      %swap3A_210 = arith.constant 96 : index
      %swap3A_211 = tpu.vector_load %arg9[%swap3A_210] {strides = array<i32>} : memref<128xi32, #tpu.memory_space<vmem>>, vector<16xi32>,
      %swap3A_212 = vector.shape_cast %swap3A_211 : vector<16xi32> to vector<16xi32>
      %swap3A_213 = vector.shape_cast %get3A_209 : vector<16xi32> to vector<16xi32>
      tpu.vector_store %arg9[%swap3A_210], %swap3A_213 {strides = array<i32>} : memref<128xi32, #tpu.memory_space<vmem>>, vector<16xi32>,
      %get3A_214 = arith.constant 1 : i32
      %get3A_215 = arith.index_cast %get3A_214 : i32 to index
      %get3A_216 = arith.constant 112 : index
      %get3A_217 = tpu.vector_load %arg7[%get3A_215, %get3A_216] {strides = array<i32>} : memref<2x128xi32, #tpu.memory_space<vmem>>, vector<1x16xi32>,
      %get3A_218 = vector.shape_cast %get3A_217 : vector<1x16xi32> to vector<16xi32>
      %swap3A_219 = arith.constant 112 : index
      %swap3A_220 = tpu.vector_load %arg9[%swap3A_219] {strides = array<i32>} : memref<128xi32, #tpu.memory_space<vmem>>, vector<16xi32>,
      %swap3A_221 = vector.shape_cast %swap3A_220 : vector<16xi32> to vector<16xi32>
      %swap3A_222 = vector.shape_cast %get3A_218 : vector<16xi32> to vector<16xi32>
      tpu.vector_store %arg9[%swap3A_219], %swap3A_222 {strides = array<i32>} : memref<128xi32, #tpu.memory_space<vmem>>, vector<16xi32>,
      %add3A_223 = arith.constant 3 : i32
      %add3A_224 = arith.addi %add3A_39, %add3A_223 : i32
      %lt3A_225 = arith.constant 78 : i32
      %lt3A_226 = arith.cmpi slt, %add3A_224, %lt3A_225 : i32
      %convert_element_type3A_227 = arith.extui %lt3A_226 : i1 to i32
      %cond3A_228 = arith.constant 0 : i32
      %cond3A_229 = arith.cmpi ne, %convert_element_type3A_227, %cond3A_228 : i32
      scf.if %cond3A_229 {
        %dma_start3A_237 = arith.constant 0 : i32
        %dma_start3A_238 = tpu.memref_slice %arg3[%dma_start3A_237, %mul3A_53] : memref<2x320000xi32, #tpu.memory_space<hbm>> -> memref<2x128xi32, #tpu.memory_space<hbm>>
        %dma_start3A_239 = arith.constant 0 : i32
        %dma_start3A_240 = tpu.memref_slice %arg3[%dma_start3A_239, %mul3A_53] : memref<2x320000xi32, #tpu.memory_space<hbm>> -> memref<2x128xi32, #tpu.memory_space<hbm>>
        tpu.enqueue_dma source(%dma_start3A_240 : memref<2x128xi32, #tpu.memory_space<hbm>>) target(%arg7 : memref<2x128xi32, #tpu.memory_space<vmem>>) target_semaphore(%arg16 : memref<!tpu.dma_semaphore, #tpu.memory_space<semaphore_mem>>)
      } else {
      }
      "tpu.region"() ({
        %run_scoped3A = tpu.sem_alloc : memref<!tpu.dma_semaphore, #tpu.memory_space<semaphore_mem>>
        %dma_start3A_237 = arith.constant 0 : i32
        %dma_start3A_238 = arith.constant 0 : i32
        %dma_start3A_239 = tpu.memref_slice %arg12[%dma_start3A_237, %dma_start3A_238] : memref<10112x128xf32, #tpu.memory_space<vmem_shared>> -> memref<10112x128xf32, #tpu.memory_space<vmem_shared>>
        tpu.enqueue_indirect_dma source(%arg11 : memref<128x128xf32, #tpu.memory_space<vmem>>) target(%dma_start3A_239 : memref<10112x128xf32, #tpu.memory_space<vmem_shared>>) offsets(%arg9 : memref<128xi32, #tpu.memory_space<vmem>>) semaphore(%run_scoped3A : memref<!tpu.dma_semaphore, #tpu.memory_space<semaphore_mem>>) {add = true}
        %dma_wait3A_240 = arith.constant 0 : i32
        %dma_wait3A_241 = arith.constant 0 : i32
        %dma_wait3A_242 = tpu.memref_slice %arg12[%dma_wait3A_240, %dma_wait3A_241] : memref<10112x128xf32, #tpu.memory_space<vmem_shared>> -> memref<10112x128xf32, #tpu.memory_space<vmem_shared>>
        tpu.wait_indirect_dma semaphore(%run_scoped3A : memref<!tpu.dma_semaphore, #tpu.memory_space<semaphore_mem>>) src(%arg11 : memref<128x128xf32, #tpu.memory_space<vmem>>) dst(%dma_wait3A_242 : memref<10112x128xf32, #tpu.memory_space<vmem_shared>>)
        tpu.yield
      }) : () -> ()
      %add3A_230 = arith.constant 3 : i32
      %add3A_231 = arith.addi %add3A_39, %add3A_230 : i32
      %lt3A_232 = arith.constant 78 : i32
      %lt3A_233 = arith.cmpi slt, %add3A_231, %lt3A_232 : i32
      %convert_element_type3A_234 = arith.extui %lt3A_233 : i1 to i32
      %cond3A_235 = arith.constant 0 : i32
      %cond3A_236 = arith.cmpi ne, %convert_element_type3A_234, %cond3A_235 : i32
      scf.if %cond3A_236 {
        %dma_wait3A_237 = arith.constant 0 : i32
        %dma_wait3A_238 = tpu.memref_slice %arg3[%dma_wait3A_237, %mul3A_53] : memref<2x320000xi32, #tpu.memory_space<hbm>> -> memref<2x128xi32, #tpu.memory_space<hbm>>
        %dma_wait3A_239 = arith.constant 0 : i32
        %dma_wait3A_240 = tpu.memref_slice %arg3[%dma_wait3A_239, %mul3A_53] : memref<2x320000xi32, #tpu.memory_space<hbm>> -> memref<2x128xi32, #tpu.memory_space<hbm>>
        tpu.wait_dma2 semaphore(%arg16 : memref<!tpu.dma_semaphore, #tpu.memory_space<semaphore_mem>>) src(%dma_wait3A_240 : memref<2x128xi32, #tpu.memory_space<hbm>>) dst(%arg7 : memref<2x128xi32, #tpu.memory_space<vmem>>)
        %dma_start3A_241 = arith.constant 0 : i32
        %dma_start3A_242 = arith.constant 0 : i32
        %dma_start3A_243 = tpu.memref_slice %arg7[%dma_start3A_241, %dma_start3A_242] : memref<2x128xi32, #tpu.memory_space<vmem>> -> memref<1x128xi32, #tpu.memory_space<vmem>>
        %dma_start3A_244 = tpu.memref_squeeze %dma_start3A_243 : memref<1x128xi32, #tpu.memory_space<vmem>> -> memref<128xi32, #tpu.memory_space<vmem>>
        %dma_start3A_245 = arith.constant 0 : i32
        %dma_start3A_246 = arith.constant 0 : i32
        %dma_start3A_247 = tpu.memref_slice %arg2[%dma_start3A_245, %dma_start3A_246] : memref<10000x128xf32, #tpu.memory_space<hbm>> -> memref<10000x128xf32, #tpu.memory_space<hbm>>
        tpu.enqueue_indirect_dma source(%dma_start3A_247 : memref<10000x128xf32, #tpu.memory_space<hbm>>) target(%arg11 : memref<128x128xf32, #tpu.memory_space<vmem>>) offsets(%dma_start3A_244 : memref<128xi32, #tpu.memory_space<vmem>>) semaphore(%arg14 : memref<!tpu.dma_semaphore, #tpu.memory_space<semaphore_mem>>)
      } else {
      }
    }
    %scan3A_27 = arith.constant 39 : i32
    %lt3A = arith.constant 4 : i32
    %lt3A_28 = arith.cmpi slt, %add3A, %lt3A : i32
    %convert_element_type3A = arith.extui %lt3A_28 : i1 to i32
    %cond3A = arith.constant 0 : i32
    %cond3A_29 = arith.cmpi ne, %convert_element_type3A, %cond3A : i32
    scf.if %cond3A_29 {
      %add3A_35 = arith.constant 2496 : i32
      %add3A_36 = arith.addi %add3A_35, %add3A : i32
      %mul3A_37 = arith.constant 128 : i32
      %mul3A_38 = arith.muli %add3A_36, %mul3A_37 : i32
      "tpu.region"() ({
        %run_scoped3A_52 = tpu.sem_alloc : memref<!tpu.dma_semaphore, #tpu.memory_space<semaphore_mem>>
        %dma_start3A_53 = arith.constant 0 : i32
        %dma_start3A_54 = tpu.memref_slice %arg3[%dma_start3A_53, %mul3A_38] : memref<2x320000xi32, #tpu.memory_space<hbm>> -> memref<2x128xi32, #tpu.memory_space<hbm>>
        %dma_start3A_55 = arith.constant 0 : i32
        %dma_start3A_56 = tpu.memref_slice %arg3[%dma_start3A_55, %mul3A_38] : memref<2x320000xi32, #tpu.memory_space<hbm>> -> memref<2x128xi32, #tpu.memory_space<hbm>>
        tpu.enqueue_dma source(%dma_start3A_56 : memref<2x128xi32, #tpu.memory_space<hbm>>) target(%arg6 : memref<2x128xi32, #tpu.memory_space<vmem>>) target_semaphore(%run_scoped3A_52 : memref<!tpu.dma_semaphore, #tpu.memory_space<semaphore_mem>>)
        %dma_wait3A_57 = arith.constant 0 : i32
        %dma_wait3A_58 = tpu.memref_slice %arg3[%dma_wait3A_57, %mul3A_38] : memref<2x320000xi32, #tpu.memory_space<hbm>> -> memref<2x128xi32, #tpu.memory_space<hbm>>
        %dma_wait3A_59 = arith.constant 0 : i32
        %dma_wait3A_60 = tpu.memref_slice %arg3[%dma_wait3A_59, %mul3A_38] : memref<2x320000xi32, #tpu.memory_space<hbm>> -> memref<2x128xi32, #tpu.memory_space<hbm>>
        tpu.wait_dma2 semaphore(%run_scoped3A_52 : memref<!tpu.dma_semaphore, #tpu.memory_space<semaphore_mem>>) src(%dma_wait3A_60 : memref<2x128xi32, #tpu.memory_space<hbm>>) dst(%arg6 : memref<2x128xi32, #tpu.memory_space<vmem>>)
        tpu.yield
      }) : () -> ()
      %dma_start3A_39 = arith.constant 0 : i32
      %dma_start3A_40 = arith.constant 0 : i32
      %dma_start3A_41 = tpu.memref_slice %arg6[%dma_start3A_39, %dma_start3A_40] : memref<2x128xi32, #tpu.memory_space<vmem>> -> memref<1x128xi32, #tpu.memory_space<vmem>>
      %dma_start3A_42 = tpu.memref_squeeze %dma_start3A_41 : memref<1x128xi32, #tpu.memory_space<vmem>> -> memref<128xi32, #tpu.memory_space<vmem>>
      %dma_start3A_43 = arith.constant 0 : i32
      %dma_start3A_44 = arith.constant 0 : i32
      %dma_start3A_45 = tpu.memref_slice %arg2[%dma_start3A_43, %dma_start3A_44] : memref<10000x128xf32, #tpu.memory_space<hbm>> -> memref<10000x128xf32, #tpu.memory_space<hbm>>
      tpu.enqueue_indirect_dma source(%dma_start3A_45 : memref<10000x128xf32, #tpu.memory_space<hbm>>) target(%arg10 : memref<128x128xf32, #tpu.memory_space<vmem>>) offsets(%dma_start3A_42 : memref<128xi32, #tpu.memory_space<vmem>>) semaphore(%arg13 : memref<!tpu.dma_semaphore, #tpu.memory_space<semaphore_mem>>)
      %dma_wait3A = arith.constant 0 : i32
      %dma_wait3A_46 = arith.constant 0 : i32
      %dma_wait3A_47 = tpu.memref_slice %arg6[%dma_wait3A, %dma_wait3A_46] : memref<2x128xi32, #tpu.memory_space<vmem>> -> memref<1x128xi32, #tpu.memory_space<vmem>>
      %dma_wait3A_48 = tpu.memref_squeeze %dma_wait3A_47 : memref<1x128xi32, #tpu.memory_space<vmem>> -> memref<128xi32, #tpu.memory_space<vmem>>
      %dma_wait3A_49 = arith.constant 0 : i32
      %dma_wait3A_50 = arith.constant 0 : i32
      %dma_wait3A_51 = tpu.memref_slice %arg2[%dma_wait3A_49, %dma_wait3A_50] : memref<10000x128xf32, #tpu.memory_space<hbm>> -> memref<10000x128xf32, #tpu.memory_space<hbm>>
      tpu.wait_indirect_dma semaphore(%arg13 : memref<!tpu.dma_semaphore, #tpu.memory_space<semaphore_mem>>) src(%dma_wait3A_51 : memref<10000x128xf32, #tpu.memory_space<hbm>>) dst(%arg10 : memref<128x128xf32, #tpu.memory_space<vmem>>)
      %run_scoped3A = arith.constant 1 : i32
      "tpu.region"() ({
        %run_scoped3A_52 = tpu.sem_alloc : memref<!tpu.dma_semaphore, #tpu.memory_space<semaphore_mem>>
        %dma_start3A_53 = arith.constant 0 : i32
        %dma_start3A_54 = tpu.memref_slice %arg6[%run_scoped3A, %dma_start3A_53] : memref<2x128xi32, #tpu.memory_space<vmem>> -> memref<1x128xi32, #tpu.memory_space<vmem>>
        %dma_start3A_55 = tpu.memref_squeeze %dma_start3A_54 : memref<1x128xi32, #tpu.memory_space<vmem>> -> memref<128xi32, #tpu.memory_space<vmem>>
        %dma_start3A_56 = arith.constant 0 : i32
        %dma_start3A_57 = arith.constant 0 : i32
        %dma_start3A_58 = tpu.memref_slice %arg12[%dma_start3A_56, %dma_start3A_57] : memref<10112x128xf32, #tpu.memory_space<vmem_shared>> -> memref<10112x128xf32, #tpu.memory_space<vmem_shared>>
        tpu.enqueue_indirect_dma source(%arg10 : memref<128x128xf32, #tpu.memory_space<vmem>>) target(%dma_start3A_58 : memref<10112x128xf32, #tpu.memory_space<vmem_shared>>) offsets(%dma_start3A_55 : memref<128xi32, #tpu.memory_space<vmem>>) semaphore(%run_scoped3A_52 : memref<!tpu.dma_semaphore, #tpu.memory_space<semaphore_mem>>) {add = true}
        %dma_wait3A_59 = arith.constant 0 : i32
        %dma_wait3A_60 = tpu.memref_slice %arg6[%run_scoped3A, %dma_wait3A_59] : memref<2x128xi32, #tpu.memory_space<vmem>> -> memref<1x128xi32, #tpu.memory_space<vmem>>
        %dma_wait3A_61 = tpu.memref_squeeze %dma_wait3A_60 : memref<1x128xi32, #tpu.memory_space<vmem>> -> memref<128xi32, #tpu.memory_space<vmem>>
        %dma_wait3A_62 = arith.constant 0 : i32
        %dma_wait3A_63 = arith.constant 0 : i32
        %dma_wait3A_64 = tpu.memref_slice %arg12[%dma_wait3A_62, %dma_wait3A_63] : memref<10112x128xf32, #tpu.memory_space<vmem_shared>> -> memref<10112x128xf32, #tpu.memory_space<vmem_shared>>
        tpu.wait_indirect_dma semaphore(%run_scoped3A_52 : memref<!tpu.dma_semaphore, #tpu.memory_space<semaphore_mem>>) src(%arg10 : memref<128x128xf32, #tpu.memory_space<vmem>>) dst(%dma_wait3A_64 : memref<10112x128xf32, #tpu.memory_space<vmem_shared>>)
        tpu.yield
      }) : () -> ()
    } else {
    }
    %barrier3A_30 = arith.constant 0 : index
    tpu.barrier barrier_id(%barrier3A_30)
    %mul3A_31 = arith.constant 632 : i32
    %mul3A_32 = arith.muli %arg1, %mul3A_31 : i32
    %mul3A_33 = arith.constant 632 : i32
    %mul3A_34 = arith.muli %arg1, %mul3A_33 : i32
    "tpu.region"() ({
      %run_scoped3A = tpu.sem_alloc : memref<!tpu.dma_semaphore, #tpu.memory_space<semaphore_mem>>
      %dma_start3A_35 = arith.constant 0 : i32
      %dma_start3A_36 = tpu.memref_slice %arg5[%arg0, %mul3A_34, %dma_start3A_35] : memref<2x10112x128xf32, #tpu.memory_space<hbm>> -> memref<1x632x128xf32, #tpu.memory_space<hbm>>
      %dma_start3A_37 = tpu.memref_squeeze %dma_start3A_36 : memref<1x632x128xf32, #tpu.memory_space<hbm>> -> memref<632x128xf32, #tpu.memory_space<hbm>>
      %dma_start3A_38 = arith.constant 0 : i32
      %dma_start3A_39 = tpu.memref_slice %arg12[%mul3A_32, %dma_start3A_38] : memref<10112x128xf32, #tpu.memory_space<vmem_shared>> -> memref<632x128xf32, #tpu.memory_space<vmem_shared>>
      tpu.enqueue_dma source(%dma_start3A_39 : memref<632x128xf32, #tpu.memory_space<vmem_shared>>) target(%dma_start3A_37 : memref<632x128xf32, #tpu.memory_space<hbm>>) target_semaphore(%run_scoped3A : memref<!tpu.dma_semaphore, #tpu.memory_space<semaphore_mem>>)
      %dma_wait3A = arith.constant 0 : i32
      %dma_wait3A_40 = tpu.memref_slice %arg5[%arg0, %mul3A_34, %dma_wait3A] : memref<2x10112x128xf32, #tpu.memory_space<hbm>> -> memref<1x632x128xf32, #tpu.memory_space<hbm>>
      %dma_wait3A_41 = tpu.memref_squeeze %dma_wait3A_40 : memref<1x632x128xf32, #tpu.memory_space<hbm>> -> memref<632x128xf32, #tpu.memory_space<hbm>>
      %dma_wait3A_42 = arith.constant 0 : i32
      %dma_wait3A_43 = tpu.memref_slice %arg12[%mul3A_32, %dma_wait3A_42] : memref<10112x128xf32, #tpu.memory_space<vmem_shared>> -> memref<632x128xf32, #tpu.memory_space<vmem_shared>>
      tpu.wait_dma2 semaphore(%run_scoped3A : memref<!tpu.dma_semaphore, #tpu.memory_space<semaphore_mem>>) src(%dma_wait3A_43 : memref<632x128xf32, #tpu.memory_space<vmem_shared>>) dst(%dma_wait3A_41 : memref<632x128xf32, #tpu.memory_space<hbm>>)
      tpu.yield
    }) : () -> ()
    return
  }
}

#map = affine_map<(d0, d1) -> (0, 0)>
#map1 = affine_map<(d0, d1) -> (0, 0, 0)>
module attributes {stable_mosaic.version = 14 : i64} {
  func.func @scatter_kernel(%arg0: i32, %arg1: i32, %arg2: memref<10000x128xf32, #tpu.memory_space<hbm>>, %arg3: memref<2x320000xi32, #tpu.memory_space<hbm>>, %arg4: memref<10112x128xf32, #tpu.memory_space<hbm>>, %arg5: memref<2x10112x128xf32, #tpu.memory_space<hbm>>, %arg6: memref<2x128xi32, #tpu.memory_space<vmem>>, %arg7: memref<2x128xi32, #tpu.memory_space<vmem>>, %arg8: memref<128xi32, #tpu.memory_space<vmem>>, %arg9: memref<128xi32, #tpu.memory_space<vmem>>, %arg10: memref<128x128xf32, #tpu.memory_space<vmem>>, %arg11: memref<128x128xf32, #tpu.memory_space<vmem>>, %arg12: memref<10112x128xf32, #tpu.memory_space<vmem_shared>>, %arg13: memref<!tpu.dma_semaphore, #tpu.memory_space<semaphore_mem>>, %arg14: memref<!tpu.dma_semaphore, #tpu.memory_space<semaphore_mem>>, %arg15: memref<!tpu.dma_semaphore, #tpu.memory_space<semaphore_mem>>, %arg16: memref<!tpu.dma_semaphore, #tpu.memory_space<semaphore_mem>>) attributes {dimension_semantics = [#tpu.dimension_semantics<core_parallel>, #tpu.dimension_semantics<subcore_parallel>], iteration_bounds = array<i64: 2, 16>, scalar_prefetch = 0 : i64, scratch_operands = 11 : i64, tpu.core_type = #tpu.core_type<sc_vector_subcore>, window_params = [{transform_indices = #map}, {transform_indices = #map}, {transform_indices = #map}, {transform_indices = #map1}]} {
    %mul3A = arith.constant 2 : i32
    %mul3A_0 = arith.muli %arg1, %mul3A : i32
    %add3A = arith.addi %mul3A_0, %arg0 : i32
    %mul3A_1 = arith.constant 128 : i32
    %mul3A_2 = arith.muli %add3A, %mul3A_1 : i32
    "tpu.region"() ({
      %run_scoped3A = tpu.sem_alloc : memref<!tpu.dma_semaphore, #tpu.memory_space<semaphore_mem>>
      %dma_start3A_35 = arith.constant 0 : i32
      %dma_start3A_36 = tpu.memref_slice %arg3[%dma_start3A_35, %mul3A_2] : memref<2x320000xi32, #tpu.memory_space<hbm>> -> memref<2x128xi32, #tpu.memory_space<hbm>>
      %dma_start3A_37 = arith.constant 0 : i32
      %dma_start3A_38 = tpu.memref_slice %arg3[%dma_start3A_37, %mul3A_2] : memref<2x320000xi32, #tpu.memory_space<hbm>> -> memref<2x128xi32, #tpu.memory_space<hbm>>
      tpu.enqueue_dma source(%dma_start3A_38 : memref<2x128xi32, #tpu.memory_space<hbm>>) target(%arg6 : memref<2x128xi32, #tpu.memory_space<vmem>>) target_semaphore(%run_scoped3A : memref<!tpu.dma_semaphore, #tpu.memory_space<semaphore_mem>>)
      %dma_wait3A = arith.constant 0 : i32
      %dma_wait3A_39 = tpu.memref_slice %arg3[%dma_wait3A, %mul3A_2] : memref<2x320000xi32, #tpu.memory_space<hbm>> -> memref<2x128xi32, #tpu.memory_space<hbm>>
      %dma_wait3A_40 = arith.constant 0 : i32
      %dma_wait3A_41 = tpu.memref_slice %arg3[%dma_wait3A_40, %mul3A_2] : memref<2x320000xi32, #tpu.memory_space<hbm>> -> memref<2x128xi32, #tpu.memory_space<hbm>>
      tpu.wait_dma2 semaphore(%run_scoped3A : memref<!tpu.dma_semaphore, #tpu.memory_space<semaphore_mem>>) src(%dma_wait3A_41 : memref<2x128xi32, #tpu.memory_space<hbm>>) dst(%arg6 : memref<2x128xi32, #tpu.memory_space<vmem>>)
      tpu.yield
    }) : () -> ()
    %dma_start3A = arith.constant 0 : i32
    %dma_start3A_3 = arith.constant 0 : i32
    %dma_start3A_4 = tpu.memref_slice %arg6[%dma_start3A, %dma_start3A_3] : memref<2x128xi32, #tpu.memory_space<vmem>> -> memref<1x128xi32, #tpu.memory_space<vmem>>
    %dma_start3A_5 = tpu.memref_squeeze %dma_start3A_4 : memref<1x128xi32, #tpu.memory_space<vmem>> -> memref<128xi32, #tpu.memory_space<vmem>>
    %dma_start3A_6 = arith.constant 0 : i32
    %dma_start3A_7 = arith.constant 0 : i32
    %dma_start3A_8 = tpu.memref_slice %arg2[%dma_start3A_6, %dma_start3A_7] : memref<10000x128xf32, #tpu.memory_space<hbm>> -> memref<10000x128xf32, #tpu.memory_space<hbm>>
    tpu.enqueue_indirect_dma source(%dma_start3A_8 : memref<10000x128xf32, #tpu.memory_space<hbm>>) target(%arg10 : memref<128x128xf32, #tpu.memory_space<vmem>>) offsets(%dma_start3A_5 : memref<128xi32, #tpu.memory_space<vmem>>) semaphore(%arg13 : memref<!tpu.dma_semaphore, #tpu.memory_space<semaphore_mem>>)
    %add3A_9 = arith.constant 32 : i32
    %add3A_10 = arith.addi %add3A, %add3A_9 : i32
    %mul3A_11 = arith.constant 128 : i32
    %mul3A_12 = arith.muli %add3A_10, %mul3A_11 : i32
    "tpu.region"() ({
      %run_scoped3A = tpu.sem_alloc : memref<!tpu.dma_semaphore, #tpu.memory_space<semaphore_mem>>
      %dma_start3A_35 = arith.constant 0 : i32
      %dma_start3A_36 = tpu.memref_slice %arg3[%dma_start3A_35, %mul3A_12] : memref<2x320000xi32, #tpu.memory_space<hbm>> -> memref<2x128xi32, #tpu.memory_space<hbm>>
      %dma_start3A_37 = arith.constant 0 : i32
      %dma_start3A_38 = tpu.memref_slice %arg3[%dma_start3A_37, %mul3A_12] : memref<2x320000xi32, #tpu.memory_space<hbm>> -> memref<2x128xi32, #tpu.memory_space<hbm>>
      tpu.enqueue_dma source(%dma_start3A_38 : memref<2x128xi32, #tpu.memory_space<hbm>>) target(%arg7 : memref<2x128xi32, #tpu.memory_space<vmem>>) target_semaphore(%run_scoped3A : memref<!tpu.dma_semaphore, #tpu.memory_space<semaphore_mem>>)
      %dma_wait3A = arith.constant 0 : i32
      %dma_wait3A_39 = tpu.memref_slice %arg3[%dma_wait3A, %mul3A_12] : memref<2x320000xi32, #tpu.memory_space<hbm>> -> memref<2x128xi32, #tpu.memory_space<hbm>>
      %dma_wait3A_40 = arith.constant 0 : i32
      %dma_wait3A_41 = tpu.memref_slice %arg3[%dma_wait3A_40, %mul3A_12] : memref<2x320000xi32, #tpu.memory_space<hbm>> -> memref<2x128xi32, #tpu.memory_space<hbm>>
      tpu.wait_dma2 semaphore(%run_scoped3A : memref<!tpu.dma_semaphore, #tpu.memory_space<semaphore_mem>>) src(%dma_wait3A_41 : memref<2x128xi32, #tpu.memory_space<hbm>>) dst(%arg7 : memref<2x128xi32, #tpu.memory_space<vmem>>)
      tpu.yield
    }) : () -> ()
    %dma_start3A_13 = arith.constant 0 : i32
    %dma_start3A_14 = arith.constant 0 : i32
    %dma_start3A_15 = tpu.memref_slice %arg7[%dma_start3A_13, %dma_start3A_14] : memref<2x128xi32, #tpu.memory_space<vmem>> -> memref<1x128xi32, #tpu.memory_space<vmem>>
    %dma_start3A_16 = tpu.memref_squeeze %dma_start3A_15 : memref<1x128xi32, #tpu.memory_space<vmem>> -> memref<128xi32, #tpu.memory_space<vmem>>
    %dma_start3A_17 = arith.constant 0 : i32
    %dma_start3A_18 = arith.constant 0 : i32
    %dma_start3A_19 = tpu.memref_slice %arg2[%dma_start3A_17, %dma_start3A_18] : memref<10000x128xf32, #tpu.memory_space<hbm>> -> memref<10000x128xf32, #tpu.memory_space<hbm>>
    tpu.enqueue_indirect_dma source(%dma_start3A_19 : memref<10000x128xf32, #tpu.memory_space<hbm>>) target(%arg11 : memref<128x128xf32, #tpu.memory_space<vmem>>) offsets(%dma_start3A_16 : memref<128xi32, #tpu.memory_space<vmem>>) semaphore(%arg14 : memref<!tpu.dma_semaphore, #tpu.memory_space<semaphore_mem>>)
    %mul3A_20 = arith.constant 632 : i32
    %mul3A_21 = arith.muli %arg1, %mul3A_20 : i32
    %mul3A_22 = arith.constant 632 : i32
    %mul3A_23 = arith.muli %arg1, %mul3A_22 : i32
    "tpu.region"() ({
      %run_scoped3A = tpu.sem_alloc : memref<!tpu.dma_semaphore, #tpu.memory_space<semaphore_mem>>
      %dma_start3A_35 = arith.constant 0 : i32
      %dma_start3A_36 = tpu.memref_slice %arg12[%mul3A_23, %dma_start3A_35] : memref<10112x128xf32, #tpu.memory_space<vmem_shared>> -> memref<632x128xf32, #tpu.memory_space<vmem_shared>>
      %dma_start3A_37 = arith.constant 0 : i32
      %dma_start3A_38 = tpu.memref_slice %arg4[%mul3A_21, %dma_start3A_37] : memref<10112x128xf32, #tpu.memory_space<hbm>> -> memref<632x128xf32, #tpu.memory_space<hbm>>
      tpu.enqueue_dma source(%dma_start3A_38 : memref<632x128xf32, #tpu.memory_space<hbm>>) target(%dma_start3A_36 : memref<632x128xf32, #tpu.memory_space<vmem_shared>>) target_semaphore(%run_scoped3A : memref<!tpu.dma_semaphore, #tpu.memory_space<semaphore_mem>>)
      %dma_wait3A = arith.constant 0 : i32
      %dma_wait3A_39 = tpu.memref_slice %arg12[%mul3A_23, %dma_wait3A] : memref<10112x128xf32, #tpu.memory_space<vmem_shared>> -> memref<632x128xf32, #tpu.memory_space<vmem_shared>>
      %dma_wait3A_40 = arith.constant 0 : i32
      %dma_wait3A_41 = tpu.memref_slice %arg4[%mul3A_21, %dma_wait3A_40] : memref<10112x128xf32, #tpu.memory_space<hbm>> -> memref<632x128xf32, #tpu.memory_space<hbm>>
      tpu.wait_dma2 semaphore(%run_scoped3A : memref<!tpu.dma_semaphore, #tpu.memory_space<semaphore_mem>>) src(%dma_wait3A_41 : memref<632x128xf32, #tpu.memory_space<hbm>>) dst(%dma_wait3A_39 : memref<632x128xf32, #tpu.memory_space<vmem_shared>>)
      tpu.yield
    }) : () -> ()
    %barrier3A = arith.constant 0 : index
    tpu.barrier barrier_id(%barrier3A)
    %scan3A = arith.constant 0 : i32
    %scan3A_24 = arith.constant 39 : i32
    %scan3A_25 = arith.addi %scan3A, %scan3A_24 : i32
    %scan3A_26 = arith.constant 1 : i32
    scf.for %scan3A_35 = %scan3A to %scan3A_25 step %scan3A_26  : i32 {
      %mul3A_36 = arith.constant 2 : i32
      %mul3A_37 = arith.muli %scan3A_35, %mul3A_36 : i32
      %add3A_38 = arith.constant 0 : i32
      %add3A_39 = arith.addi %add3A_38, %mul3A_37 : i32
      %add3A_40 = arith.constant 2 : i32
      %add3A_41 = arith.addi %add3A_39, %add3A_40 : i32
      %mul3A_42 = arith.constant 32 : i32
      %mul3A_43 = arith.muli %add3A_41, %mul3A_42 : i32
      %add3A_44 = arith.addi %add3A, %mul3A_43 : i32
      %mul3A_45 = arith.constant 128 : i32
      %mul3A_46 = arith.muli %add3A_44, %mul3A_45 : i32
      %add3A_47 = arith.constant 3 : i32
      %add3A_48 = arith.addi %add3A_39, %add3A_47 : i32
      %mul3A_49 = arith.constant 32 : i32
      %mul3A_50 = arith.muli %add3A_48, %mul3A_49 : i32
      %add3A_51 = arith.addi %add3A, %mul3A_50 : i32
      %mul3A_52 = arith.constant 128 : i32
      %mul3A_53 = arith.muli %add3A_51, %mul3A_52 : i32
      %dma_wait3A = arith.constant 0 : i32
      %dma_wait3A_54 = arith.constant 0 : i32
      %dma_wait3A_55 = tpu.memref_slice %arg6[%dma_wait3A, %dma_wait3A_54] : memref<2x128xi32, #tpu.memory_space<vmem>> -> memref<1x128xi32, #tpu.memory_space<vmem>>
      %dma_wait3A_56 = tpu.memref_squeeze %dma_wait3A_55 : memref<1x128xi32, #tpu.memory_space<vmem>> -> memref<128xi32, #tpu.memory_space<vmem>>
      %dma_wait3A_57 = arith.constant 0 : i32
      %dma_wait3A_58 = arith.constant 0 : i32
      %dma_wait3A_59 = tpu.memref_slice %arg2[%dma_wait3A_57, %dma_wait3A_58] : memref<10000x128xf32, #tpu.memory_space<hbm>> -> memref<10000x128xf32, #tpu.memory_space<hbm>>
      tpu.wait_indirect_dma semaphore(%arg13 : memref<!tpu.dma_semaphore, #tpu.memory_space<semaphore_mem>>) src(%dma_wait3A_59 : memref<10000x128xf32, #tpu.memory_space<hbm>>) dst(%arg10 : memref<128x128xf32, #tpu.memory_space<vmem>>)
      %get3A = arith.constant 1 : i32
      %get3A_60 = arith.index_cast %get3A : i32 to index
      %get3A_61 = arith.constant 0 : index
      %get3A_62 = tpu.vector_load %arg6[%get3A_60, %get3A_61] {strides = array<i32>} : memref<2x128xi32, #tpu.memory_space<vmem>>, vector<1x16xi32>,
      %get3A_63 = vector.shape_cast %get3A_62 : vector<1x16xi32> to vector<16xi32>
      %swap3A = arith.constant 0 : index
      %swap3A_64 = tpu.vector_load %arg8[%swap3A] {strides = array<i32>} : memref<128xi32, #tpu.memory_space<vmem>>, vector<16xi32>,
      %swap3A_65 = vector.shape_cast %swap3A_64 : vector<16xi32> to vector<16xi32>
      %swap3A_66 = vector.shape_cast %get3A_63 : vector<16xi32> to vector<16xi32>
      tpu.vector_store %arg8[%swap3A], %swap3A_66 {strides = array<i32>} : memref<128xi32, #tpu.memory_space<vmem>>, vector<16xi32>,
      %get3A_67 = arith.constant 1 : i32
      %get3A_68 = arith.index_cast %get3A_67 : i32 to index
      %get3A_69 = arith.constant 16 : index
      %get3A_70 = tpu.vector_load %arg6[%get3A_68, %get3A_69] {strides = array<i32>} : memref<2x128xi32, #tpu.memory_space<vmem>>, vector<1x16xi32>,
      %get3A_71 = vector.shape_cast %get3A_70 : vector<1x16xi32> to vector<16xi32>
      %swap3A_72 = arith.constant 16 : index
      %swap3A_73 = tpu.vector_load %arg8[%swap3A_72] {strides = array<i32>} : memref<128xi32, #tpu.memory_space<vmem>>, vector<16xi32>,
      %swap3A_74 = vector.shape_cast %swap3A_73 : vector<16xi32> to vector<16xi32>
      %swap3A_75 = vector.shape_cast %get3A_71 : vector<16xi32> to vector<16xi32>
      tpu.vector_store %arg8[%swap3A_72], %swap3A_75 {strides = array<i32>} : memref<128xi32, #tpu.memory_space<vmem>>, vector<16xi32>,
      %get3A_76 = arith.constant 1 : i32
      %get3A_77 = arith.index_cast %get3A_76 : i32 to index
      %get3A_78 = arith.constant 32 : index
      %get3A_79 = tpu.vector_load %arg6[%get3A_77, %get3A_78] {strides = array<i32>} : memref<2x128xi32, #tpu.memory_space<vmem>>, vector<1x16xi32>,
      %get3A_80 = vector.shape_cast %get3A_79 : vector<1x16xi32> to vector<16xi32>
      %swap3A_81 = arith.constant 32 : index
      %swap3A_82 = tpu.vector_load %arg8[%swap3A_81] {strides = array<i32>} : memref<128xi32, #tpu.memory_space<vmem>>, vector<16xi32>,
      %swap3A_83 = vector.shape_cast %swap3A_82 : vector<16xi32> to vector<16xi32>
      %swap3A_84 = vector.shape_cast %get3A_80 : vector<16xi32> to vector<16xi32>
      tpu.vector_store %arg8[%swap3A_81], %swap3A_84 {strides = array<i32>} : memref<128xi32, #tpu.memory_space<vmem>>, vector<16xi32>,
      %get3A_85 = arith.constant 1 : i32
      %get3A_86 = arith.index_cast %get3A_85 : i32 to index
      %get3A_87 = arith.constant 48 : index
      %get3A_88 = tpu.vector_load %arg6[%get3A_86, %get3A_87] {strides = array<i32>} : memref<2x128xi32, #tpu.memory_space<vmem>>, vector<1x16xi32>,
      %get3A_89 = vector.shape_cast %get3A_88 : vector<1x16xi32> to vector<16xi32>
      %swap3A_90 = arith.constant 48 : index
      %swap3A_91 = tpu.vector_load %arg8[%swap3A_90] {strides = array<i32>} : memref<128xi32, #tpu.memory_space<vmem>>, vector<16xi32>,
      %swap3A_92 = vector.shape_cast %swap3A_91 : vector<16xi32> to vector<16xi32>
      %swap3A_93 = vector.shape_cast %get3A_89 : vector<16xi32> to vector<16xi32>
      tpu.vector_store %arg8[%swap3A_90], %swap3A_93 {strides = array<i32>} : memref<128xi32, #tpu.memory_space<vmem>>, vector<16xi32>,
      %get3A_94 = arith.constant 1 : i32
      %get3A_95 = arith.index_cast %get3A_94 : i32 to index
      %get3A_96 = arith.constant 64 : index
      %get3A_97 = tpu.vector_load %arg6[%get3A_95, %get3A_96] {strides = array<i32>} : memref<2x128xi32, #tpu.memory_space<vmem>>, vector<1x16xi32>,
      %get3A_98 = vector.shape_cast %get3A_97 : vector<1x16xi32> to vector<16xi32>
      %swap3A_99 = arith.constant 64 : index
      %swap3A_100 = tpu.vector_load %arg8[%swap3A_99] {strides = array<i32>} : memref<128xi32, #tpu.memory_space<vmem>>, vector<16xi32>,
      %swap3A_101 = vector.shape_cast %swap3A_100 : vector<16xi32> to vector<16xi32>
      %swap3A_102 = vector.shape_cast %get3A_98 : vector<16xi32> to vector<16xi32>
      tpu.vector_store %arg8[%swap3A_99], %swap3A_102 {strides = array<i32>} : memref<128xi32, #tpu.memory_space<vmem>>, vector<16xi32>,
      %get3A_103 = arith.constant 1 : i32
      %get3A_104 = arith.index_cast %get3A_103 : i32 to index
      %get3A_105 = arith.constant 80 : index
      %get3A_106 = tpu.vector_load %arg6[%get3A_104, %get3A_105] {strides = array<i32>} : memref<2x128xi32, #tpu.memory_space<vmem>>, vector<1x16xi32>,
      %get3A_107 = vector.shape_cast %get3A_106 : vector<1x16xi32> to vector<16xi32>
      %swap3A_108 = arith.constant 80 : index
      %swap3A_109 = tpu.vector_load %arg8[%swap3A_108] {strides = array<i32>} : memref<128xi32, #tpu.memory_space<vmem>>, vector<16xi32>,
      %swap3A_110 = vector.shape_cast %swap3A_109 : vector<16xi32> to vector<16xi32>
      %swap3A_111 = vector.shape_cast %get3A_107 : vector<16xi32> to vector<16xi32>
      tpu.vector_store %arg8[%swap3A_108], %swap3A_111 {strides = array<i32>} : memref<128xi32, #tpu.memory_space<vmem>>, vector<16xi32>,
      %get3A_112 = arith.constant 1 : i32
      %get3A_113 = arith.index_cast %get3A_112 : i32 to index
      %get3A_114 = arith.constant 96 : index
      %get3A_115 = tpu.vector_load %arg6[%get3A_113, %get3A_114] {strides = array<i32>} : memref<2x128xi32, #tpu.memory_space<vmem>>, vector<1x16xi32>,
      %get3A_116 = vector.shape_cast %get3A_115 : vector<1x16xi32> to vector<16xi32>
      %swap3A_117 = arith.constant 96 : index
      %swap3A_118 = tpu.vector_load %arg8[%swap3A_117] {strides = array<i32>} : memref<128xi32, #tpu.memory_space<vmem>>, vector<16xi32>,
      %swap3A_119 = vector.shape_cast %swap3A_118 : vector<16xi32> to vector<16xi32>
      %swap3A_120 = vector.shape_cast %get3A_116 : vector<16xi32> to vector<16xi32>
      tpu.vector_store %arg8[%swap3A_117], %swap3A_120 {strides = array<i32>} : memref<128xi32, #tpu.memory_space<vmem>>, vector<16xi32>,
      %get3A_121 = arith.constant 1 : i32
      %get3A_122 = arith.index_cast %get3A_121 : i32 to index
      %get3A_123 = arith.constant 112 : index
      %get3A_124 = tpu.vector_load %arg6[%get3A_122, %get3A_123] {strides = array<i32>} : memref<2x128xi32, #tpu.memory_space<vmem>>, vector<1x16xi32>,
      %get3A_125 = vector.shape_cast %get3A_124 : vector<1x16xi32> to vector<16xi32>
      %swap3A_126 = arith.constant 112 : index
      %swap3A_127 = tpu.vector_load %arg8[%swap3A_126] {strides = array<i32>} : memref<128xi32, #tpu.memory_space<vmem>>, vector<16xi32>,
      %swap3A_128 = vector.shape_cast %swap3A_127 : vector<16xi32> to vector<16xi32>
      %swap3A_129 = vector.shape_cast %get3A_125 : vector<16xi32> to vector<16xi32>
      tpu.vector_store %arg8[%swap3A_126], %swap3A_129 {strides = array<i32>} : memref<128xi32, #tpu.memory_space<vmem>>, vector<16xi32>,
      %add3A_130 = arith.constant 2 : i32
      %add3A_131 = arith.addi %add3A_39, %add3A_130 : i32
      %lt3A_132 = arith.constant 78 : i32
      %lt3A_133 = arith.cmpi slt, %add3A_131, %lt3A_132 : i32
      %convert_element_type3A_134 = arith.extui %lt3A_133 : i1 to i32
      %cond3A_135 = arith.constant 0 : i32
      %cond3A_136 = arith.cmpi ne, %convert_element_type3A_134, %cond3A_135 : i32
      scf.if %cond3A_136 {
        %dma_start3A_237 = arith.constant 0 : i32
        %dma_start3A_238 = tpu.memref_slice %arg3[%dma_start3A_237, %mul3A_46] : memref<2x320000xi32, #tpu.memory_space<hbm>> -> memref<2x128xi32, #tpu.memory_space<hbm>>
        %dma_start3A_239 = arith.constant 0 : i32
        %dma_start3A_240 = tpu.memref_slice %arg3[%dma_start3A_239, %mul3A_46] : memref<2x320000xi32, #tpu.memory_space<hbm>> -> memref<2x128xi32, #tpu.memory_space<hbm>>
        tpu.enqueue_dma source(%dma_start3A_240 : memref<2x128xi32, #tpu.memory_space<hbm>>) target(%arg6 : memref<2x128xi32, #tpu.memory_space<vmem>>) target_semaphore(%arg15 : memref<!tpu.dma_semaphore, #tpu.memory_space<semaphore_mem>>)
      } else {
      }
      "tpu.region"() ({
        %run_scoped3A = tpu.sem_alloc : memref<!tpu.dma_semaphore, #tpu.memory_space<semaphore_mem>>
        %dma_start3A_237 = arith.constant 0 : i32
        %dma_start3A_238 = arith.constant 0 : i32
        %dma_start3A_239 = tpu.memref_slice %arg12[%dma_start3A_237, %dma_start3A_238] : memref<10112x128xf32, #tpu.memory_space<vmem_shared>> -> memref<10112x128xf32, #tpu.memory_space<vmem_shared>>
        tpu.enqueue_indirect_dma source(%arg10 : memref<128x128xf32, #tpu.memory_space<vmem>>) target(%dma_start3A_239 : memref<10112x128xf32, #tpu.memory_space<vmem_shared>>) offsets(%arg8 : memref<128xi32, #tpu.memory_space<vmem>>) semaphore(%run_scoped3A : memref<!tpu.dma_semaphore, #tpu.memory_space<semaphore_mem>>) {add = true}
        %dma_wait3A_240 = arith.constant 0 : i32
        %dma_wait3A_241 = arith.constant 0 : i32
        %dma_wait3A_242 = tpu.memref_slice %arg12[%dma_wait3A_240, %dma_wait3A_241] : memref<10112x128xf32, #tpu.memory_space<vmem_shared>> -> memref<10112x128xf32, #tpu.memory_space<vmem_shared>>
        tpu.wait_indirect_dma semaphore(%run_scoped3A : memref<!tpu.dma_semaphore, #tpu.memory_space<semaphore_mem>>) src(%arg10 : memref<128x128xf32, #tpu.memory_space<vmem>>) dst(%dma_wait3A_242 : memref<10112x128xf32, #tpu.memory_space<vmem_shared>>)
        tpu.yield
      }) : () -> ()
      %add3A_137 = arith.constant 2 : i32
      %add3A_138 = arith.addi %add3A_39, %add3A_137 : i32
      %lt3A_139 = arith.constant 78 : i32
      %lt3A_140 = arith.cmpi slt, %add3A_138, %lt3A_139 : i32
      %convert_element_type3A_141 = arith.extui %lt3A_140 : i1 to i32
      %cond3A_142 = arith.constant 0 : i32
      %cond3A_143 = arith.cmpi ne, %convert_element_type3A_141, %cond3A_142 : i32
      scf.if %cond3A_143 {
        %dma_wait3A_237 = arith.constant 0 : i32
        %dma_wait3A_238 = tpu.memref_slice %arg3[%dma_wait3A_237, %mul3A_46] : memref<2x320000xi32, #tpu.memory_space<hbm>> -> memref<2x128xi32, #tpu.memory_space<hbm>>
        %dma_wait3A_239 = arith.constant 0 : i32
        %dma_wait3A_240 = tpu.memref_slice %arg3[%dma_wait3A_239, %mul3A_46] : memref<2x320000xi32, #tpu.memory_space<hbm>> -> memref<2x128xi32, #tpu.memory_space<hbm>>
        tpu.wait_dma2 semaphore(%arg15 : memref<!tpu.dma_semaphore, #tpu.memory_space<semaphore_mem>>) src(%dma_wait3A_240 : memref<2x128xi32, #tpu.memory_space<hbm>>) dst(%arg6 : memref<2x128xi32, #tpu.memory_space<vmem>>)
        %dma_start3A_241 = arith.constant 0 : i32
        %dma_start3A_242 = arith.constant 0 : i32
        %dma_start3A_243 = tpu.memref_slice %arg6[%dma_start3A_241, %dma_start3A_242] : memref<2x128xi32, #tpu.memory_space<vmem>> -> memref<1x128xi32, #tpu.memory_space<vmem>>
        %dma_start3A_244 = tpu.memref_squeeze %dma_start3A_243 : memref<1x128xi32, #tpu.memory_space<vmem>> -> memref<128xi32, #tpu.memory_space<vmem>>
        %dma_start3A_245 = arith.constant 0 : i32
        %dma_start3A_246 = arith.constant 0 : i32
        %dma_start3A_247 = tpu.memref_slice %arg2[%dma_start3A_245, %dma_start3A_246] : memref<10000x128xf32, #tpu.memory_space<hbm>> -> memref<10000x128xf32, #tpu.memory_space<hbm>>
        tpu.enqueue_indirect_dma source(%dma_start3A_247 : memref<10000x128xf32, #tpu.memory_space<hbm>>) target(%arg10 : memref<128x128xf32, #tpu.memory_space<vmem>>) offsets(%dma_start3A_244 : memref<128xi32, #tpu.memory_space<vmem>>) semaphore(%arg13 : memref<!tpu.dma_semaphore, #tpu.memory_space<semaphore_mem>>)
      } else {
      }
      %dma_wait3A_144 = arith.constant 0 : i32
      %dma_wait3A_145 = arith.constant 0 : i32
      %dma_wait3A_146 = tpu.memref_slice %arg7[%dma_wait3A_144, %dma_wait3A_145] : memref<2x128xi32, #tpu.memory_space<vmem>> -> memref<1x128xi32, #tpu.memory_space<vmem>>
      %dma_wait3A_147 = tpu.memref_squeeze %dma_wait3A_146 : memref<1x128xi32, #tpu.memory_space<vmem>> -> memref<128xi32, #tpu.memory_space<vmem>>
      %dma_wait3A_148 = arith.constant 0 : i32
      %dma_wait3A_149 = arith.constant 0 : i32
      %dma_wait3A_150 = tpu.memref_slice %arg2[%dma_wait3A_148, %dma_wait3A_149] : memref<10000x128xf32, #tpu.memory_space<hbm>> -> memref<10000x128xf32, #tpu.memory_space<hbm>>
      tpu.wait_indirect_dma semaphore(%arg14 : memref<!tpu.dma_semaphore, #tpu.memory_space<semaphore_mem>>) src(%dma_wait3A_150 : memref<10000x128xf32, #tpu.memory_space<hbm>>) dst(%arg11 : memref<128x128xf32, #tpu.memory_space<vmem>>)
      %get3A_151 = arith.constant 1 : i32
      %get3A_152 = arith.index_cast %get3A_151 : i32 to index
      %get3A_153 = arith.constant 0 : index
      %get3A_154 = tpu.vector_load %arg7[%get3A_152, %get3A_153] {strides = array<i32>} : memref<2x128xi32, #tpu.memory_space<vmem>>, vector<1x16xi32>,
      %get3A_155 = vector.shape_cast %get3A_154 : vector<1x16xi32> to vector<16xi32>
      %swap3A_156 = arith.constant 0 : index
      %swap3A_157 = tpu.vector_load %arg9[%swap3A_156] {strides = array<i32>} : memref<128xi32, #tpu.memory_space<vmem>>, vector<16xi32>,
      %swap3A_158 = vector.shape_cast %swap3A_157 : vector<16xi32> to vector<16xi32>
      %swap3A_159 = vector.shape_cast %get3A_155 : vector<16xi32> to vector<16xi32>
      tpu.vector_store %arg9[%swap3A_156], %swap3A_159 {strides = array<i32>} : memref<128xi32, #tpu.memory_space<vmem>>, vector<16xi32>,
      %get3A_160 = arith.constant 1 : i32
      %get3A_161 = arith.index_cast %get3A_160 : i32 to index
      %get3A_162 = arith.constant 16 : index
      %get3A_163 = tpu.vector_load %arg7[%get3A_161, %get3A_162] {strides = array<i32>} : memref<2x128xi32, #tpu.memory_space<vmem>>, vector<1x16xi32>,
      %get3A_164 = vector.shape_cast %get3A_163 : vector<1x16xi32> to vector<16xi32>
      %swap3A_165 = arith.constant 16 : index
      %swap3A_166 = tpu.vector_load %arg9[%swap3A_165] {strides = array<i32>} : memref<128xi32, #tpu.memory_space<vmem>>, vector<16xi32>,
      %swap3A_167 = vector.shape_cast %swap3A_166 : vector<16xi32> to vector<16xi32>
      %swap3A_168 = vector.shape_cast %get3A_164 : vector<16xi32> to vector<16xi32>
      tpu.vector_store %arg9[%swap3A_165], %swap3A_168 {strides = array<i32>} : memref<128xi32, #tpu.memory_space<vmem>>, vector<16xi32>,
      %get3A_169 = arith.constant 1 : i32
      %get3A_170 = arith.index_cast %get3A_169 : i32 to index
      %get3A_171 = arith.constant 32 : index
      %get3A_172 = tpu.vector_load %arg7[%get3A_170, %get3A_171] {strides = array<i32>} : memref<2x128xi32, #tpu.memory_space<vmem>>, vector<1x16xi32>,
      %get3A_173 = vector.shape_cast %get3A_172 : vector<1x16xi32> to vector<16xi32>
      %swap3A_174 = arith.constant 32 : index
      %swap3A_175 = tpu.vector_load %arg9[%swap3A_174] {strides = array<i32>} : memref<128xi32, #tpu.memory_space<vmem>>, vector<16xi32>,
      %swap3A_176 = vector.shape_cast %swap3A_175 : vector<16xi32> to vector<16xi32>
      %swap3A_177 = vector.shape_cast %get3A_173 : vector<16xi32> to vector<16xi32>
      tpu.vector_store %arg9[%swap3A_174], %swap3A_177 {strides = array<i32>} : memref<128xi32, #tpu.memory_space<vmem>>, vector<16xi32>,
      %get3A_178 = arith.constant 1 : i32
      %get3A_179 = arith.index_cast %get3A_178 : i32 to index
      %get3A_180 = arith.constant 48 : index
      %get3A_181 = tpu.vector_load %arg7[%get3A_179, %get3A_180] {strides = array<i32>} : memref<2x128xi32, #tpu.memory_space<vmem>>, vector<1x16xi32>,
      %get3A_182 = vector.shape_cast %get3A_181 : vector<1x16xi32> to vector<16xi32>
      %swap3A_183 = arith.constant 48 : index
      %swap3A_184 = tpu.vector_load %arg9[%swap3A_183] {strides = array<i32>} : memref<128xi32, #tpu.memory_space<vmem>>, vector<16xi32>,
      %swap3A_185 = vector.shape_cast %swap3A_184 : vector<16xi32> to vector<16xi32>
      %swap3A_186 = vector.shape_cast %get3A_182 : vector<16xi32> to vector<16xi32>
      tpu.vector_store %arg9[%swap3A_183], %swap3A_186 {strides = array<i32>} : memref<128xi32, #tpu.memory_space<vmem>>, vector<16xi32>,
      %get3A_187 = arith.constant 1 : i32
      %get3A_188 = arith.index_cast %get3A_187 : i32 to index
      %get3A_189 = arith.constant 64 : index
      %get3A_190 = tpu.vector_load %arg7[%get3A_188, %get3A_189] {strides = array<i32>} : memref<2x128xi32, #tpu.memory_space<vmem>>, vector<1x16xi32>,
      %get3A_191 = vector.shape_cast %get3A_190 : vector<1x16xi32> to vector<16xi32>
      %swap3A_192 = arith.constant 64 : index
      %swap3A_193 = tpu.vector_load %arg9[%swap3A_192] {strides = array<i32>} : memref<128xi32, #tpu.memory_space<vmem>>, vector<16xi32>,
      %swap3A_194 = vector.shape_cast %swap3A_193 : vector<16xi32> to vector<16xi32>
      %swap3A_195 = vector.shape_cast %get3A_191 : vector<16xi32> to vector<16xi32>
      tpu.vector_store %arg9[%swap3A_192], %swap3A_195 {strides = array<i32>} : memref<128xi32, #tpu.memory_space<vmem>>, vector<16xi32>,
      %get3A_196 = arith.constant 1 : i32
      %get3A_197 = arith.index_cast %get3A_196 : i32 to index
      %get3A_198 = arith.constant 80 : index
      %get3A_199 = tpu.vector_load %arg7[%get3A_197, %get3A_198] {strides = array<i32>} : memref<2x128xi32, #tpu.memory_space<vmem>>, vector<1x16xi32>,
      %get3A_200 = vector.shape_cast %get3A_199 : vector<1x16xi32> to vector<16xi32>
      %swap3A_201 = arith.constant 80 : index
      %swap3A_202 = tpu.vector_load %arg9[%swap3A_201] {strides = array<i32>} : memref<128xi32, #tpu.memory_space<vmem>>, vector<16xi32>,
      %swap3A_203 = vector.shape_cast %swap3A_202 : vector<16xi32> to vector<16xi32>
      %swap3A_204 = vector.shape_cast %get3A_200 : vector<16xi32> to vector<16xi32>
      tpu.vector_store %arg9[%swap3A_201], %swap3A_204 {strides = array<i32>} : memref<128xi32, #tpu.memory_space<vmem>>, vector<16xi32>,
      %get3A_205 = arith.constant 1 : i32
      %get3A_206 = arith.index_cast %get3A_205 : i32 to index
      %get3A_207 = arith.constant 96 : index
      %get3A_208 = tpu.vector_load %arg7[%get3A_206, %get3A_207] {strides = array<i32>} : memref<2x128xi32, #tpu.memory_space<vmem>>, vector<1x16xi32>,
      %get3A_209 = vector.shape_cast %get3A_208 : vector<1x16xi32> to vector<16xi32>
      %swap3A_210 = arith.constant 96 : index
      %swap3A_211 = tpu.vector_load %arg9[%swap3A_210] {strides = array<i32>} : memref<128xi32, #tpu.memory_space<vmem>>, vector<16xi32>,
      %swap3A_212 = vector.shape_cast %swap3A_211 : vector<16xi32> to vector<16xi32>
      %swap3A_213 = vector.shape_cast %get3A_209 : vector<16xi32> to vector<16xi32>
      tpu.vector_store %arg9[%swap3A_210], %swap3A_213 {strides = array<i32>} : memref<128xi32, #tpu.memory_space<vmem>>, vector<16xi32>,
      %get3A_214 = arith.constant 1 : i32
      %get3A_215 = arith.index_cast %get3A_214 : i32 to index
      %get3A_216 = arith.constant 112 : index
      %get3A_217 = tpu.vector_load %arg7[%get3A_215, %get3A_216] {strides = array<i32>} : memref<2x128xi32, #tpu.memory_space<vmem>>, vector<1x16xi32>,
      %get3A_218 = vector.shape_cast %get3A_217 : vector<1x16xi32> to vector<16xi32>
      %swap3A_219 = arith.constant 112 : index
      %swap3A_220 = tpu.vector_load %arg9[%swap3A_219] {strides = array<i32>} : memref<128xi32, #tpu.memory_space<vmem>>, vector<16xi32>,
      %swap3A_221 = vector.shape_cast %swap3A_220 : vector<16xi32> to vector<16xi32>
      %swap3A_222 = vector.shape_cast %get3A_218 : vector<16xi32> to vector<16xi32>
      tpu.vector_store %arg9[%swap3A_219], %swap3A_222 {strides = array<i32>} : memref<128xi32, #tpu.memory_space<vmem>>, vector<16xi32>,
      %add3A_223 = arith.constant 3 : i32
      %add3A_224 = arith.addi %add3A_39, %add3A_223 : i32
      %lt3A_225 = arith.constant 78 : i32
      %lt3A_226 = arith.cmpi slt, %add3A_224, %lt3A_225 : i32
      %convert_element_type3A_227 = arith.extui %lt3A_226 : i1 to i32
      %cond3A_228 = arith.constant 0 : i32
      %cond3A_229 = arith.cmpi ne, %convert_element_type3A_227, %cond3A_228 : i32
      scf.if %cond3A_229 {
        %dma_start3A_237 = arith.constant 0 : i32
        %dma_start3A_238 = tpu.memref_slice %arg3[%dma_start3A_237, %mul3A_53] : memref<2x320000xi32, #tpu.memory_space<hbm>> -> memref<2x128xi32, #tpu.memory_space<hbm>>
        %dma_start3A_239 = arith.constant 0 : i32
        %dma_start3A_240 = tpu.memref_slice %arg3[%dma_start3A_239, %mul3A_53] : memref<2x320000xi32, #tpu.memory_space<hbm>> -> memref<2x128xi32, #tpu.memory_space<hbm>>
        tpu.enqueue_dma source(%dma_start3A_240 : memref<2x128xi32, #tpu.memory_space<hbm>>) target(%arg7 : memref<2x128xi32, #tpu.memory_space<vmem>>) target_semaphore(%arg16 : memref<!tpu.dma_semaphore, #tpu.memory_space<semaphore_mem>>)
      } else {
      }
      "tpu.region"() ({
        %run_scoped3A = tpu.sem_alloc : memref<!tpu.dma_semaphore, #tpu.memory_space<semaphore_mem>>
        %dma_start3A_237 = arith.constant 0 : i32
        %dma_start3A_238 = arith.constant 0 : i32
        %dma_start3A_239 = tpu.memref_slice %arg12[%dma_start3A_237, %dma_start3A_238] : memref<10112x128xf32, #tpu.memory_space<vmem_shared>> -> memref<10112x128xf32, #tpu.memory_space<vmem_shared>>
        tpu.enqueue_indirect_dma source(%arg11 : memref<128x128xf32, #tpu.memory_space<vmem>>) target(%dma_start3A_239 : memref<10112x128xf32, #tpu.memory_space<vmem_shared>>) offsets(%arg9 : memref<128xi32, #tpu.memory_space<vmem>>) semaphore(%run_scoped3A : memref<!tpu.dma_semaphore, #tpu.memory_space<semaphore_mem>>) {add = true}
        %dma_wait3A_240 = arith.constant 0 : i32
        %dma_wait3A_241 = arith.constant 0 : i32
        %dma_wait3A_242 = tpu.memref_slice %arg12[%dma_wait3A_240, %dma_wait3A_241] : memref<10112x128xf32, #tpu.memory_space<vmem_shared>> -> memref<10112x128xf32, #tpu.memory_space<vmem_shared>>
        tpu.wait_indirect_dma semaphore(%run_scoped3A : memref<!tpu.dma_semaphore, #tpu.memory_space<semaphore_mem>>) src(%arg11 : memref<128x128xf32, #tpu.memory_space<vmem>>) dst(%dma_wait3A_242 : memref<10112x128xf32, #tpu.memory_space<vmem_shared>>)
        tpu.yield
      }) : () -> ()
      %add3A_230 = arith.constant 3 : i32
      %add3A_231 = arith.addi %add3A_39, %add3A_230 : i32
      %lt3A_232 = arith.constant 78 : i32
      %lt3A_233 = arith.cmpi slt, %add3A_231, %lt3A_232 : i32
      %convert_element_type3A_234 = arith.extui %lt3A_233 : i1 to i32
      %cond3A_235 = arith.constant 0 : i32
      %cond3A_236 = arith.cmpi ne, %convert_element_type3A_234, %cond3A_235 : i32
      scf.if %cond3A_236 {
        %dma_wait3A_237 = arith.constant 0 : i32
        %dma_wait3A_238 = tpu.memref_slice %arg3[%dma_wait3A_237, %mul3A_53] : memref<2x320000xi32, #tpu.memory_space<hbm>> -> memref<2x128xi32, #tpu.memory_space<hbm>>
        %dma_wait3A_239 = arith.constant 0 : i32
        %dma_wait3A_240 = tpu.memref_slice %arg3[%dma_wait3A_239, %mul3A_53] : memref<2x320000xi32, #tpu.memory_space<hbm>> -> memref<2x128xi32, #tpu.memory_space<hbm>>
        tpu.wait_dma2 semaphore(%arg16 : memref<!tpu.dma_semaphore, #tpu.memory_space<semaphore_mem>>) src(%dma_wait3A_240 : memref<2x128xi32, #tpu.memory_space<hbm>>) dst(%arg7 : memref<2x128xi32, #tpu.memory_space<vmem>>)
        %dma_start3A_241 = arith.constant 0 : i32
        %dma_start3A_242 = arith.constant 0 : i32
        %dma_start3A_243 = tpu.memref_slice %arg7[%dma_start3A_241, %dma_start3A_242] : memref<2x128xi32, #tpu.memory_space<vmem>> -> memref<1x128xi32, #tpu.memory_space<vmem>>
        %dma_start3A_244 = tpu.memref_squeeze %dma_start3A_243 : memref<1x128xi32, #tpu.memory_space<vmem>> -> memref<128xi32, #tpu.memory_space<vmem>>
        %dma_start3A_245 = arith.constant 0 : i32
        %dma_start3A_246 = arith.constant 0 : i32
        %dma_start3A_247 = tpu.memref_slice %arg2[%dma_start3A_245, %dma_start3A_246] : memref<10000x128xf32, #tpu.memory_space<hbm>> -> memref<10000x128xf32, #tpu.memory_space<hbm>>
        tpu.enqueue_indirect_dma source(%dma_start3A_247 : memref<10000x128xf32, #tpu.memory_space<hbm>>) target(%arg11 : memref<128x128xf32, #tpu.memory_space<vmem>>) offsets(%dma_start3A_244 : memref<128xi32, #tpu.memory_space<vmem>>) semaphore(%arg14 : memref<!tpu.dma_semaphore, #tpu.memory_space<semaphore_mem>>)
      } else {
      }
    }
    %scan3A_27 = arith.constant 39 : i32
    %lt3A = arith.constant 4 : i32
    %lt3A_28 = arith.cmpi slt, %add3A, %lt3A : i32
    %convert_element_type3A = arith.extui %lt3A_28 : i1 to i32
    %cond3A = arith.constant 0 : i32
    %cond3A_29 = arith.cmpi ne, %convert_element_type3A, %cond3A : i32
    scf.if %cond3A_29 {
      %add3A_35 = arith.constant 2496 : i32
      %add3A_36 = arith.addi %add3A_35, %add3A : i32
      %mul3A_37 = arith.constant 128 : i32
      %mul3A_38 = arith.muli %add3A_36, %mul3A_37 : i32
      "tpu.region"() ({
        %run_scoped3A_52 = tpu.sem_alloc : memref<!tpu.dma_semaphore, #tpu.memory_space<semaphore_mem>>
        %dma_start3A_53 = arith.constant 0 : i32
        %dma_start3A_54 = tpu.memref_slice %arg3[%dma_start3A_53, %mul3A_38] : memref<2x320000xi32, #tpu.memory_space<hbm>> -> memref<2x128xi32, #tpu.memory_space<hbm>>
        %dma_start3A_55 = arith.constant 0 : i32
        %dma_start3A_56 = tpu.memref_slice %arg3[%dma_start3A_55, %mul3A_38] : memref<2x320000xi32, #tpu.memory_space<hbm>> -> memref<2x128xi32, #tpu.memory_space<hbm>>
        tpu.enqueue_dma source(%dma_start3A_56 : memref<2x128xi32, #tpu.memory_space<hbm>>) target(%arg6 : memref<2x128xi32, #tpu.memory_space<vmem>>) target_semaphore(%run_scoped3A_52 : memref<!tpu.dma_semaphore, #tpu.memory_space<semaphore_mem>>)
        %dma_wait3A_57 = arith.constant 0 : i32
        %dma_wait3A_58 = tpu.memref_slice %arg3[%dma_wait3A_57, %mul3A_38] : memref<2x320000xi32, #tpu.memory_space<hbm>> -> memref<2x128xi32, #tpu.memory_space<hbm>>
        %dma_wait3A_59 = arith.constant 0 : i32
        %dma_wait3A_60 = tpu.memref_slice %arg3[%dma_wait3A_59, %mul3A_38] : memref<2x320000xi32, #tpu.memory_space<hbm>> -> memref<2x128xi32, #tpu.memory_space<hbm>>
        tpu.wait_dma2 semaphore(%run_scoped3A_52 : memref<!tpu.dma_semaphore, #tpu.memory_space<semaphore_mem>>) src(%dma_wait3A_60 : memref<2x128xi32, #tpu.memory_space<hbm>>) dst(%arg6 : memref<2x128xi32, #tpu.memory_space<vmem>>)
        tpu.yield
      }) : () -> ()
      %dma_start3A_39 = arith.constant 0 : i32
      %dma_start3A_40 = arith.constant 0 : i32
      %dma_start3A_41 = tpu.memref_slice %arg6[%dma_start3A_39, %dma_start3A_40] : memref<2x128xi32, #tpu.memory_space<vmem>> -> memref<1x128xi32, #tpu.memory_space<vmem>>
      %dma_start3A_42 = tpu.memref_squeeze %dma_start3A_41 : memref<1x128xi32, #tpu.memory_space<vmem>> -> memref<128xi32, #tpu.memory_space<vmem>>
      %dma_start3A_43 = arith.constant 0 : i32
      %dma_start3A_44 = arith.constant 0 : i32
      %dma_start3A_45 = tpu.memref_slice %arg2[%dma_start3A_43, %dma_start3A_44] : memref<10000x128xf32, #tpu.memory_space<hbm>> -> memref<10000x128xf32, #tpu.memory_space<hbm>>
      tpu.enqueue_indirect_dma source(%dma_start3A_45 : memref<10000x128xf32, #tpu.memory_space<hbm>>) target(%arg10 : memref<128x128xf32, #tpu.memory_space<vmem>>) offsets(%dma_start3A_42 : memref<128xi32, #tpu.memory_space<vmem>>) semaphore(%arg13 : memref<!tpu.dma_semaphore, #tpu.memory_space<semaphore_mem>>)
      %dma_wait3A = arith.constant 0 : i32
      %dma_wait3A_46 = arith.constant 0 : i32
      %dma_wait3A_47 = tpu.memref_slice %arg6[%dma_wait3A, %dma_wait3A_46] : memref<2x128xi32, #tpu.memory_space<vmem>> -> memref<1x128xi32, #tpu.memory_space<vmem>>
      %dma_wait3A_48 = tpu.memref_squeeze %dma_wait3A_47 : memref<1x128xi32, #tpu.memory_space<vmem>> -> memref<128xi32, #tpu.memory_space<vmem>>
      %dma_wait3A_49 = arith.constant 0 : i32
      %dma_wait3A_50 = arith.constant 0 : i32
      %dma_wait3A_51 = tpu.memref_slice %arg2[%dma_wait3A_49, %dma_wait3A_50] : memref<10000x128xf32, #tpu.memory_space<hbm>> -> memref<10000x128xf32, #tpu.memory_space<hbm>>
      tpu.wait_indirect_dma semaphore(%arg13 : memref<!tpu.dma_semaphore, #tpu.memory_space<semaphore_mem>>) src(%dma_wait3A_51 : memref<10000x128xf32, #tpu.memory_space<hbm>>) dst(%arg10 : memref<128x128xf32, #tpu.memory_space<vmem>>)
      %run_scoped3A = arith.constant 1 : i32
      "tpu.region"() ({
        %run_scoped3A_52 = tpu.sem_alloc : memref<!tpu.dma_semaphore, #tpu.memory_space<semaphore_mem>>
        %dma_start3A_53 = arith.constant 0 : i32
        %dma_start3A_54 = tpu.memref_slice %arg6[%run_scoped3A, %dma_start3A_53] : memref<2x128xi32, #tpu.memory_space<vmem>> -> memref<1x128xi32, #tpu.memory_space<vmem>>
        %dma_start3A_55 = tpu.memref_squeeze %dma_start3A_54 : memref<1x128xi32, #tpu.memory_space<vmem>> -> memref<128xi32, #tpu.memory_space<vmem>>
        %dma_start3A_56 = arith.constant 0 : i32
        %dma_start3A_57 = arith.constant 0 : i32
        %dma_start3A_58 = tpu.memref_slice %arg12[%dma_start3A_56, %dma_start3A_57] : memref<10112x128xf32, #tpu.memory_space<vmem_shared>> -> memref<10112x128xf32, #tpu.memory_space<vmem_shared>>
        tpu.enqueue_indirect_dma source(%arg10 : memref<128x128xf32, #tpu.memory_space<vmem>>) target(%dma_start3A_58 : memref<10112x128xf32, #tpu.memory_space<vmem_shared>>) offsets(%dma_start3A_55 : memref<128xi32, #tpu.memory_space<vmem>>) semaphore(%run_scoped3A_52 : memref<!tpu.dma_semaphore, #tpu.memory_space<semaphore_mem>>) {add = true}
        %dma_wait3A_59 = arith.constant 0 : i32
        %dma_wait3A_60 = tpu.memref_slice %arg6[%run_scoped3A, %dma_wait3A_59] : memref<2x128xi32, #tpu.memory_space<vmem>> -> memref<1x128xi32, #tpu.memory_space<vmem>>
        %dma_wait3A_61 = tpu.memref_squeeze %dma_wait3A_60 : memref<1x128xi32, #tpu.memory_space<vmem>> -> memref<128xi32, #tpu.memory_space<vmem>>
        %dma_wait3A_62 = arith.constant 0 : i32
        %dma_wait3A_63 = arith.constant 0 : i32
        %dma_wait3A_64 = tpu.memref_slice %arg12[%dma_wait3A_62, %dma_wait3A_63] : memref<10112x128xf32, #tpu.memory_space<vmem_shared>> -> memref<10112x128xf32, #tpu.memory_space<vmem_shared>>
        tpu.wait_indirect_dma semaphore(%run_scoped3A_52 : memref<!tpu.dma_semaphore, #tpu.memory_space<semaphore_mem>>) src(%arg10 : memref<128x128xf32, #tpu.memory_space<vmem>>) dst(%dma_wait3A_64 : memref<10112x128xf32, #tpu.memory_space<vmem_shared>>)
        tpu.yield
      }) : () -> ()
    } else {
    }
    %barrier3A_30 = arith.constant 0 : index
    tpu.barrier barrier_id(%barrier3A_30)
    %mul3A_31 = arith.constant 632 : i32
    %mul3A_32 = arith.muli %arg1, %mul3A_31 : i32
    %mul3A_33 = arith.constant 632 : i32
    %mul3A_34 = arith.muli %arg1, %mul3A_33 : i32
    "tpu.region"() ({
      %run_scoped3A = tpu.sem_alloc : memref<!tpu.dma_semaphore, #tpu.memory_space<semaphore_mem>>
      %dma_start3A_35 = arith.constant 0 : i32
      %dma_start3A_36 = tpu.memref_slice %arg5[%arg0, %mul3A_34, %dma_start3A_35] : memref<2x10112x128xf32, #tpu.memory_space<hbm>> -> memref<1x632x128xf32, #tpu.memory_space<hbm>>
      %dma_start3A_37 = tpu.memref_squeeze %dma_start3A_36 : memref<1x632x128xf32, #tpu.memory_space<hbm>> -> memref<632x128xf32, #tpu.memory_space<hbm>>
      %dma_start3A_38 = arith.constant 0 : i32
      %dma_start3A_39 = tpu.memref_slice %arg12[%mul3A_32, %dma_start3A_38] : memref<10112x128xf32, #tpu.memory_space<vmem_shared>> -> memref<632x128xf32, #tpu.memory_space<vmem_shared>>
      tpu.enqueue_dma source(%dma_start3A_39 : memref<632x128xf32, #tpu.memory_space<vmem_shared>>) target(%dma_start3A_37 : memref<632x128xf32, #tpu.memory_space<hbm>>) target_semaphore(%run_scoped3A : memref<!tpu.dma_semaphore, #tpu.memory_space<semaphore_mem>>)
      %dma_wait3A = arith.constant 0 : i32
      %dma_wait3A_40 = tpu.memref_slice %arg5[%arg0, %mul3A_34, %dma_wait3A] : memref<2x10112x128xf32, #tpu.memory_space<hbm>> -> memref<1x632x128xf32, #tpu.memory_space<hbm>>
      %dma_wait3A_41 = tpu.memref_squeeze %dma_wait3A_40 : memref<1x632x128xf32, #tpu.memory_space<hbm>> -> memref<632x128xf32, #tpu.memory_space<hbm>>
      %dma_wait3A_42 = arith.constant 0 : i32
      %dma_wait3A_43 = tpu.memref_slice %arg12[%mul3A_32, %dma_wait3A_42] : memref<10112x128xf32, #tpu.memory_space<vmem_shared>> -> memref<632x128xf32, #tpu.memory_space<vmem_shared>>
      tpu.wait_dma2 semaphore(%run_scoped3A : memref<!tpu.dma_semaphore, #tpu.memory_space<semaphore_mem>>) src(%dma_wait3A_43 : memref<632x128xf32, #tpu.memory_space<vmem_shared>>) dst(%dma_wait3A_41 : memref<632x128xf32, #tpu.memory_space<hbm>>)
      tpu.yield
    }) : () -> ()
    return
  }
}

#map = affine_map<(d0, d1) -> (0, 0)>
#map1 = affine_map<(d0, d1) -> (0)>
module attributes {stable_mosaic.version = 14 : i64} {
  func.func @gather_kernel(%arg0: i32, %arg1: i32, %arg2: memref<10000x128xf32, #tpu.memory_space<hbm>>, %arg3: memref<4096xi32, #tpu.memory_space<hbm>>, %arg4: memref<4096xi32, #tpu.memory_space<hbm>>, %arg5: memref<2xi32, #tpu.memory_space<hbm>>, %arg6: memref<4096x128xf32, #tpu.memory_space<hbm>>, %arg7: memref<4096x128xf32, #tpu.memory_space<hbm>>, %arg8: memref<2x128xf32, #tpu.memory_space<hbm>>, %arg9: memref<128xi32, #tpu.memory_space<vmem>>, %arg10: memref<128x128xf32, #tpu.memory_space<vmem>>, %arg11: memref<2xi32, #tpu.memory_space<vmem>>, %arg12: memref<2x128xf32, #tpu.memory_space<vmem>>, %arg13: memref<!tpu.dma_semaphore, #tpu.memory_space<semaphore_mem>>) attributes {dimension_semantics = [#tpu.dimension_semantics<core_parallel>, #tpu.dimension_semantics<subcore_parallel>], iteration_bounds = array<i64: 2, 16>, scalar_prefetch = 0 : i64, scratch_operands = 5 : i64, tpu.core_type = #tpu.core_type<sc_vector_subcore>, window_params = [{transform_indices = #map}, {transform_indices = #map1}, {transform_indices = #map1}, {transform_indices = #map1}, {transform_indices = #map}, {transform_indices = #map}, {transform_indices = #map}]} {
    %mul3A = arith.constant 2 : i32
    %mul3A_0 = arith.muli %arg1, %mul3A : i32
    %add3A = arith.addi %mul3A_0, %arg0 : i32
    %mul3A_1 = arith.constant 128 : i32
    %mul3A_2 = arith.muli %add3A, %mul3A_1 : i32
    "tpu.region"() ({
      %run_scoped3A = tpu.sem_alloc : memref<!tpu.dma_semaphore, #tpu.memory_space<semaphore_mem>>
      %dma_start3A_15 = tpu.memref_slice %arg3[%mul3A_2] : memref<4096xi32, #tpu.memory_space<hbm>> -> memref<128xi32, #tpu.memory_space<hbm>>
      %dma_start3A_16 = tpu.memref_slice %arg3[%mul3A_2] : memref<4096xi32, #tpu.memory_space<hbm>> -> memref<128xi32, #tpu.memory_space<hbm>>
      tpu.enqueue_dma source(%dma_start3A_16 : memref<128xi32, #tpu.memory_space<hbm>>) target(%arg9 : memref<128xi32, #tpu.memory_space<vmem>>) target_semaphore(%run_scoped3A : memref<!tpu.dma_semaphore, #tpu.memory_space<semaphore_mem>>)
      %dma_wait3A_17 = tpu.memref_slice %arg3[%mul3A_2] : memref<4096xi32, #tpu.memory_space<hbm>> -> memref<128xi32, #tpu.memory_space<hbm>>
      %dma_wait3A_18 = tpu.memref_slice %arg3[%mul3A_2] : memref<4096xi32, #tpu.memory_space<hbm>> -> memref<128xi32, #tpu.memory_space<hbm>>
      tpu.wait_dma2 semaphore(%run_scoped3A : memref<!tpu.dma_semaphore, #tpu.memory_space<semaphore_mem>>) src(%dma_wait3A_18 : memref<128xi32, #tpu.memory_space<hbm>>) dst(%arg9 : memref<128xi32, #tpu.memory_space<vmem>>)
      tpu.yield
    }) : () -> ()
    %dma_start3A = arith.constant 0 : i32
    %dma_start3A_3 = arith.constant 0 : i32
    %dma_start3A_4 = tpu.memref_slice %arg2[%dma_start3A, %dma_start3A_3] : memref<10000x128xf32, #tpu.memory_space<hbm>> -> memref<10000x128xf32, #tpu.memory_space<hbm>>
    tpu.enqueue_indirect_dma source(%dma_start3A_4 : memref<10000x128xf32, #tpu.memory_space<hbm>>) target(%arg10 : memref<128x128xf32, #tpu.memory_space<vmem>>) offsets(%arg9 : memref<128xi32, #tpu.memory_space<vmem>>) semaphore(%arg13 : memref<!tpu.dma_semaphore, #tpu.memory_space<semaphore_mem>>)
    %dma_wait3A = arith.constant 0 : i32
    %dma_wait3A_5 = arith.constant 0 : i32
    %dma_wait3A_6 = tpu.memref_slice %arg2[%dma_wait3A, %dma_wait3A_5] : memref<10000x128xf32, #tpu.memory_space<hbm>> -> memref<10000x128xf32, #tpu.memory_space<hbm>>
    tpu.wait_indirect_dma semaphore(%arg13 : memref<!tpu.dma_semaphore, #tpu.memory_space<semaphore_mem>>) src(%dma_wait3A_6 : memref<10000x128xf32, #tpu.memory_space<hbm>>) dst(%arg10 : memref<128x128xf32, #tpu.memory_space<vmem>>)
    "tpu.region"() ({
      %run_scoped3A = tpu.sem_alloc : memref<!tpu.dma_semaphore, #tpu.memory_space<semaphore_mem>>
      %dma_start3A_15 = arith.constant 0 : i32
      %dma_start3A_16 = tpu.memref_slice %arg6[%mul3A_2, %dma_start3A_15] : memref<4096x128xf32, #tpu.memory_space<hbm>> -> memref<128x128xf32, #tpu.memory_space<hbm>>
      %dma_start3A_17 = arith.constant 0 : i32
      %dma_start3A_18 = tpu.memref_slice %arg6[%mul3A_2, %dma_start3A_17] : memref<4096x128xf32, #tpu.memory_space<hbm>> -> memref<128x128xf32, #tpu.memory_space<hbm>>
      tpu.enqueue_dma source(%arg10 : memref<128x128xf32, #tpu.memory_space<vmem>>) target(%dma_start3A_18 : memref<128x128xf32, #tpu.memory_space<hbm>>) target_semaphore(%run_scoped3A : memref<!tpu.dma_semaphore, #tpu.memory_space<semaphore_mem>>)
      %dma_wait3A_19 = arith.constant 0 : i32
      %dma_wait3A_20 = tpu.memref_slice %arg6[%mul3A_2, %dma_wait3A_19] : memref<4096x128xf32, #tpu.memory_space<hbm>> -> memref<128x128xf32, #tpu.memory_space<hbm>>
      %dma_wait3A_21 = arith.constant 0 : i32
      %dma_wait3A_22 = tpu.memref_slice %arg6[%mul3A_2, %dma_wait3A_21] : memref<4096x128xf32, #tpu.memory_space<hbm>> -> memref<128x128xf32, #tpu.memory_space<hbm>>
      tpu.wait_dma2 semaphore(%run_scoped3A : memref<!tpu.dma_semaphore, #tpu.memory_space<semaphore_mem>>) src(%arg10 : memref<128x128xf32, #tpu.memory_space<vmem>>) dst(%dma_wait3A_22 : memref<128x128xf32, #tpu.memory_space<hbm>>)
      tpu.yield
    }) : () -> ()
    "tpu.region"() ({
      %run_scoped3A = tpu.sem_alloc : memref<!tpu.dma_semaphore, #tpu.memory_space<semaphore_mem>>
      %dma_start3A_15 = tpu.memref_slice %arg4[%mul3A_2] : memref<4096xi32, #tpu.memory_space<hbm>> -> memref<128xi32, #tpu.memory_space<hbm>>
      %dma_start3A_16 = tpu.memref_slice %arg4[%mul3A_2] : memref<4096xi32, #tpu.memory_space<hbm>> -> memref<128xi32, #tpu.memory_space<hbm>>
      tpu.enqueue_dma source(%dma_start3A_16 : memref<128xi32, #tpu.memory_space<hbm>>) target(%arg9 : memref<128xi32, #tpu.memory_space<vmem>>) target_semaphore(%run_scoped3A : memref<!tpu.dma_semaphore, #tpu.memory_space<semaphore_mem>>)
      %dma_wait3A_17 = tpu.memref_slice %arg4[%mul3A_2] : memref<4096xi32, #tpu.memory_space<hbm>> -> memref<128xi32, #tpu.memory_space<hbm>>
      %dma_wait3A_18 = tpu.memref_slice %arg4[%mul3A_2] : memref<4096xi32, #tpu.memory_space<hbm>> -> memref<128xi32, #tpu.memory_space<hbm>>
      tpu.wait_dma2 semaphore(%run_scoped3A : memref<!tpu.dma_semaphore, #tpu.memory_space<semaphore_mem>>) src(%dma_wait3A_18 : memref<128xi32, #tpu.memory_space<hbm>>) dst(%arg9 : memref<128xi32, #tpu.memory_space<vmem>>)
      tpu.yield
    }) : () -> ()
    %dma_start3A_7 = arith.constant 0 : i32
    %dma_start3A_8 = arith.constant 0 : i32
    %dma_start3A_9 = tpu.memref_slice %arg2[%dma_start3A_7, %dma_start3A_8] : memref<10000x128xf32, #tpu.memory_space<hbm>> -> memref<10000x128xf32, #tpu.memory_space<hbm>>
    tpu.enqueue_indirect_dma source(%dma_start3A_9 : memref<10000x128xf32, #tpu.memory_space<hbm>>) target(%arg10 : memref<128x128xf32, #tpu.memory_space<vmem>>) offsets(%arg9 : memref<128xi32, #tpu.memory_space<vmem>>) semaphore(%arg13 : memref<!tpu.dma_semaphore, #tpu.memory_space<semaphore_mem>>)
    %dma_wait3A_10 = arith.constant 0 : i32
    %dma_wait3A_11 = arith.constant 0 : i32
    %dma_wait3A_12 = tpu.memref_slice %arg2[%dma_wait3A_10, %dma_wait3A_11] : memref<10000x128xf32, #tpu.memory_space<hbm>> -> memref<10000x128xf32, #tpu.memory_space<hbm>>
    tpu.wait_indirect_dma semaphore(%arg13 : memref<!tpu.dma_semaphore, #tpu.memory_space<semaphore_mem>>) src(%dma_wait3A_12 : memref<10000x128xf32, #tpu.memory_space<hbm>>) dst(%arg10 : memref<128x128xf32, #tpu.memory_space<vmem>>)
    "tpu.region"() ({
      %run_scoped3A = tpu.sem_alloc : memref<!tpu.dma_semaphore, #tpu.memory_space<semaphore_mem>>
      %dma_start3A_15 = arith.constant 0 : i32
      %dma_start3A_16 = tpu.memref_slice %arg7[%mul3A_2, %dma_start3A_15] : memref<4096x128xf32, #tpu.memory_space<hbm>> -> memref<128x128xf32, #tpu.memory_space<hbm>>
      %dma_start3A_17 = arith.constant 0 : i32
      %dma_start3A_18 = tpu.memref_slice %arg7[%mul3A_2, %dma_start3A_17] : memref<4096x128xf32, #tpu.memory_space<hbm>> -> memref<128x128xf32, #tpu.memory_space<hbm>>
      tpu.enqueue_dma source(%arg10 : memref<128x128xf32, #tpu.memory_space<vmem>>) target(%dma_start3A_18 : memref<128x128xf32, #tpu.memory_space<hbm>>) target_semaphore(%run_scoped3A : memref<!tpu.dma_semaphore, #tpu.memory_space<semaphore_mem>>)
      %dma_wait3A_19 = arith.constant 0 : i32
      %dma_wait3A_20 = tpu.memref_slice %arg7[%mul3A_2, %dma_wait3A_19] : memref<4096x128xf32, #tpu.memory_space<hbm>> -> memref<128x128xf32, #tpu.memory_space<hbm>>
      %dma_wait3A_21 = arith.constant 0 : i32
      %dma_wait3A_22 = tpu.memref_slice %arg7[%mul3A_2, %dma_wait3A_21] : memref<4096x128xf32, #tpu.memory_space<hbm>> -> memref<128x128xf32, #tpu.memory_space<hbm>>
      tpu.wait_dma2 semaphore(%run_scoped3A : memref<!tpu.dma_semaphore, #tpu.memory_space<semaphore_mem>>) src(%arg10 : memref<128x128xf32, #tpu.memory_space<vmem>>) dst(%dma_wait3A_22 : memref<128x128xf32, #tpu.memory_space<hbm>>)
      tpu.yield
    }) : () -> ()
    %eq3A = arith.constant 0 : i32
    %eq3A_13 = arith.cmpi eq, %add3A, %eq3A : i32
    %convert_element_type3A = arith.extui %eq3A_13 : i1 to i32
    %cond3A = arith.constant 0 : i32
    %cond3A_14 = arith.cmpi ne, %convert_element_type3A, %cond3A : i32
    scf.if %cond3A_14 {
      "tpu.region"() ({
        %run_scoped3A = tpu.sem_alloc : memref<!tpu.dma_semaphore, #tpu.memory_space<semaphore_mem>>
        tpu.enqueue_dma source(%arg5 : memref<2xi32, #tpu.memory_space<hbm>>) target(%arg11 : memref<2xi32, #tpu.memory_space<vmem>>) target_semaphore(%run_scoped3A : memref<!tpu.dma_semaphore, #tpu.memory_space<semaphore_mem>>)
        tpu.wait_dma2 semaphore(%run_scoped3A : memref<!tpu.dma_semaphore, #tpu.memory_space<semaphore_mem>>) src(%arg5 : memref<2xi32, #tpu.memory_space<hbm>>) dst(%arg11 : memref<2xi32, #tpu.memory_space<vmem>>)
        tpu.yield
      }) : () -> ()
      %dma_start3A_15 = arith.constant 0 : i32
      %dma_start3A_16 = arith.constant 0 : i32
      %dma_start3A_17 = tpu.memref_slice %arg2[%dma_start3A_15, %dma_start3A_16] : memref<10000x128xf32, #tpu.memory_space<hbm>> -> memref<10000x128xf32, #tpu.memory_space<hbm>>
      tpu.enqueue_indirect_dma source(%dma_start3A_17 : memref<10000x128xf32, #tpu.memory_space<hbm>>) target(%arg12 : memref<2x128xf32, #tpu.memory_space<vmem>>) offsets(%arg11 : memref<2xi32, #tpu.memory_space<vmem>>) semaphore(%arg13 : memref<!tpu.dma_semaphore, #tpu.memory_space<semaphore_mem>>)
      %dma_wait3A_18 = arith.constant 0 : i32
      %dma_wait3A_19 = arith.constant 0 : i32
      %dma_wait3A_20 = tpu.memref_slice %arg2[%dma_wait3A_18, %dma_wait3A_19] : memref<10000x128xf32, #tpu.memory_space<hbm>> -> memref<10000x128xf32, #tpu.memory_space<hbm>>
      tpu.wait_indirect_dma semaphore(%arg13 : memref<!tpu.dma_semaphore, #tpu.memory_space<semaphore_mem>>) src(%dma_wait3A_20 : memref<10000x128xf32, #tpu.memory_space<hbm>>) dst(%arg12 : memref<2x128xf32, #tpu.memory_space<vmem>>)
      "tpu.region"() ({
        %run_scoped3A = tpu.sem_alloc : memref<!tpu.dma_semaphore, #tpu.memory_space<semaphore_mem>>
        tpu.enqueue_dma source(%arg12 : memref<2x128xf32, #tpu.memory_space<vmem>>) target(%arg8 : memref<2x128xf32, #tpu.memory_space<hbm>>) target_semaphore(%run_scoped3A : memref<!tpu.dma_semaphore, #tpu.memory_space<semaphore_mem>>)
        tpu.wait_dma2 semaphore(%run_scoped3A : memref<!tpu.dma_semaphore, #tpu.memory_space<semaphore_mem>>) src(%arg12 : memref<2x128xf32, #tpu.memory_space<vmem>>) dst(%arg8 : memref<2x128xf32, #tpu.memory_space<hbm>>)
        tpu.yield
      }) : () -> ()
    } else {
    }
    return
  }
}

module attributes {stable_mosaic.version = 14 : i64} {
  func.func @_dense_body(%arg0: i32, %arg1: memref<2000x128xf32, #tpu.memory_space<vmem>>, %arg2: memref<2x2000x128xf32, #tpu.memory_space<vmem>>, %arg3: memref<128x128xf32, #tpu.memory_space<vmem>>, %arg4: memref<128x128xf32, #tpu.memory_space<vmem>>, %arg5: memref<1x128xf32, #tpu.memory_space<vmem>>, %arg6: memref<1x128xf32, #tpu.memory_space<vmem>>, %arg7: memref<1x128xf32, #tpu.memory_space<vmem>>, %arg8: memref<1x128xf32, #tpu.memory_space<vmem>>, %arg9: memref<1x128xf32, #tpu.memory_space<vmem>>, %arg10: memref<2000x128xf32, #tpu.memory_space<vmem>>) attributes {dimension_semantics = [#tpu.dimension_semantics<arbitrary>], iteration_bounds = array<i64: 5>, scalar_prefetch = 0 : i64, scratch_operands = 0 : i64, tpu.core_type = #tpu.core_type<tc>, window_params = [{transform_indices = @transform_0, window_bounds = array<i64: 2000, 128>}, {transform_indices = @transform_1, window_bounds = array<i64: 2, 2000, 128>}, {pipeline_mode = #tpu.pipeline_mode<synchronous>, transform_indices = @transform_2, window_bounds = array<i64: 128, 128>}, {pipeline_mode = #tpu.pipeline_mode<synchronous>, transform_indices = @transform_3, window_bounds = array<i64: 128, 128>}, {pipeline_mode = #tpu.pipeline_mode<synchronous>, transform_indices = @transform_4, window_bounds = array<i64: 1, 128>}, {pipeline_mode = #tpu.pipeline_mode<synchronous>, transform_indices = @transform_5, window_bounds = array<i64: 1, 128>}, {pipeline_mode = #tpu.pipeline_mode<synchronous>, transform_indices = @transform_6, window_bounds = array<i64: 1, 128>}, {pipeline_mode = #tpu.pipeline_mode<synchronous>, transform_indices = @transform_7, window_bounds = array<i64: 1, 128>}, {pipeline_mode = #tpu.pipeline_mode<synchronous>, transform_indices = @transform_8, window_bounds = array<i64: 1, 128>}, {transform_indices = @transform_9, window_bounds = array<i64: 2000, 128>}]} {
    %get3A = arith.constant 0 : index
    %get3A_0 = arith.constant 0 : index
    %get3A_1 = vector.load %arg1[%get3A, %get3A_0] : memref<2000x128xf32, #tpu.memory_space<vmem>>, vector<2000x128xf32>
    %get3A_2 = arith.constant 0 : index
    %get3A_3 = arith.constant 0 : index
    %get3A_4 = vector.load %arg5[%get3A_2, %get3A_3] : memref<1x128xf32, #tpu.memory_space<vmem>>, vector<1x128xf32>
    %mul3A = vector.broadcast %get3A_4 : vector<1x128xf32> to vector<2000x128xf32>
    %mul3A_5 = arith.mulf %mul3A, %get3A_1 : vector<2000x128xf32>
    %get3A_6 = arith.constant 0 : index
    %get3A_7 = arith.constant 0 : index
    %get3A_8 = arith.constant 0 : index
    %get3A_9 = vector.load %arg2[%get3A_6, %get3A_7, %get3A_8] : memref<2x2000x128xf32, #tpu.memory_space<vmem>>, vector<1x2000x128xf32>
    %get3A_10 = vector.shape_cast %get3A_9 : vector<1x2000x128xf32> to vector<2000x128xf32>
    %add3A = arith.addf %mul3A_5, %get3A_10 : vector<2000x128xf32>
    %get3A_11 = arith.constant 1 : index
    %get3A_12 = arith.constant 0 : index
    %get3A_13 = arith.constant 0 : index
    %get3A_14 = vector.load %arg2[%get3A_11, %get3A_12, %get3A_13] : memref<2x2000x128xf32, #tpu.memory_space<vmem>>, vector<1x2000x128xf32>
    %get3A_15 = vector.shape_cast %get3A_14 : vector<1x2000x128xf32> to vector<2000x128xf32>
    %add3A_16 = arith.addf %add3A, %get3A_15 : vector<2000x128xf32>
    %get3A_17 = arith.constant 0 : index
    %get3A_18 = arith.constant 0 : index
    %get3A_19 = vector.load %arg3[%get3A_17, %get3A_18] : memref<128x128xf32, #tpu.memory_space<vmem>>, vector<128x128xf32>
    %dot_general3A = arith.constant dense<0.000000e+00> : vector<2000x128xf32>
    %dot_general3A_20 = tpu.matmul %add3A_16, %get3A_19, %dot_general3A {dimension_numbers = #tpu.dot_dimension_numbers<[1], [0], [0], [1], [0, 0, 1, 1], [], []>, transpose_lhs_hint = false} : vector<2000x128xf32>, vector<128x128xf32>, vector<2000x128xf32> -> vector<2000x128xf32>
    %get3A_21 = arith.constant 0 : index
    %get3A_22 = arith.constant 0 : index
    %get3A_23 = vector.load %arg6[%get3A_21, %get3A_22] : memref<1x128xf32, #tpu.memory_space<vmem>>, vector<1x128xf32>
    %add3A_24 = vector.broadcast %get3A_23 : vector<1x128xf32> to vector<2000x128xf32>
    %add3A_25 = arith.addf %dot_general3A_20, %add3A_24 : vector<2000x128xf32>
    %max3A = arith.constant 0.000000e+00 : f32
    %max3A_26 = vector.broadcast %max3A : f32 to vector<2000x128xf32>
    %max3A_27 = arith.maximumf %add3A_25, %max3A_26 : vector<2000x128xf32>
    %get3A_28 = arith.constant 0 : index
    %get3A_29 = arith.constant 0 : index
    %get3A_30 = vector.load %arg4[%get3A_28, %get3A_29] : memref<128x128xf32, #tpu.memory_space<vmem>>, vector<128x128xf32>
    %dot_general3A_31 = arith.constant dense<0.000000e+00> : vector<2000x128xf32>
    %dot_general3A_32 = tpu.matmul %max3A_27, %get3A_30, %dot_general3A_31 {dimension_numbers = #tpu.dot_dimension_numbers<[1], [0], [0], [1], [0, 0, 1, 1], [], []>, transpose_lhs_hint = false} : vector<2000x128xf32>, vector<128x128xf32>, vector<2000x128xf32> -> vector<2000x128xf32>
    %get3A_33 = arith.constant 0 : index
    %get3A_34 = arith.constant 0 : index
    %get3A_35 = vector.load %arg7[%get3A_33, %get3A_34] : memref<1x128xf32, #tpu.memory_space<vmem>>, vector<1x128xf32>
    %add3A_36 = vector.broadcast %get3A_35 : vector<1x128xf32> to vector<2000x128xf32>
    %add3A_37 = arith.addf %dot_general3A_32, %add3A_36 : vector<2000x128xf32>
    %get3A_38 = arith.constant 0 : index
    %get3A_39 = arith.constant 0 : index
    %get3A_40 = vector.load %arg8[%get3A_38, %get3A_39] : memref<1x128xf32, #tpu.memory_space<vmem>>, vector<1x128xf32>
    %mul3A_41 = vector.broadcast %get3A_40 : vector<1x128xf32> to vector<2000x128xf32>
    %mul3A_42 = arith.mulf %add3A_37, %mul3A_41 : vector<2000x128xf32>
    %get3A_43 = arith.constant 0 : index
    %get3A_44 = arith.constant 0 : index
    %get3A_45 = vector.load %arg9[%get3A_43, %get3A_44] : memref<1x128xf32, #tpu.memory_space<vmem>>, vector<1x128xf32>
    %add3A_46 = vector.broadcast %get3A_45 : vector<1x128xf32> to vector<2000x128xf32>
    %add3A_47 = arith.addf %mul3A_42, %add3A_46 : vector<2000x128xf32>
    %add3A_48 = arith.addf %add3A_47, %get3A_1 : vector<2000x128xf32>
    %swap3A = arith.constant 0 : index
    %swap3A_49 = arith.constant 0 : index
    %swap3A_50 = vector.load %arg10[%swap3A, %swap3A_49] : memref<2000x128xf32, #tpu.memory_space<vmem>>, vector<2000x128xf32>
    tpu.vector_store %arg10[%swap3A, %swap3A_49], %add3A_48 {strides = array<i32>} : memref<2000x128xf32, #tpu.memory_space<vmem>>, vector<2000x128xf32>,
    return
  }
  func.func @transform_0(%arg0: i32) -> (i32, i32) {
    %c0_i32 = arith.constant 0 : i32
    %c0_i32_0 = arith.constant 0 : i32
    return %arg0, %c0_i32 : i32, i32
  }
  func.func @transform_1(%arg0: i32) -> (i32, i32, i32) {
    %c0_i32 = arith.constant 0 : i32
    %c0_i32_0 = arith.constant 0 : i32
    %c0_i32_1 = arith.constant 0 : i32
    return %c0_i32, %arg0, %c0_i32_0 : i32, i32, i32
  }
  func.func @transform_2(%arg0: i32) -> (i32, i32) {
    %c0_i32 = arith.constant 0 : i32
    %c0_i32_0 = arith.constant 0 : i32
    %c0_i32_1 = arith.constant 0 : i32
    return %c0_i32, %c0_i32_0 : i32, i32
  }
  func.func @transform_3(%arg0: i32) -> (i32, i32) {
    %c0_i32 = arith.constant 0 : i32
    %c0_i32_0 = arith.constant 0 : i32
    %c0_i32_1 = arith.constant 0 : i32
    return %c0_i32, %c0_i32_0 : i32, i32
  }
  func.func @transform_4(%arg0: i32) -> (i32, i32) {
    %c0_i32 = arith.constant 0 : i32
    %c0_i32_0 = arith.constant 0 : i32
    %c0_i32_1 = arith.constant 0 : i32
    return %c0_i32, %c0_i32_0 : i32, i32
  }
  func.func @transform_5(%arg0: i32) -> (i32, i32) {
    %c0_i32 = arith.constant 0 : i32
    %c0_i32_0 = arith.constant 0 : i32
    %c0_i32_1 = arith.constant 0 : i32
    return %c0_i32, %c0_i32_0 : i32, i32
  }
  func.func @transform_6(%arg0: i32) -> (i32, i32) {
    %c0_i32 = arith.constant 0 : i32
    %c0_i32_0 = arith.constant 0 : i32
    %c0_i32_1 = arith.constant 0 : i32
    return %c0_i32, %c0_i32_0 : i32, i32
  }
  func.func @transform_7(%arg0: i32) -> (i32, i32) {
    %c0_i32 = arith.constant 0 : i32
    %c0_i32_0 = arith.constant 0 : i32
    %c0_i32_1 = arith.constant 0 : i32
    return %c0_i32, %c0_i32_0 : i32, i32
  }
  func.func @transform_8(%arg0: i32) -> (i32, i32) {
    %c0_i32 = arith.constant 0 : i32
    %c0_i32_0 = arith.constant 0 : i32
    %c0_i32_1 = arith.constant 0 : i32
    return %c0_i32, %c0_i32_0 : i32, i32
  }
  func.func @transform_9(%arg0: i32) -> (i32, i32) {
    %c0_i32 = arith.constant 0 : i32
    %c0_i32_0 = arith.constant 0 : i32
    return %arg0, %c0_i32 : i32, i32
  }
}

module attributes {stable_mosaic.version = 14 : i64} {
  func.func @_head_body(%arg0: i32, %arg1: memref<1024x128xf32, #tpu.memory_space<vmem>>, %arg2: memref<1024x128xf32, #tpu.memory_space<vmem>>, %arg3: memref<2x128xf32, #tpu.memory_space<vmem>>, %arg4: memref<1x128xf32, #tpu.memory_space<vmem>>, %arg5: memref<1x128xf32, #tpu.memory_space<vmem>>, %arg6: memref<1x128xf32, #tpu.memory_space<vmem>>, %arg7: memref<128x128xf32, #tpu.memory_space<vmem>>, %arg8: memref<128x128xf32, #tpu.memory_space<vmem>>, %arg9: memref<128x128xf32, #tpu.memory_space<vmem>>, %arg10: memref<128x128xf32, #tpu.memory_space<vmem>>, %arg11: memref<128x128xf32, #tpu.memory_space<vmem>>, %arg12: memref<1x128xf32, #tpu.memory_space<vmem>>, %arg13: memref<128x1xf32, #tpu.memory_space<vmem>>, %arg14: memref<1x1xf32, #tpu.memory_space<vmem>>, %arg15: memref<128x128xf32, #tpu.memory_space<vmem>>, %arg16: memref<128x128xf32, #tpu.memory_space<vmem>>, %arg17: memref<128x128xf32, #tpu.memory_space<vmem>>, %arg18: memref<128x128xf32, #tpu.memory_space<vmem>>, %arg19: memref<128x128xf32, #tpu.memory_space<vmem>>, %arg20: memref<1x128xf32, #tpu.memory_space<vmem>>, %arg21: memref<128x2xf32, #tpu.memory_space<vmem>>, %arg22: memref<1x2xf32, #tpu.memory_space<vmem>>, %arg23: memref<1024xf32, #tpu.memory_space<vmem>>, %arg24: memref<1024x2xf32, #tpu.memory_space<vmem>>) attributes {dimension_semantics = [#tpu.dimension_semantics<arbitrary>], iteration_bounds = array<i64: 4>, scalar_prefetch = 0 : i64, scratch_operands = 0 : i64, tpu.core_type = #tpu.core_type<tc>, window_params = [{transform_indices = @transform_0, window_bounds = array<i64: 1024, 128>}, {transform_indices = @transform_1, window_bounds = array<i64: 1024, 128>}, {pipeline_mode = #tpu.pipeline_mode<synchronous>, transform_indices = @transform_2, window_bounds = array<i64: 2, 128>}, {pipeline_mode = #tpu.pipeline_mode<synchronous>, transform_indices = @transform_3, window_bounds = array<i64: 1, 128>}, {pipeline_mode = #tpu.pipeline_mode<synchronous>, transform_indices = @transform_4, window_bounds = array<i64: 1, 128>}, {pipeline_mode = #tpu.pipeline_mode<synchronous>, transform_indices = @transform_5, window_bounds = array<i64: 1, 128>}, {pipeline_mode = #tpu.pipeline_mode<synchronous>, transform_indices = @transform_6, window_bounds = array<i64: 128, 128>}, {pipeline_mode = #tpu.pipeline_mode<synchronous>, transform_indices = @transform_7, window_bounds = array<i64: 128, 128>}, {pipeline_mode = #tpu.pipeline_mode<synchronous>, transform_indices = @transform_8, window_bounds = array<i64: 128, 128>}, {pipeline_mode = #tpu.pipeline_mode<synchronous>, transform_indices = @transform_9, window_bounds = array<i64: 128, 128>}, {pipeline_mode = #tpu.pipeline_mode<synchronous>, transform_indices = @transform_10, window_bounds = array<i64: 128, 128>}, {pipeline_mode = #tpu.pipeline_mode<synchronous>, transform_indices = @transform_11, window_bounds = array<i64: 1, 128>}, {pipeline_mode = #tpu.pipeline_mode<synchronous>, transform_indices = @transform_12, window_bounds = array<i64: 128, 1>}, {pipeline_mode = #tpu.pipeline_mode<synchronous>, transform_indices = @transform_13, window_bounds = array<i64: 1, 1>}, {pipeline_mode = #tpu.pipeline_mode<synchronous>, transform_indices = @transform_14, window_bounds = array<i64: 128, 128>}, {pipeline_mode = #tpu.pipeline_mode<synchronous>, transform_indices = @transform_15, window_bounds = array<i64: 128, 128>}, {pipeline_mode = #tpu.pipeline_mode<synchronous>, transform_indices = @transform_16, window_bounds = array<i64: 128, 128>}, {pipeline_mode = #tpu.pipeline_mode<synchronous>, transform_indices = @transform_17, window_bounds = array<i64: 128, 128>}, {pipeline_mode = #tpu.pipeline_mode<synchronous>, transform_indices = @transform_18, window_bounds = array<i64: 128, 128>}, {pipeline_mode = #tpu.pipeline_mode<synchronous>, transform_indices = @transform_19, window_bounds = array<i64: 1, 128>}, {pipeline_mode = #tpu.pipeline_mode<synchronous>, transform_indices = @transform_20, window_bounds = array<i64: 128, 2>}, {pipeline_mode = #tpu.pipeline_mode<synchronous>, transform_indices = @transform_21, window_bounds = array<i64: 1, 2>}, {transform_indices = @transform_22, window_bounds = array<i64: 1024>}, {transform_indices = @transform_23, window_bounds = array<i64: 1024, 2>}]} {
    %get3A = arith.constant 0 : index
    %get3A_0 = arith.constant 0 : index
    %get3A_1 = vector.load %arg3[%get3A, %get3A_0] : memref<2x128xf32, #tpu.memory_space<vmem>>, vector<1x128xf32>
    %get3A_2 = arith.constant 1 : index
    %get3A_3 = arith.constant 0 : index
    %get3A_4 = vector.load %arg3[%get3A_2, %get3A_3] : memref<2x128xf32, #tpu.memory_space<vmem>>, vector<1x128xf32>
    %add3A = arith.addf %get3A_1, %get3A_4 : vector<1x128xf32>
    %sub3A = arith.subf %get3A_1, %get3A_4 : vector<1x128xf32>
    %abs3A = math.absf %sub3A : vector<1x128xf32>
    %get3A_5 = arith.constant 0 : index
    %get3A_6 = arith.constant 0 : index
    %get3A_7 = vector.load %arg4[%get3A_5, %get3A_6] : memref<1x128xf32, #tpu.memory_space<vmem>>, vector<1x128xf32>
    %get3A_8 = arith.constant 0 : index
    %get3A_9 = arith.constant 0 : index
    %get3A_10 = vector.load %arg6[%get3A_8, %get3A_9] : memref<1x128xf32, #tpu.memory_space<vmem>>, vector<1x128xf32>
    %mul3A = arith.mulf %get3A_7, %get3A_10 : vector<1x128xf32>
    %get3A_11 = arith.constant 0 : index
    %get3A_12 = arith.constant 0 : index
    %get3A_13 = vector.load %arg5[%get3A_11, %get3A_12] : memref<1x128xf32, #tpu.memory_space<vmem>>, vector<1x128xf32>
    %add3A_14 = arith.addf %mul3A, %get3A_13 : vector<1x128xf32>
    %iota3A = tpu.iota {dimensions = array<i32: 1>} : vector<1x128xi32>
    %lt3A = arith.constant 64 : i32
    %lt3A_15 = vector.broadcast %lt3A : i32 to vector<1x128xi32>
    %lt3A_16 = arith.cmpi slt, %iota3A, %lt3A_15 : vector<1x128xi32>
    %sin3A = math.sin %add3A_14 : vector<1x128xf32>
    %cos3A = math.cos %add3A_14 : vector<1x128xf32>
    %select_n3A = arith.select %lt3A_16, %sin3A, %cos3A : vector<1x128xi1>, vector<1x128xf32>
    %get3A_17 = arith.constant 0 : index
    %get3A_18 = arith.constant 0 : index
    %get3A_19 = vector.load %arg12[%get3A_17, %get3A_18] : memref<1x128xf32, #tpu.memory_space<vmem>>, vector<1x128xf32>
    %get3A_20 = arith.constant 0 : index
    %get3A_21 = arith.constant 0 : index
    %get3A_22 = vector.load %arg7[%get3A_20, %get3A_21] : memref<128x128xf32, #tpu.memory_space<vmem>>, vector<128x128xf32>
    %dot_general3A = arith.constant dense<0.000000e+00> : vector<1x128xf32>
    %dot_general3A_23 = tpu.matmul %add3A, %get3A_22, %dot_general3A {dimension_numbers = #tpu.dot_dimension_numbers<[1], [0], [0], [1], [0, 0, 1, 1], [], []>, transpose_lhs_hint = false} : vector<1x128xf32>, vector<128x128xf32>, vector<1x128xf32> -> vector<1x128xf32>
    %add3A_24 = arith.addf %get3A_19, %dot_general3A_23 : vector<1x128xf32>
    %get3A_25 = arith.constant 0 : index
    %get3A_26 = arith.constant 0 : index
    %get3A_27 = vector.load %arg8[%get3A_25, %get3A_26] : memref<128x128xf32, #tpu.memory_space<vmem>>, vector<128x128xf32>
    %dot_general3A_28 = arith.constant dense<0.000000e+00> : vector<1x128xf32>
    %dot_general3A_29 = tpu.matmul %abs3A, %get3A_27, %dot_general3A_28 {dimension_numbers = #tpu.dot_dimension_numbers<[1], [0], [0], [1], [0, 0, 1, 1], [], []>, transpose_lhs_hint = false} : vector<1x128xf32>, vector<128x128xf32>, vector<1x128xf32> -> vector<1x128xf32>
    %add3A_30 = arith.addf %add3A_24, %dot_general3A_29 : vector<1x128xf32>
    %get3A_31 = arith.constant 0 : index
    %get3A_32 = arith.constant 0 : index
    %get3A_33 = vector.load %arg11[%get3A_31, %get3A_32] : memref<128x128xf32, #tpu.memory_space<vmem>>, vector<128x128xf32>
    %dot_general3A_34 = arith.constant dense<0.000000e+00> : vector<1x128xf32>
    %dot_general3A_35 = tpu.matmul %select_n3A, %get3A_33, %dot_general3A_34 {dimension_numbers = #tpu.dot_dimension_numbers<[1], [0], [0], [1], [0, 0, 1, 1], [], []>, transpose_lhs_hint = false} : vector<1x128xf32>, vector<128x128xf32>, vector<1x128xf32> -> vector<1x128xf32>
    %add3A_36 = arith.addf %add3A_30, %dot_general3A_35 : vector<1x128xf32>
    %get3A_37 = arith.constant 0 : index
    %get3A_38 = arith.constant 0 : index
    %get3A_39 = vector.load %arg20[%get3A_37, %get3A_38] : memref<1x128xf32, #tpu.memory_space<vmem>>, vector<1x128xf32>
    %get3A_40 = arith.constant 0 : index
    %get3A_41 = arith.constant 0 : index
    %get3A_42 = vector.load %arg15[%get3A_40, %get3A_41] : memref<128x128xf32, #tpu.memory_space<vmem>>, vector<128x128xf32>
    %dot_general3A_43 = arith.constant dense<0.000000e+00> : vector<1x128xf32>
    %dot_general3A_44 = tpu.matmul %add3A, %get3A_42, %dot_general3A_43 {dimension_numbers = #tpu.dot_dimension_numbers<[1], [0], [0], [1], [0, 0, 1, 1], [], []>, transpose_lhs_hint = false} : vector<1x128xf32>, vector<128x128xf32>, vector<1x128xf32> -> vector<1x128xf32>
    %add3A_45 = arith.addf %get3A_39, %dot_general3A_44 : vector<1x128xf32>
    %get3A_46 = arith.constant 0 : index
    %get3A_47 = arith.constant 0 : index
    %get3A_48 = vector.load %arg16[%get3A_46, %get3A_47] : memref<128x128xf32, #tpu.memory_space<vmem>>, vector<128x128xf32>
    %dot_general3A_49 = arith.constant dense<0.000000e+00> : vector<1x128xf32>
    %dot_general3A_50 = tpu.matmul %abs3A, %get3A_48, %dot_general3A_49 {dimension_numbers = #tpu.dot_dimension_numbers<[1], [0], [0], [1], [0, 0, 1, 1], [], []>, transpose_lhs_hint = false} : vector<1x128xf32>, vector<128x128xf32>, vector<1x128xf32> -> vector<1x128xf32>
    %add3A_51 = arith.addf %add3A_45, %dot_general3A_50 : vector<1x128xf32>
    %get3A_52 = arith.constant 0 : index
    %get3A_53 = arith.constant 0 : index
    %get3A_54 = vector.load %arg19[%get3A_52, %get3A_53] : memref<128x128xf32, #tpu.memory_space<vmem>>, vector<128x128xf32>
    %dot_general3A_55 = arith.constant dense<0.000000e+00> : vector<1x128xf32>
    %dot_general3A_56 = tpu.matmul %select_n3A, %get3A_54, %dot_general3A_55 {dimension_numbers = #tpu.dot_dimension_numbers<[1], [0], [0], [1], [0, 0, 1, 1], [], []>, transpose_lhs_hint = false} : vector<1x128xf32>, vector<128x128xf32>, vector<1x128xf32> -> vector<1x128xf32>
    %add3A_57 = arith.addf %add3A_51, %dot_general3A_56 : vector<1x128xf32>
    %get3A_58 = arith.constant 0 : index
    %get3A_59 = arith.constant 0 : index
    %get3A_60 = vector.load %arg1[%get3A_58, %get3A_59] : memref<1024x128xf32, #tpu.memory_space<vmem>>, vector<1024x128xf32>
    %get3A_61 = arith.constant 0 : index
    %get3A_62 = arith.constant 0 : index
    %get3A_63 = vector.load %arg2[%get3A_61, %get3A_62] : memref<1024x128xf32, #tpu.memory_space<vmem>>, vector<1024x128xf32>
    %add3A_64 = arith.addf %get3A_60, %get3A_63 : vector<1024x128xf32>
    %sub3A_65 = arith.subf %get3A_60, %get3A_63 : vector<1024x128xf32>
    %abs3A_66 = math.absf %sub3A_65 : vector<1024x128xf32>
    %get3A_67 = arith.constant 0 : index
    %get3A_68 = arith.constant 0 : index
    %get3A_69 = vector.load %arg9[%get3A_67, %get3A_68] : memref<128x128xf32, #tpu.memory_space<vmem>>, vector<128x128xf32>
    %dot_general3A_70 = arith.constant dense<0.000000e+00> : vector<1024x128xf32>
    %dot_general3A_71 = tpu.matmul %add3A_64, %get3A_69, %dot_general3A_70 {dimension_numbers = #tpu.dot_dimension_numbers<[1], [0], [0], [1], [0, 0, 1, 1], [], []>, transpose_lhs_hint = false} : vector<1024x128xf32>, vector<128x128xf32>, vector<1024x128xf32> -> vector<1024x128xf32>
    %get3A_72 = arith.constant 0 : index
    %get3A_73 = arith.constant 0 : index
    %get3A_74 = vector.load %arg10[%get3A_72, %get3A_73] : memref<128x128xf32, #tpu.memory_space<vmem>>, vector<128x128xf32>
    %dot_general3A_75 = arith.constant dense<0.000000e+00> : vector<1024x128xf32>
    %dot_general3A_76 = tpu.matmul %abs3A_66, %get3A_74, %dot_general3A_75 {dimension_numbers = #tpu.dot_dimension_numbers<[1], [0], [0], [1], [0, 0, 1, 1], [], []>, transpose_lhs_hint = false} : vector<1024x128xf32>, vector<128x128xf32>, vector<1024x128xf32> -> vector<1024x128xf32>
    %add3A_77 = arith.addf %dot_general3A_71, %dot_general3A_76 : vector<1024x128xf32>
    %add3A_78 = vector.broadcast %add3A_36 : vector<1x128xf32> to vector<1024x128xf32>
    %add3A_79 = arith.addf %add3A_77, %add3A_78 : vector<1024x128xf32>
    %max3A = arith.constant 0.000000e+00 : f32
    %max3A_80 = vector.broadcast %max3A : f32 to vector<1024x128xf32>
    %max3A_81 = arith.maximumf %add3A_79, %max3A_80 : vector<1024x128xf32>
    %get3A_82 = arith.constant 0 : index
    %get3A_83 = arith.constant 0 : index
    %get3A_84 = vector.load %arg13[%get3A_82, %get3A_83] : memref<128x1xf32, #tpu.memory_space<vmem>>, vector<128x1xf32>
    %dot_general3A_85 = arith.constant dense<0.000000e+00> : vector<1024x1xf32>
    %dot_general3A_86 = tpu.matmul %max3A_81, %get3A_84, %dot_general3A_85 {dimension_numbers = #tpu.dot_dimension_numbers<[1], [0], [0], [1], [0, 0, 1, 1], [], []>, transpose_lhs_hint = false} : vector<1024x128xf32>, vector<128x1xf32>, vector<1024x1xf32> -> vector<1024x1xf32>
    %get3A_87 = arith.constant 0 : index
    %get3A_88 = arith.constant 0 : index
    %get3A_89 = vector.load %arg14[%get3A_87, %get3A_88] : memref<1x1xf32, #tpu.memory_space<vmem>>, vector<1x1xf32>
    %add3A_90 = vector.broadcast %get3A_89 : vector<1x1xf32> to vector<1024x1xf32>
    %add3A_91 = arith.addf %dot_general3A_86, %add3A_90 : vector<1024x1xf32>
    %squeeze3A = vector.shape_cast %add3A_91 : vector<1024x1xf32> to vector<1024xf32>
    %swap3A = arith.constant 0 : index
    %swap3A_92 = vector.load %arg23[%swap3A] : memref<1024xf32, #tpu.memory_space<vmem>>, vector<1024xf32>
    tpu.vector_store %arg23[%swap3A], %squeeze3A {strides = array<i32>} : memref<1024xf32, #tpu.memory_space<vmem>>, vector<1024xf32>,
    %get3A_93 = arith.constant 0 : index
    %get3A_94 = arith.constant 0 : index
    %get3A_95 = vector.load %arg17[%get3A_93, %get3A_94] : memref<128x128xf32, #tpu.memory_space<vmem>>, vector<128x128xf32>
    %dot_general3A_96 = arith.constant dense<0.000000e+00> : vector<1024x128xf32>
    %dot_general3A_97 = tpu.matmul %add3A_64, %get3A_95, %dot_general3A_96 {dimension_numbers = #tpu.dot_dimension_numbers<[1], [0], [0], [1], [0, 0, 1, 1], [], []>, transpose_lhs_hint = false} : vector<1024x128xf32>, vector<128x128xf32>, vector<1024x128xf32> -> vector<1024x128xf32>
    %get3A_98 = arith.constant 0 : index
    %get3A_99 = arith.constant 0 : index
    %get3A_100 = vector.load %arg18[%get3A_98, %get3A_99] : memref<128x128xf32, #tpu.memory_space<vmem>>, vector<128x128xf32>
    %dot_general3A_101 = arith.constant dense<0.000000e+00> : vector<1024x128xf32>
    %dot_general3A_102 = tpu.matmul %abs3A_66, %get3A_100, %dot_general3A_101 {dimension_numbers = #tpu.dot_dimension_numbers<[1], [0], [0], [1], [0, 0, 1, 1], [], []>, transpose_lhs_hint = false} : vector<1024x128xf32>, vector<128x128xf32>, vector<1024x128xf32> -> vector<1024x128xf32>
    %add3A_103 = arith.addf %dot_general3A_97, %dot_general3A_102 : vector<1024x128xf32>
    %add3A_104 = vector.broadcast %add3A_57 : vector<1x128xf32> to vector<1024x128xf32>
    %add3A_105 = arith.addf %add3A_103, %add3A_104 : vector<1024x128xf32>
    %max3A_106 = arith.constant 0.000000e+00 : f32
    %max3A_107 = vector.broadcast %max3A_106 : f32 to vector<1024x128xf32>
    %max3A_108 = arith.maximumf %add3A_105, %max3A_107 : vector<1024x128xf32>
    %get3A_109 = arith.constant 0 : index
    %get3A_110 = arith.constant 0 : index
    %get3A_111 = vector.load %arg21[%get3A_109, %get3A_110] : memref<128x2xf32, #tpu.memory_space<vmem>>, vector<128x2xf32>
    %dot_general3A_112 = arith.constant dense<0.000000e+00> : vector<1024x2xf32>
    %dot_general3A_113 = tpu.matmul %max3A_108, %get3A_111, %dot_general3A_112 {dimension_numbers = #tpu.dot_dimension_numbers<[1], [0], [0], [1], [0, 0, 1, 1], [], []>, transpose_lhs_hint = false} : vector<1024x128xf32>, vector<128x2xf32>, vector<1024x2xf32> -> vector<1024x2xf32>
    %get3A_114 = arith.constant 0 : index
    %get3A_115 = arith.constant 0 : index
    %get3A_116 = vector.load %arg22[%get3A_114, %get3A_115] : memref<1x2xf32, #tpu.memory_space<vmem>>, vector<1x2xf32>
    %add3A_117 = vector.broadcast %get3A_116 : vector<1x2xf32> to vector<1024x2xf32>
    %add3A_118 = arith.addf %dot_general3A_113, %add3A_117 : vector<1024x2xf32>
    %swap3A_119 = arith.constant 0 : index
    %swap3A_120 = arith.constant 0 : index
    %swap3A_121 = vector.load %arg24[%swap3A_119, %swap3A_120] : memref<1024x2xf32, #tpu.memory_space<vmem>>, vector<1024x2xf32>
    tpu.vector_store %arg24[%swap3A_119, %swap3A_120], %add3A_118 {strides = array<i32>} : memref<1024x2xf32, #tpu.memory_space<vmem>>, vector<1024x2xf32>,
    return
  }
  func.func @transform_0(%arg0: i32) -> (i32, i32) {
    %c0_i32 = arith.constant 0 : i32
    %c0_i32_0 = arith.constant 0 : i32
    return %arg0, %c0_i32 : i32, i32
  }
  func.func @transform_1(%arg0: i32) -> (i32, i32) {
    %c0_i32 = arith.constant 0 : i32
    %c0_i32_0 = arith.constant 0 : i32
    return %arg0, %c0_i32 : i32, i32
  }
  func.func @transform_2(%arg0: i32) -> (i32, i32) {
    %c0_i32 = arith.constant 0 : i32
    %c0_i32_0 = arith.constant 0 : i32
    %c0_i32_1 = arith.constant 0 : i32
    return %c0_i32, %c0_i32_0 : i32, i32
  }
  func.func @transform_3(%arg0: i32) -> (i32, i32) {
    %c0_i32 = arith.constant 0 : i32
    %c0_i32_0 = arith.constant 0 : i32
    %c0_i32_1 = arith.constant 0 : i32
    return %c0_i32, %c0_i32_0 : i32, i32
  }
  func.func @transform_4(%arg0: i32) -> (i32, i32) {
    %c0_i32 = arith.constant 0 : i32
    %c0_i32_0 = arith.constant 0 : i32
    %c0_i32_1 = arith.constant 0 : i32
    return %c0_i32, %c0_i32_0 : i32, i32
  }
  func.func @transform_5(%arg0: i32) -> (i32, i32) {
    %c0_i32 = arith.constant 0 : i32
    %c0_i32_0 = arith.constant 0 : i32
    %c0_i32_1 = arith.constant 0 : i32
    return %c0_i32, %c0_i32_0 : i32, i32
  }
  func.func @transform_6(%arg0: i32) -> (i32, i32) {
    %c0_i32 = arith.constant 0 : i32
    %c0_i32_0 = arith.constant 0 : i32
    %c0_i32_1 = arith.constant 0 : i32
    return %c0_i32, %c0_i32_0 : i32, i32
  }
  func.func @transform_7(%arg0: i32) -> (i32, i32) {
    %c0_i32 = arith.constant 0 : i32
    %c0_i32_0 = arith.constant 0 : i32
    %c0_i32_1 = arith.constant 0 : i32
    return %c0_i32, %c0_i32_0 : i32, i32
  }
  func.func @transform_8(%arg0: i32) -> (i32, i32) {
    %c0_i32 = arith.constant 0 : i32
    %c0_i32_0 = arith.constant 0 : i32
    %c0_i32_1 = arith.constant 0 : i32
    return %c0_i32, %c0_i32_0 : i32, i32
  }
  func.func @transform_9(%arg0: i32) -> (i32, i32) {
    %c0_i32 = arith.constant 0 : i32
    %c0_i32_0 = arith.constant 0 : i32
    %c0_i32_1 = arith.constant 0 : i32
    return %c0_i32, %c0_i32_0 : i32, i32
  }
  func.func @transform_10(%arg0: i32) -> (i32, i32) {
    %c0_i32 = arith.constant 0 : i32
    %c0_i32_0 = arith.constant 0 : i32
    %c0_i32_1 = arith.constant 0 : i32
    return %c0_i32, %c0_i32_0 : i32, i32
  }
  func.func @transform_11(%arg0: i32) -> (i32, i32) {
    %c0_i32 = arith.constant 0 : i32
    %c0_i32_0 = arith.constant 0 : i32
    %c0_i32_1 = arith.constant 0 : i32
    return %c0_i32, %c0_i32_0 : i32, i32
  }
  func.func @transform_12(%arg0: i32) -> (i32, i32) {
    %c0_i32 = arith.constant 0 : i32
    %c0_i32_0 = arith.constant 0 : i32
    %c0_i32_1 = arith.constant 0 : i32
    return %c0_i32, %c0_i32_0 : i32, i32
  }
  func.func @transform_13(%arg0: i32) -> (i32, i32) {
    %c0_i32 = arith.constant 0 : i32
    %c0_i32_0 = arith.constant 0 : i32
    %c0_i32_1 = arith.constant 0 : i32
    return %c0_i32, %c0_i32_0 : i32, i32
  }
  func.func @transform_14(%arg0: i32) -> (i32, i32) {
    %c0_i32 = arith.constant 0 : i32
    %c0_i32_0 = arith.constant 0 : i32
    %c0_i32_1 = arith.constant 0 : i32
    return %c0_i32, %c0_i32_0 : i32, i32
  }
  func.func @transform_15(%arg0: i32) -> (i32, i32) {
    %c0_i32 = arith.constant 0 : i32
    %c0_i32_0 = arith.constant 0 : i32
    %c0_i32_1 = arith.constant 0 : i32
    return %c0_i32, %c0_i32_0 : i32, i32
  }
  func.func @transform_16(%arg0: i32) -> (i32, i32) {
    %c0_i32 = arith.constant 0 : i32
    %c0_i32_0 = arith.constant 0 : i32
    %c0_i32_1 = arith.constant 0 : i32
    return %c0_i32, %c0_i32_0 : i32, i32
  }
  func.func @transform_17(%arg0: i32) -> (i32, i32) {
    %c0_i32 = arith.constant 0 : i32
    %c0_i32_0 = arith.constant 0 : i32
    %c0_i32_1 = arith.constant 0 : i32
    return %c0_i32, %c0_i32_0 : i32, i32
  }
  func.func @transform_18(%arg0: i32) -> (i32, i32) {
    %c0_i32 = arith.constant 0 : i32
    %c0_i32_0 = arith.constant 0 : i32
    %c0_i32_1 = arith.constant 0 : i32
    return %c0_i32, %c0_i32_0 : i32, i32
  }
  func.func @transform_19(%arg0: i32) -> (i32, i32) {
    %c0_i32 = arith.constant 0 : i32
    %c0_i32_0 = arith.constant 0 : i32
    %c0_i32_1 = arith.constant 0 : i32
    return %c0_i32, %c0_i32_0 : i32, i32
  }
  func.func @transform_20(%arg0: i32) -> (i32, i32) {
    %c0_i32 = arith.constant 0 : i32
    %c0_i32_0 = arith.constant 0 : i32
    %c0_i32_1 = arith.constant 0 : i32
    return %c0_i32, %c0_i32_0 : i32, i32
  }
  func.func @transform_21(%arg0: i32) -> (i32, i32) {
    %c0_i32 = arith.constant 0 : i32
    %c0_i32_0 = arith.constant 0 : i32
    %c0_i32_1 = arith.constant 0 : i32
    return %c0_i32, %c0_i32_0 : i32, i32
  }
  func.func @transform_22(%arg0: i32) -> i32 {
    %c0_i32 = arith.constant 0 : i32
    return %arg0 : i32
  }
  func.func @transform_23(%arg0: i32) -> (i32, i32) {
    %c0_i32 = arith.constant 0 : i32
    %c0_i32_0 = arith.constant 0 : i32
    return %arg0, %c0_i32 : i32, i32
  }
}

</mosaic_0001>

<sc_bundles>
// kernel: kernel.10.cloned.1.call-start
scs
__scs_entry_jumppad:
0x0: {  	(pc) =	sbr.rel $0x88, $3  }
0x1: {  	(tag) =	ssettag $0x0;
	lr =	simm.s32 $0x1  }
0x2: {  	[smem:$0x3F7D] =	sst lr;
	_ =	strace $0xD0000000  }
0x3: {  	_ = 	snop  }
0x4: {  	_ = 	snop  }
0x5: {  	_ = 	snop  }
0x6: {  	_ = 	snop  }
0x7: {  	_ = 	snop  }
__scs_overlays_trampoline_lowered:
0x8: {  	[smem:$0x3F8C] =	sst s0  }
0x9: {  	[smem:$0x3F8D] =	sst s1  }
0xa: {  	[smem:$0x3F8E] =	sst s2  }
0xb: {  	[smem:$0x3F8F] =	sst s3  }
0xc: {  	[smem:$0x3F90] =	sst s4  }
0xd: {  	[smem:$0x3F91] =	sst s5  }
0xe: {  	[smem:$0x3F92] =	sst s6  }
0xf: {  	[smem:$0x3F93] =	sst s7  }
0x10: {  	[smem:$0x3F94] =	sst s8  }
0x11: {  	[smem:$0x3F95] =	sst s9;
	s0 =	simm.s32 @!p0 $0x0  }
0x12: {  	s1 =	sld [smem:$0x3F7B];
	s0 =	simm.s32 @p0 $0x1  }
0x13: {  	[smem:$0x3F96] =	sst s0;
	s0 =	simm.s32 @!p1 $0x0  }
0x14: {  	s2 =	sld [smem:$0x3F7A];
	s0 =	simm.s32 @p1 $0x1  }
0x15: {  	[smem:$0x3F97] =	sst s0;
	s0 =	simm.s32 @!p2 $0x0  }
0x16: {  	s3 =	sld [smem:$0x3FDB];
	s0 =	simm.s32 @p2 $0x1  }
0x17: {  	s4 =	simm.s32 $0x1BF5;
	[smem:$0x3F99] =	sst s0  }
0x18: {  	s0 =	sld [smem:$0x3F7C];
	_ =	swait.ge [sflag:s4], $0x0  }
0x19: {  	s7 =	sld [smem:$0x3F7D]  }
0x1a: {  	s8 =	sadd.s32 $0xFFFFE003, lr  }
0x1b: {  	s9 =	sadd.s32 $0xFFFFFEF7, lr;
	s5 =	simm.s32 $0xFFFFFFFF;
	p2 =	slt.u32 s8, $0xFFFFF086  }
0x1c: {  	p1 =	slt.u32 s9, $0xF7A;
	s5 =	simm.s32 @!p2 $0x0  }
0x1d: {  	s5 =	simm.s32 @p1 $0x1;
	p0 =	seq.s32 s7, s2  }
0x1e: {  	s7 =	smul.u32 @!p0 $0xF7A, s2;
	p2 =	seq.s32 @!p0 s5, $0x0  }
0x1f: {  	s9 =	smul.u32 $0xF7A, s1;
	s8 =	simm.s32 @!p0 $0x1BF5;
	p2 =	por !p2, p0  }
0x20: {  	[sflag:s8] =	ssyncset.s32 @!p0 $0xFFFFF086;
	s6 =	sadd.s32 @!p0 s3, s7;
	s7 =	simm.s32 @!p0 $0x108  }
0x21: {  	s3 =	sadd.s32 s3, s9;
	s6 =	sadd.s32 @!p0 $0x88, s6;
	s7 =	simm.s32 @p2 $0x1082  }
0x22: {  	[simem:s7], [sflag:s8] =	dma.local @!p0 [hbm:s6], $0xF7A  }
0x23: {  	s9 =	sor.u32 $0xD0000000, s2;
	s6 =	simm.s32 $0x108;
	_ =	swait.ge @!p0 [sflag:s8], $0x0  }
0x24: {  	s3 =	sadd.s32 $0x88, s3;
	s6 =	simm.s32 @!p1 $0x1082;
	[sflag:s4] =	ssyncset.s32 $0xFFFFF086  }
0x25: {  	[simem:s6], [sflag:s4] =	dma.local [hbm:s3], $0xF7A  }
0x26: {  	[smem:$0x3F7D] =	sst s1;
	(tag) =	ssettag s2;
	_ =	strace s9  }
0x27: {  	s1 =	sld [smem:$0x3F8D]  }
0x28: {  	s2 =	sld [smem:$0x3F8E]  }
0x29: {  	s4 =	sld [smem:$0x3F90]  }
0x2a: {  	p0 =	seq.s32 s5, $0x0;
	s5 =	sld [smem:$0x3F91]  }
0x2b: {  	s6 =	sld [smem:$0x3F92]  }
0x2c: {  	s7 =	sld [smem:$0x3F93]  }
0x2d: {  	s3 =	simm.s32 $0x108;
	s8 =	sld [smem:$0x3F94]  }
0x2e: {  	s3 =	simm.s32 @!p0 $0x1082;
	s9 =	sld [smem:$0x3F95]  }
0x2f: {  	lr =	sadd.s32 s0, s3;
	s0 =	sld [smem:$0x3F8C]  }
0x30: {  	s3 =	sld [smem:$0x3F8F]  }
0x31: {  	[smem:$0x3F98] =	sst s10  }
0x32: {  	s10 =	sld [smem:$0x3F96];
	_ =	sdelay $0x3  }
0x33: {  	p0 =	seq.s32 s10, $0x1;
	s10 =	sld [smem:$0x3F98];
	_ =	sdelay $0x3  }
0x34: {  	[smem:$0x3F98] =	sst s10  }
0x35: {  	s10 =	sld [smem:$0x3F97];
	_ =	sdelay $0x3  }
0x36: {  	p1 =	seq.s32 s10, $0x1;
	s10 =	sld [smem:$0x3F98];
	_ =	sdelay $0x3  }
0x37: {  	[smem:$0x3F98] =	sst s10  }
0x38: {  	s10 =	sld [smem:$0x3F99]  }
0x39: {  	_ = 	snop;
	(pc) =	sbr.ind lr, $3  }
0x3a: {  	_ = 	snop  }
0x3b: {  	_ = 	snop  }
0x3c: {  	p2 =	seq.s32 s10, $0x1;
	s10 =	sld [smem:$0x3F98]  }
0x3d: {  	_ =	shalt  }
0x3e: {  	_ =	shalt  }
0x3f: {  	_ =	shalt  }
0x40: {  	_ =	shalt  }
0x41: {  	_ =	shalt  }
0x42: {  	_ =	shalt  }
0x43: {  	_ =	shalt  }
0x44: {  	_ =	shalt  }
0x45: {  	_ =	shalt  }
0x46: {  	_ =	shalt  }
0x47: {  	_ =	shalt  }
0x48: {  	_ =	shalt  }
0x49: {  	_ =	shalt  }
0x4a: {  	_ =	shalt  }
0x4b: {  	_ =	shalt  }
0x4c: {  	_ =	shalt  }
0x4d: {  	_ =	shalt  }
0x4e: {  	_ =	shalt  }
0x4f: {  	_ =	shalt  }
0x50: {  	_ =	shalt  }
0x51: {  	_ =	shalt  }
0x52: {  	_ =	shalt  }
0x53: {  	_ =	shalt  }
0x54: {  	_ =	shalt  }
0x55: {  	_ =	shalt  }
0x56: {  	_ =	shalt  }
0x57: {  	_ =	shalt  }
0x58: {  	_ =	shalt  }
0x59: {  	_ =	shalt  }
0x5a: {  	_ =	shalt  }
0x5b: {  	_ =	shalt  }
0x5c: {  	_ =	shalt  }
0x5d: {  	_ =	shalt  }
0x5e: {  	_ =	shalt  }
0x5f: {  	_ =	shalt  }
0x60: {  	_ =	shalt  }
0x61: {  	_ =	shalt  }
0x62: {  	_ =	shalt  }
0x63: {  	_ =	shalt  }
0x64: {  	_ =	shalt  }
0x65: {  	_ =	shalt  }
0x66: {  	_ =	shalt  }
0x67: {  	_ =	shalt  }
0x68: {  	_ =	shalt  }
0x69: {  	_ =	shalt  }
0x6a: {  	_ =	shalt  }
0x6b: {  	_ =	shalt  }
0x6c: {  	_ =	shalt  }
0x6d: {  	_ =	shalt  }
0x6e: {  	_ =	shalt  }
0x6f: {  	_ =	shalt  }
0x70: {  	_ =	shalt  }
0x71: {  	_ =	shalt  }
0x72: {  	_ =	shalt  }
0x73: {  	_ =	shalt  }
0x74: {  	_ =	shalt  }
0x75: {  	_ =	shalt  }
0x76: {  	_ =	shalt  }
0x77: {  	_ =	shalt  }
0x78: {  	_ =	shalt  }
0x79: {  	_ =	shalt  }
0x7a: {  	_ =	shalt  }
0x7b: {  	_ =	shalt  }
0x7c: {  	_ =	shalt  }
0x7d: {  	_ =	shalt  }
0x7e: {  	_ =	shalt  }
0x7f: {  	_ =	shalt  }
0x80: {  	_ =	shalt  }
0x81: {  	_ =	shalt  }
0x82: {  	_ =	shalt  }
0x83: {  	_ =	shalt  }
0x84: {  	_ =	shalt  }
0x85: {  	_ =	shalt  }
0x86: {  	_ =	shalt  }
0x87: {  	_ =	shalt  }
.Lfunc_end0:
.L_simem_size_0:
called_computation_lowered:
.L_overlay_start_0:
0x88: {  	s2 =	sld [smem:$0x3FD9]  }
0x89: {  	s3 =	sld [smem:$0x3FFE];
	_ =	sdelay $0x1  }
0x8a: {  	s1 =	srdreg.scid  }
0x8b: {  	s0 =	sand.u32 $0x1, s1  }
0x8c: {  	s17 =	sshll.u32 s0, $0xA;
	s2 =	sadd.s32 s3, s2  }
0x8d: {  	s2 =	sadd.s32 s2, s17  }
0x8e: {  	[smem:$0x3FA4] =	sst s2  }
0x8f: {  	_ = 	snop  }
0x90: {  	s2 =	sld [smem:$0x3FC9]  }
0x91: {  	s18 =	sld [smem:$0x3FC8];
	(tm) =	ssettm $0x1  }
0x92: {  	s4 =	sld [smem:$0x3FFB];
	_ =	sdelay $0x3  }
0x93: {  	_ =	strace s4  }
0x94: {  	s4 =	sld [smem:$0x3FFC];
	_ =	sdelay $0x3  }
0x95: {  	_ =	strace s4  }
0x96: {  	s4 =	sld [smem:$0x3FFD];
	_ =	sdelay $0x3  }
0x97: {  	_ =	strace s4  }
0x98: {  	_ =	strace $0x8FFFFFFF  }
0x99: {  	s19 =	sld [smem:$0x3FDB];
	_ =	sdelay $0x1  }
0x9a: {  	s5 =	simm.s32 $_scs_section_size  }
0x9b: {  	s6 =	simm.s32 $_size__tile_overlayer_lowered;
	s7 =	simm.s32 $_tile_overlayer_lowered  }
0x9c: {  	s22 =	simm.s32 $0x1BFF;
	s21 =	sshll.u32 s7, $0x1;
	s4 =	sadd.s32 s5, s19  }
0x9d: {  	s8 =	simm.s32 $0x0;
	s20 =	sshll.u32 s6, $0x1;
	s6 =	sadd.s32 s21, s4  }
0x9e: {  	[timem:s8], [sflag:s22] =	dma.local [hbm:s6], s20  }
0x9f: {  	_ =	swait.ge [sflag:s22], s20  }
0xa0: {  	s5 =	ssub.s32 $0x0, s20;
	[sflag:s22] =	ssyncset.done $0x0  }
0xa1: {  	[sflag:s22] =	ssyncadd.s32 s5;
	_ =	sdelay $0x1  }
0xa2: {  	s23 =	simm.s32 $0x1B8B  }
0xa3: {  	_ =	swait.ge [sflag:s23], $0x1  }
0xa4: {  	[sflag:s23] =	ssyncset.done $0x0  }
0xa5: {  	s25 =	simm.s32 $0x1B8E;
	s24 =	sld [smem:$0x3FFE];
	[sflag:s23] =	ssyncadd.s32 $0xFFFFFFFF  }
0xa6: {  	s26 =	simm.s32 $execute0_lowered;
	[smem:$0x3FD2] =	sst s25  }
0xa7: {  	s6 =	sshll.u32 s26, $0x1;
	_ =	strace $0x80000046;
	[dreg:$0x1] =	wrdreg $0xFFFFFFFF  }
0xa8: {  	s28 =	simm.s32 $_size_execute0_lowered;
	s4 =	sadd.s32 s4, s6;
	[dreg:$0x0] =	wrdreg $0x0  }
0xa9: {  	s6 =	sshll.u32 s28, $0x1;
	[dreg:$0x2] =	wrdreg s4  }
0xaa: {  	[dreg:$0x3] =	wrdreg s6  }
0xab: {  	[dreg:$0x4] =	wrdreg $0xC0  }
0xac: {  	_ =	task [dreg:s8], $0x5FFFF  }
0xad: {  	[dreg:$0x1] =	wrdreg $0xFFFFFFFF  }
0xae: {  	[dreg:$0x0] =	wrdreg $0x60  }
0xaf: {  	[dreg:$0x2] =	wrdreg s2  }
0xb0: {  	[dreg:$0x3] =	wrdreg s18  }
0xb1: {  	[dreg:$0x4] =	wrdreg s24  }
0xb2: {  	[dreg:$0x5] =	wrdreg $0x83000  }
0xb3: {  	[dreg:$0x6] =	wrdreg $0x9  }
0xb4: {  	_ =	task.clear_ibuf [dreg:s8], $0x7FFFF;
	_ =	strace $0x90000046  }
0xb5: {  	s29 =	simm.s32 $0x9;
	_ =	strace $0x80000048  }
0xb6: {  	_ =	swait.ge [sflag:s29], $0x1  }
0xb7: {  	[sflag:s29] =	ssyncadd.s32 $0xFFFFFFFF  }
0xb8: {  	_ =	strace $0x90000048  }
0xb9: {  	_ =	sfence  }
0xba: {  	s30 =	sld [smem:$0x0];
	_ =	sdelay $0x2  }
0xbb: {  	s31 =	sshll.u32 s1, $0xD;
	s1 =	sshrl.u32 s1, $0x2  }
0xbc: {  	s3 =	sand.u32 $0x4000, s31;
	s1 =	sadd.s32 s1, s30  }
0xbd: {  	s0 =	sor.u32 s3, s0;
	s1 =	sshll.u32 s1, $0x11  }
0xbe: {  	s0 =	sor.u32 s1, s0  }
0xbf: {  	s0 =	sadd.s32 $0x8F2B, s0  }
0xc0: {  	[sflag:s0] =	ssyncadd.remote.s32 $0x1  }
0xc1: {  	_ =	sfence.sel $0xFFFF  }
0xc2: {  	[dreg:$0x0] =	wrdreg $0xFFFFFFFF;
	(pc) =	sbr.abs _section_cstart, $3  }
0xc3: {  	[dreg:$0x1] =	wrdreg $0xFFFFFFFF  }
0xc4: {  	_ =	task.clear_ibuf [dreg:s8], $0x2FFFF;
	_ =	strace $0x9FFFFFFF  }
0xc5: {  	(tm) =	ssettm $0x7FFFFFFF  }
tec
execute0_lowered:
.L_overlay_start_1:
0x0: {  	(tag) =	ssettag $0x1  }
0x1: {  	s1 =	rddreg [dreg:$0x0]  }
0x2: {  	s10 =	rddreg [dreg:$0x1]  }
0x3: {  	s5 =	rddreg [dreg:$0x2];
	s0 =	stileid.u32  }
0x4: {  	s2 =	srdreg.scid;
	s3 =	rddreg [dreg:$0x3];
	s4 =	simm.s32 $0x0  }
0x5: {  	s14 =	simm.s32 $0x300;
	s15 =	simm.s32 $0x100;
	s16 =	simm.s32 $0x4300  }
0x6: {  	s19 =	simm.s32 $0x1;
	s20 =	simm.s32 $0x2;
	s21 =	simm.s32 $0x280  }
0x7: {  	s22 =	simm.s32 $0x4;
	s7 =	sand.u32 $0x1, s2;
	s2 =	rddreg [dreg:$0x4]  }
0x8: {  	s23 =	simm.s32 $0x0;
	s6 =	smul.u32 $0x13C00, s0;
	[smem:$0x7FF] =	sst s4  }
0x9: {  	s17 =	sshll.u32 s0, $0x6;
	s28 =	smul.u32 $0x4F000, s0;
	p0 =	sgt.u32 s0, $0x1  }
0xa: {  	s8 =	smul.u32 $0x13C000, s7;
	_ =	strace $0x80000047;
	s26 =	ssub.s32 $0x2, s7  }
0xb: {  	s11 =	sshll.u32 s7, $0x5;
	s31 =	sadd.s32 s17, s10;
	s9 =	sshrl.u32 s6, $0x3  }
0xc: {  	s29 =	sshrl.u32 s26, $0x1;
	s30 =	sor.u32 s11, s17;
	s7 =	sshrl.u32 s28, $0x2  }
0xd: {  	s11 =	sadd.s32 s11, s31;
	s17 =	sor.u32 $0x1C05, s17;
	s6 =	sadd.s32 s6, s8  }
.Ltmp0:
0xe: {  	s25 =	sadd.s32 s9, s5;
	s13 =	ssub.s32 s26, s29;
	(pc) =	sbr.rel .LBB2_1-.Ltmp0, $4  }
0xf: {  	s18 =	sadd.s32 s7, s3;
	s6 =	sshrl.u32 s6, $0x3;
	s7 =	sadd.s32 $0x7200, s25  }
0x10: {  	s18 =	sshrl.u32 s18, $0x3;
	s12 =	sadd.s32 s6, s5;
	s5 =	sadd.s32 s10, s30  }
0x11: {  	s10 =	smax.u32 s13, $0x1;
	s13 =	simm.s32 $0x80;
	s6 =	sadd.s32 $0x400, s5  }
0x12: {  	s8 =	sadd.s32 $0x13800, s5;
	s9 =	sadd.s32 $0x2EA00, s12;
	s12 =	simm.s32 $0x5  }
.LBB2_4:
0x13: {  	[spmem:s3] =	stream.indirect.scatter.add.f32 [tilespmem:s16], [sflag:$0x5], $0x80, s21, s13, $0xb8;
	[tilespmem:$0x1BF00] =	vst v63  }
0x14: {  	_ =	swait.ge [sflag:s12], $0x4000  }
0x15: {  	[sflag:s12] =	ssyncset.done $0x0  }
0x16: {  	s24 =	simm.s32 @!p0 $0x0;
	s25 =	simm.s32 @!p0 $0x5;
	[sflag:s12] =	ssyncadd.s32 $0xFFFFC000  }
0x17: {  	[tilespmem:s24], [sflag:$0x5] =	stream.linear.gather @!p0 [hbm4b:s8+s24], $0x100, $0x38;
	[tilespmem:$0x1BF00] =	vst v63  }
0x18: {  	_ =	swait.ge @!p0 [sflag:s25], $0x100  }
0x19: {  	[sflag:s25] =	ssyncset.done @!p0 $0x0  }
0x1a: {  	s26 =	simm.s32 @!p0 $0x80;
	s28 =	simm.s32 @!p0 $0x300;
	[sflag:s25] =	ssyncadd.s32 @!p0 $0xFFFFFF00  }
0x1b: {  	[tilespmem:s28], [sflag:$0x1] =	stream.indirect.gather @!p0 [hbm4b:s1+s26], $0x80, s24, s26, $0xb8;
	[tilespmem:$0x1BF00] =	vst v63  }
0x1c: {  	s24 =	simm.s32 @!p0 $0x1  }
0x1d: {  	_ =	swait.ge @!p0 [sflag:s24], $0x4000  }
0x1e: {  	[sflag:s24] =	ssyncset.done @!p0 $0x0  }
0x1f: {  	[sflag:s24] =	ssyncadd.s32 @!p0 $0xFFFFC000  }
0x20: {  	[spmem:s3] =	stream.indirect.scatter.add.f32 @!p0 [tilespmem:s28], [sflag:$0x5], $0x80, s26, s26, $0xb8;
	[tilespmem:$0x1BF00] =	vst v63  }
0x21: {  	_ =	swait.ge @!p0 [sflag:s25], $0x4000  }
0x22: {  	s23 =	sadd.s32 $0x1, s23;
	[sflag:s25] =	ssyncset.done @!p0 $0x0  }
0x23: {  	p1 =	sne.s32 s23, s10;
	[sflag:s25] =	ssyncadd.s32 @!p0 $0xFFFFC000  }
.Ltmp1:
0x24: {  	[bflag:$0x0] =	sbarrier.arrive $0xFFFF;
	(pc) =	sbr.rel @!p1 .LBB2_5-.Ltmp1, $4  }
0x25: {  	[hbm:s9], [sflag:s17] =	dma.local [spmem:s18], $0x2780  }
0x26: {  	_ =	swait.ge [sflag:s12], $0x2780  }
0x27: {  	[sflag:s12] =	ssyncset.done $0x0  }
0x28: {  	[sflag:s12] =	ssyncadd.s32 $0xFFFFD880  }
.LBB2_1:
0x29: {  	[tilespmem:s4], [sflag:$0x5] =	stream.linear.gather [hbm4b:s5+s4], $0x100, $0x38;
	[tilespmem:$0x1BF00] =	vst v63  }
0x2a: {  	_ =	swait.ge [sflag:s12], $0x100  }
0x2b: {  	[sflag:s12] =	ssyncset.done $0x0  }
0x2c: {  	[sflag:s12] =	ssyncadd.s32 $0xFFFFFF00  }
0x2d: {  	[tilespmem:s14], [sflag:$0x1] =	stream.indirect.gather [hbm4b:s1+s13], $0x80, s4, s13, $0xb8;
	[tilespmem:$0x1BF00] =	vst v63  }
0x2e: {  	_ = 	snop  }
0x2f: {  	[tilespmem:s15], [sflag:$0x5] =	stream.linear.gather [hbm4b:s6+s4], $0x100, $0x38;
	[tilespmem:$0x1BF00] =	vst v63  }
0x30: {  	_ =	swait.ge [sflag:s12], $0x100  }
0x31: {  	[sflag:s12] =	ssyncset.done $0x0  }
0x32: {  	[sflag:s12] =	ssyncadd.s32 $0xFFFFFF00  }
0x33: {  	[tilespmem:s16], [sflag:$0x2] =	stream.indirect.gather [hbm4b:s1+s13], $0x80, s15, s13, $0xb8;
	[tilespmem:$0x1BF00] =	vst v63  }
0x34: {  	[spmem:s18], [sflag:s17] =	dma.local [hbm:s7], $0x2780  }
0x35: {  	_ =	swait.ge [sflag:s12], $0x2780  }
0x36: {  	[sflag:s12] =	ssyncset.done $0x0  }
0x37: {  	[sflag:s12] =	ssyncadd.s32 $0xFFFFD880  }
0x38: {  	s24 =	simm.s32 $0xFFFED000;
	[bflag:$0x0] =	sbarrier.arrive $0xFFFF  }
.LBB2_2:
0x39: {  	_ =	swait.ge [sflag:s19], $0x4000  }
0x3a: {  	[sflag:s19] =	ssyncset.done $0x0  }
0x3b: {  	[sflag:s19] =	ssyncadd.s32 $0xFFFFC000  }
0x3c: {  	v0 =	vld [tilespmem:$0x80]  }
0x3d: {  	v1 =	vld [tilespmem:$0x90]  }
0x3e: {  	v2 =	vld [tilespmem:$0xA0]  }
0x3f: {  	v3 =	vld [tilespmem:$0xB0]  }
0x40: {  	v4 =	vld [tilespmem:$0xC0]  }
0x41: {  	v53 =	vld [tilespmem:$0xD0];
	[tilespmem:$0x200] =	vst v0  }
0x42: {  	v54 =	vld [tilespmem:$0xE0];
	[tilespmem:$0x210] =	vst v1  }
0x43: {  	v55 =	vld [tilespmem:$0xF0];
	[tilespmem:$0x220] =	vst v2  }
0x44: {  	[tilespmem:$0x230] =	vst v3  }
0x45: {  	[tilespmem:$0x240] =	vst v4  }
0x46: {  	[tilespmem:$0x250] =	vst v53  }
0x47: {  	p1 =	seq.s32 s24, $0x0;
	[tilespmem:$0x260] =	vst v54  }
0x48: {  	s25 =	simm.s32 @p1 $0x80;
	s26 =	simm.s32 @p1 $0x200;
	s28 =	simm.s32 @p1 $0x300;
	[tilespmem:$0x270] =	vst v55  }
0x49: {  	[spmem:s3] =	stream.indirect.scatter.add.f32 @p1 [tilespmem:s28], [sflag:$0x5], $0x80, s26, s25, $0xb8;
	[tilespmem:$0x1BF00] =	vst v63  }
0x4a: {  	s25 =	simm.s32 @p1 $0x5  }
0x4b: {  	_ =	swait.ge @p1 [sflag:s25], $0x4000  }
0x4c: {  	s26 =	sadd.s32 @!p1 s24, s11;
	[sflag:s25] =	ssyncset.done @p1 $0x0  }
0x4d: {  	[sflag:s25] =	ssyncadd.s32 @p1 $0xFFFFC000;
	s25 =	sadd.s32 @!p1 $0x13800, s26;
	s26 =	simm.s32 @!p1 $0x0  }
0x4e: {  	[tilespmem:s26], [sflag:$0x3] =	stream.linear.gather @!p1 [hbm4b:s25+s26], $0x100, $0x38;
	[tilespmem:$0x1BF00] =	vst v63  }
0x4f: {  	s29 =	simm.s32 @!p1 $0x300;
	s28 =	simm.s32 @!p1 $0x200;
	s25 =	simm.s32 @!p1 $0x80  }
0x50: {  	[spmem:s3] =	stream.indirect.scatter.add.f32 @!p1 [tilespmem:s29], [sflag:$0x5], $0x80, s28, s25, $0xb8;
	[tilespmem:$0x1BF00] =	vst v63  }
0x51: {  	s28 =	simm.s32 @!p1 $0x5  }
0x52: {  	_ =	swait.ge @!p1 [sflag:s28], $0x4000  }
0x53: {  	[sflag:s28] =	ssyncset.done @!p1 $0x0  }
0x54: {  	[sflag:s28] =	ssyncadd.s32 @!p1 $0xFFFFC000;
	s28 =	simm.s32 @!p1 $0x3  }
0x55: {  	_ =	swait.ge @!p1 [sflag:s28], $0x100  }
0x56: {  	[sflag:s28] =	ssyncset.done @!p1 $0x0  }
0x57: {  	[sflag:s28] =	ssyncadd.s32 @!p1 $0xFFFFFF00  }
0x58: {  	[tilespmem:s29], [sflag:$0x1] =	stream.indirect.gather @!p1 [hbm4b:s1+s25], $0x80, s26, s25, $0xb8;
	[tilespmem:$0x1BF00] =	vst v63  }
0x59: {  	_ =	swait.ge [sflag:s20], $0x4000  }
0x5a: {  	[sflag:s20] =	ssyncset.done $0x0  }
0x5b: {  	[sflag:s20] =	ssyncadd.s32 $0xFFFFC000  }
0x5c: {  	v56 =	vld [tilespmem:$0x180]  }
0x5d: {  	v57 =	vld [tilespmem:$0x190]  }
0x5e: {  	v58 =	vld [tilespmem:$0x1A0]  }
0x5f: {  	v59 =	vld [tilespmem:$0x1B0]  }
0x60: {  	v60 =	vld [tilespmem:$0x1C0]  }
0x61: {  	v61 =	vld [tilespmem:$0x1D0];
	[tilespmem:$0x280] =	vst v56  }
0x62: {  	v62 =	vld [tilespmem:$0x1E0];
	[tilespmem:$0x290] =	vst v57  }
0x63: {  	v63 =	vld [tilespmem:$0x1F0];
	[tilespmem:$0x2A0] =	vst v58  }
.Ltmp2:
0x64: {  	[tilespmem:$0x2B0] =	vst v59;
	(pc) =	sbr.rel @p1 .LBB2_4-.Ltmp2, $4  }
0x65: {  	[tilespmem:$0x2C0] =	vst v60  }
0x66: {  	[tilespmem:$0x2D0] =	vst v61  }
0x67: {  	[tilespmem:$0x2E0] =	vst v62  }
0x68: {  	[tilespmem:$0x2F0] =	vst v63  }
0x69: {  	s25 =	sadd.s32 s24, s11  }
0x6a: {  	s25 =	sadd.s32 $0x13C00, s25  }
0x6b: {  	[tilespmem:s15], [sflag:$0x4] =	stream.linear.gather [hbm4b:s25+s4], $0x100, $0x38;
	[tilespmem:$0x1BF00] =	vst v63  }
0x6c: {  	_ = 	snop  }
0x6d: {  	[spmem:s3] =	stream.indirect.scatter.add.f32 [tilespmem:s16], [sflag:$0x5], $0x80, s21, s13, $0xb8;
	[tilespmem:$0x1BF00] =	vst v63  }
0x6e: {  	_ =	swait.ge [sflag:s12], $0x4000  }
0x6f: {  	[sflag:s12] =	ssyncset.done $0x0  }
.Ltmp3:
0x70: {  	[sflag:s12] =	ssyncadd.s32 $0xFFFFC000;
	(pc) =	sbr.rel .LBB2_2-.Ltmp3, $4  }
0x71: {  	_ =	swait.ge [sflag:s22], $0x100  }
0x72: {  	[sflag:s22] =	ssyncset.done $0x0  }
0x73: {  	s24 =	sadd.s32 $0x800, s24;
	[sflag:s22] =	ssyncadd.s32 $0xFFFFFF00  }
0x74: {  	[tilespmem:s16], [sflag:$0x2] =	stream.indirect.gather [hbm4b:s1+s13], $0x80, s15, s13, $0xb8;
	[tilespmem:$0x1BF00] =	vst v63  }
.LBB2_5:
0x75: {  	_ =	sfence.sel $0x180000  }
0x76: {  	[bflag:$0x0] =	sbarrier.arrive $0xFFFF  }
0x77: {  	p0 =	sne.s32 s0, $0x0;
	_ =	strace $0x90000047  }
0x78: {  	s0 =	sadd.s32 @!p0 $0x100000, s2;
	[bflag:$0x2] =	sbarrier.arrive $0xFFFF  }
0x79: {  	[sflag:s0] =	ssyncadd.tile.s32 @!p0 $0x1;
	_ =	shalt  }
.Lfunc_end2:
_tile_overlayer_lowered:
.L_overlay_start_2:
0x7a: {  	(tag) =	ssettag $0x2  }
0x7b: {  	s0 =	rddreg [dreg:$0x0];
	s2 =	stileid.u32  }
0x7c: {  	s1 =	rddreg [dreg:$0x1];
	p0 =	sne.s32 s2, $0x0  }
0x7d: {  	s3 =	rddreg [dreg:$0x2];
	[bflag:$0x3] =	sbarrier.arrive $0xFFFF;
	s2 =	simm.s32 @!p0 $0x1C05  }
0x7e: {  	[timem:s3], [sflag:s2] =	dma.local @!p0 [hbm:s0], s1  }
0x7f: {  	s0 =	simm.s32 @!p0 $0x5  }
0x80: {  	_ =	swait.ge @!p0 [sflag:s0], s1  }
0x81: {  	s1 =	ssub.s32 @!p0 $0x0, s1;
	[sflag:s0] =	ssyncset.done @!p0 $0x0  }
0x82: {  	[sflag:s0] =	ssyncadd.s32 @!p0 s1  }
0x83: {  	[bflag:$0x3] =	sbarrier.arrive $0xFFFF  }
0x84: {  	_ =	shalt  }

// kernel: kernel.13.cloned.1.call-start
scs
__scs_entry_jumppad:
0x0: {  	(pc) =	sbr.rel $0x88, $3  }
0x1: {  	(tag) =	ssettag $0x0;
	lr =	simm.s32 $0x1  }
0x2: {  	[smem:$0x3F7D] =	sst lr;
	_ =	strace $0xD0000000  }
0x3: {  	_ = 	snop  }
0x4: {  	_ = 	snop  }
0x5: {  	_ = 	snop  }
0x6: {  	_ = 	snop  }
0x7: {  	_ = 	snop  }
__scs_overlays_trampoline_lowered:
0x8: {  	[smem:$0x3F8C] =	sst s0  }
0x9: {  	[smem:$0x3F8D] =	sst s1  }
0xa: {  	[smem:$0x3F8E] =	sst s2  }
0xb: {  	[smem:$0x3F8F] =	sst s3  }
0xc: {  	[smem:$0x3F90] =	sst s4  }
0xd: {  	[smem:$0x3F91] =	sst s5  }
0xe: {  	[smem:$0x3F92] =	sst s6  }
0xf: {  	[smem:$0x3F93] =	sst s7  }
0x10: {  	[smem:$0x3F94] =	sst s8  }
0x11: {  	[smem:$0x3F95] =	sst s9;
	s0 =	simm.s32 @!p0 $0x0  }
0x12: {  	s1 =	sld [smem:$0x3F7B];
	s0 =	simm.s32 @p0 $0x1  }
0x13: {  	[smem:$0x3F96] =	sst s0;
	s0 =	simm.s32 @!p1 $0x0  }
0x14: {  	s2 =	sld [smem:$0x3F7A];
	s0 =	simm.s32 @p1 $0x1  }
0x15: {  	[smem:$0x3F97] =	sst s0;
	s0 =	simm.s32 @!p2 $0x0  }
0x16: {  	s3 =	sld [smem:$0x3FDB];
	s0 =	simm.s32 @p2 $0x1  }
0x17: {  	s4 =	simm.s32 $0x1BF5;
	[smem:$0x3F99] =	sst s0  }
0x18: {  	s0 =	sld [smem:$0x3F7C];
	_ =	swait.ge [sflag:s4], $0x0  }
0x19: {  	s7 =	sld [smem:$0x3F7D]  }
0x1a: {  	s8 =	sadd.s32 $0xFFFFE003, lr  }
0x1b: {  	s9 =	sadd.s32 $0xFFFFFEF7, lr;
	s5 =	simm.s32 $0xFFFFFFFF;
	p2 =	slt.u32 s8, $0xFFFFF086  }
0x1c: {  	p1 =	slt.u32 s9, $0xF7A;
	s5 =	simm.s32 @!p2 $0x0  }
0x1d: {  	s5 =	simm.s32 @p1 $0x1;
	p0 =	seq.s32 s7, s2  }
0x1e: {  	s7 =	smul.u32 @!p0 $0xF7A, s2;
	p2 =	seq.s32 @!p0 s5, $0x0  }
0x1f: {  	s9 =	smul.u32 $0xF7A, s1;
	s8 =	simm.s32 @!p0 $0x1BF5;
	p2 =	por !p2, p0  }
0x20: {  	[sflag:s8] =	ssyncset.s32 @!p0 $0xFFFFF086;
	s6 =	sadd.s32 @!p0 s3, s7;
	s7 =	simm.s32 @!p0 $0x108  }
0x21: {  	s3 =	sadd.s32 s3, s9;
	s6 =	sadd.s32 @!p0 $0x88, s6;
	s7 =	simm.s32 @p2 $0x1082  }
0x22: {  	[simem:s7], [sflag:s8] =	dma.local @!p0 [hbm:s6], $0xF7A  }
0x23: {  	s9 =	sor.u32 $0xD0000000, s2;
	s6 =	simm.s32 $0x108;
	_ =	swait.ge @!p0 [sflag:s8], $0x0  }
0x24: {  	s3 =	sadd.s32 $0x88, s3;
	s6 =	simm.s32 @!p1 $0x1082;
	[sflag:s4] =	ssyncset.s32 $0xFFFFF086  }
0x25: {  	[simem:s6], [sflag:s4] =	dma.local [hbm:s3], $0xF7A  }
0x26: {  	[smem:$0x3F7D] =	sst s1;
	(tag) =	ssettag s2;
	_ =	strace s9  }
0x27: {  	s1 =	sld [smem:$0x3F8D]  }
0x28: {  	s2 =	sld [smem:$0x3F8E]  }
0x29: {  	s4 =	sld [smem:$0x3F90]  }
0x2a: {  	p0 =	seq.s32 s5, $0x0;
	s5 =	sld [smem:$0x3F91]  }
0x2b: {  	s6 =	sld [smem:$0x3F92]  }
0x2c: {  	s7 =	sld [smem:$0x3F93]  }
0x2d: {  	s3 =	simm.s32 $0x108;
	s8 =	sld [smem:$0x3F94]  }
0x2e: {  	s3 =	simm.s32 @!p0 $0x1082;
	s9 =	sld [smem:$0x3F95]  }
0x2f: {  	lr =	sadd.s32 s0, s3;
	s0 =	sld [smem:$0x3F8C]  }
0x30: {  	s3 =	sld [smem:$0x3F8F]  }
0x31: {  	[smem:$0x3F98] =	sst s10  }
0x32: {  	s10 =	sld [smem:$0x3F96];
	_ =	sdelay $0x3  }
0x33: {  	p0 =	seq.s32 s10, $0x1;
	s10 =	sld [smem:$0x3F98];
	_ =	sdelay $0x3  }
0x34: {  	[smem:$0x3F98] =	sst s10  }
0x35: {  	s10 =	sld [smem:$0x3F97];
	_ =	sdelay $0x3  }
0x36: {  	p1 =	seq.s32 s10, $0x1;
	s10 =	sld [smem:$0x3F98];
	_ =	sdelay $0x3  }
0x37: {  	[smem:$0x3F98] =	sst s10  }
0x38: {  	s10 =	sld [smem:$0x3F99]  }
0x39: {  	_ = 	snop;
	(pc) =	sbr.ind lr, $3  }
0x3a: {  	_ = 	snop  }
0x3b: {  	_ = 	snop  }
0x3c: {  	p2 =	seq.s32 s10, $0x1;
	s10 =	sld [smem:$0x3F98]  }
0x3d: {  	_ =	shalt  }
0x3e: {  	_ =	shalt  }
0x3f: {  	_ =	shalt  }
0x40: {  	_ =	shalt  }
0x41: {  	_ =	shalt  }
0x42: {  	_ =	shalt  }
0x43: {  	_ =	shalt  }
0x44: {  	_ =	shalt  }
0x45: {  	_ =	shalt  }
0x46: {  	_ =	shalt  }
0x47: {  	_ =	shalt  }
0x48: {  	_ =	shalt  }
0x49: {  	_ =	shalt  }
0x4a: {  	_ =	shalt  }
0x4b: {  	_ =	shalt  }
0x4c: {  	_ =	shalt  }
0x4d: {  	_ =	shalt  }
0x4e: {  	_ =	shalt  }
0x4f: {  	_ =	shalt  }
0x50: {  	_ =	shalt  }
0x51: {  	_ =	shalt  }
0x52: {  	_ =	shalt  }
0x53: {  	_ =	shalt  }
0x54: {  	_ =	shalt  }
0x55: {  	_ =	shalt  }
0x56: {  	_ =	shalt  }
0x57: {  	_ =	shalt  }
0x58: {  	_ =	shalt  }
0x59: {  	_ =	shalt  }
0x5a: {  	_ =	shalt  }
0x5b: {  	_ =	shalt  }
0x5c: {  	_ =	shalt  }
0x5d: {  	_ =	shalt  }
0x5e: {  	_ =	shalt  }
0x5f: {  	_ =	shalt  }
0x60: {  	_ =	shalt  }
0x61: {  	_ =	shalt  }
0x62: {  	_ =	shalt  }
0x63: {  	_ =	shalt  }
0x64: {  	_ =	shalt  }
0x65: {  	_ =	shalt  }
0x66: {  	_ =	shalt  }
0x67: {  	_ =	shalt  }
0x68: {  	_ =	shalt  }
0x69: {  	_ =	shalt  }
0x6a: {  	_ =	shalt  }
0x6b: {  	_ =	shalt  }
0x6c: {  	_ =	shalt  }
0x6d: {  	_ =	shalt  }
0x6e: {  	_ =	shalt  }
0x6f: {  	_ =	shalt  }
0x70: {  	_ =	shalt  }
0x71: {  	_ =	shalt  }
0x72: {  	_ =	shalt  }
0x73: {  	_ =	shalt  }
0x74: {  	_ =	shalt  }
0x75: {  	_ =	shalt  }
0x76: {  	_ =	shalt  }
0x77: {  	_ =	shalt  }
0x78: {  	_ =	shalt  }
0x79: {  	_ =	shalt  }
0x7a: {  	_ =	shalt  }
0x7b: {  	_ =	shalt  }
0x7c: {  	_ =	shalt  }
0x7d: {  	_ =	shalt  }
0x7e: {  	_ =	shalt  }
0x7f: {  	_ =	shalt  }
0x80: {  	_ =	shalt  }
0x81: {  	_ =	shalt  }
0x82: {  	_ =	shalt  }
0x83: {  	_ =	shalt  }
0x84: {  	_ =	shalt  }
0x85: {  	_ =	shalt  }
0x86: {  	_ =	shalt  }
0x87: {  	_ =	shalt  }
.Lfunc_end0:
.L_simem_size_0:
called_computation.1_lowered:
.L_overlay_start_0:
0x88: {  	s2 =	sld [smem:$0x3FD9]  }
0x89: {  	s3 =	sld [smem:$0x3FFE];
	_ =	sdelay $0x1  }
0x8a: {  	s1 =	srdreg.scid  }
0x8b: {  	s0 =	sand.u32 $0x1, s1  }
0x8c: {  	s17 =	sshll.u32 s0, $0xA;
	s2 =	sadd.s32 s3, s2  }
0x8d: {  	s2 =	sadd.s32 s2, s17  }
0x8e: {  	[smem:$0x3FA4] =	sst s2  }
0x8f: {  	_ = 	snop  }
0x90: {  	s2 =	sld [smem:$0x3FC8];
	(tm) =	ssettm $0x1  }
0x91: {  	s18 =	sld [smem:$0x3FFB];
	_ =	sdelay $0x3  }
0x92: {  	_ =	strace s18  }
0x93: {  	s3 =	sld [smem:$0x3FFC];
	_ =	sdelay $0x3  }
0x94: {  	_ =	strace s3  }
0x95: {  	s3 =	sld [smem:$0x3FFD];
	_ =	sdelay $0x3  }
0x96: {  	_ =	strace s3  }
0x97: {  	_ =	strace $0x8FFFFFFF  }
0x98: {  	s19 =	sld [smem:$0x3FDB];
	_ =	sdelay $0x1  }
0x99: {  	s4 =	simm.s32 $_scs_section_size  }
0x9a: {  	s5 =	simm.s32 $_size__tile_overlayer_lowered;
	s6 =	simm.s32 $_tile_overlayer_lowered  }
0x9b: {  	s22 =	simm.s32 $0x1BFF;
	s21 =	sshll.u32 s6, $0x1;
	s3 =	sadd.s32 s4, s19  }
0x9c: {  	s7 =	simm.s32 $0x0;
	s20 =	sshll.u32 s5, $0x1;
	s5 =	sadd.s32 s21, s3  }
0x9d: {  	[timem:s7], [sflag:s22] =	dma.local [hbm:s5], s20  }
0x9e: {  	_ =	swait.ge [sflag:s22], s20  }
0x9f: {  	s4 =	ssub.s32 $0x0, s20;
	[sflag:s22] =	ssyncset.done $0x0  }
0xa0: {  	[sflag:s22] =	ssyncadd.s32 s4;
	_ =	sdelay $0x1  }
0xa1: {  	s23 =	simm.s32 $0x1B8B  }
0xa2: {  	_ =	swait.ge [sflag:s23], $0x1  }
0xa3: {  	[sflag:s23] =	ssyncset.done $0x0  }
0xa4: {  	s25 =	simm.s32 $0x1B8E;
	s24 =	sld [smem:$0x3FFE];
	[sflag:s23] =	ssyncadd.s32 $0xFFFFFFFF  }
0xa5: {  	s26 =	simm.s32 $execute0_lowered;
	[smem:$0x3FD2] =	sst s25  }
0xa6: {  	s5 =	sshll.u32 s26, $0x1;
	_ =	strace $0x80000049;
	[dreg:$0x1] =	wrdreg $0xFFFFFFFF  }
0xa7: {  	s28 =	simm.s32 $_size_execute0_lowered;
	s3 =	sadd.s32 s3, s5;
	[dreg:$0x0] =	wrdreg $0x0  }
0xa8: {  	s5 =	sshll.u32 s28, $0x1;
	[dreg:$0x2] =	wrdreg s3  }
0xa9: {  	[dreg:$0x3] =	wrdreg s5  }
0xaa: {  	[dreg:$0x4] =	wrdreg $0xC0  }
0xab: {  	_ =	task [dreg:s7], $0x5FFFF  }
0xac: {  	[dreg:$0x1] =	wrdreg $0xFFFFFFFF  }
0xad: {  	[dreg:$0x0] =	wrdreg $0x60  }
0xae: {  	[dreg:$0x2] =	wrdreg s24  }
0xaf: {  	[dreg:$0x3] =	wrdreg s2  }
0xb0: {  	[dreg:$0x4] =	wrdreg $0x83000  }
0xb1: {  	[dreg:$0x5] =	wrdreg $0x9  }
0xb2: {  	_ =	task.clear_ibuf [dreg:s7], $0x6FFFF;
	_ =	strace $0x90000049  }
0xb3: {  	s29 =	simm.s32 $0x9;
	_ =	strace $0x8000004B  }
0xb4: {  	_ =	swait.ge [sflag:s29], $0x1  }
0xb5: {  	[sflag:s29] =	ssyncadd.s32 $0xFFFFFFFF  }
0xb6: {  	_ =	strace $0x9000004B  }
0xb7: {  	_ =	sfence  }
0xb8: {  	s30 =	sld [smem:$0x0];
	_ =	sdelay $0x2  }
0xb9: {  	s31 =	sshll.u32 s1, $0xD;
	s1 =	sshrl.u32 s1, $0x2  }
0xba: {  	s3 =	sand.u32 $0x4000, s31;
	s1 =	sadd.s32 s1, s30  }
0xbb: {  	s0 =	sor.u32 s3, s0;
	s1 =	sshll.u32 s1, $0x11  }
0xbc: {  	s0 =	sor.u32 s1, s0  }
0xbd: {  	s0 =	sadd.s32 $0x8F2B, s0  }
0xbe: {  	[sflag:s0] =	ssyncadd.remote.s32 $0x1  }
0xbf: {  	_ =	sfence.sel $0xFFFF  }
0xc0: {  	[dreg:$0x0] =	wrdreg $0xFFFFFFFF;
	(pc) =	sbr.abs _section_cstart, $3  }
0xc1: {  	[dreg:$0x1] =	wrdreg $0xFFFFFFFF  }
0xc2: {  	_ =	task.clear_ibuf [dreg:s7], $0x2FFFF;
	_ =	strace $0x9FFFFFFF  }
0xc3: {  	(tm) =	ssettm $0x7FFFFFFF  }
tec
execute0_lowered:
.L_overlay_start_1:
0x0: {  	(tag) =	ssettag $0x1  }
0x1: {  	s5 =	rddreg [dreg:$0x0]  }
0x2: {  	s10 =	rddreg [dreg:$0x1]  }
0x3: {  	s2 =	rddreg [dreg:$0x2]  }
0x4: {  	s0 =	rddreg [dreg:$0x3]  }
0x5: {  	s1 =	stileid.u32;
	s4 =	srdreg.scid;
	s3 =	simm.s32 $0x0  }
0x6: {  	s14 =	simm.s32 $0x300;
	s15 =	simm.s32 $0x100;
	s16 =	simm.s32 $0x4300  }
0x7: {  	s19 =	simm.s32 $0x1;
	s20 =	simm.s32 $0x2;
	s21 =	simm.s32 $0x280  }
0x8: {  	s22 =	simm.s32 $0x4;
	s23 =	simm.s32 $0x0;
	s6 =	smul.u32 $0x13C00, s1  }
0x9: {  	s7 =	sand.u32 $0x1, s4;
	[smem:$0x7FF] =	sst s3;
	s4 =	sadd.s32 $0x2EA00, s5  }
0xa: {  	s17 =	sshll.u32 s1, $0x6;
	s28 =	smul.u32 $0x4F000, s1;
	p0 =	sgt.u32 s1, $0x1  }
0xb: {  	s8 =	smul.u32 $0x13C000, s7;
	_ =	strace $0x8000004A;
	s26 =	ssub.s32 $0x2, s7  }
0xc: {  	s11 =	sshll.u32 s7, $0x5;
	s31 =	sadd.s32 s17, s10;
	s9 =	sshrl.u32 s6, $0x3  }
0xd: {  	s29 =	sshrl.u32 s26, $0x1;
	s30 =	sor.u32 s11, s17;
	s7 =	sshrl.u32 s28, $0x2  }
0xe: {  	s11 =	sadd.s32 s11, s31;
	s17 =	sor.u32 $0x1C05, s17;
	s6 =	sadd.s32 s6, s8  }
.Ltmp0:
0xf: {  	s25 =	sadd.s32 s9, s5;
	s13 =	ssub.s32 s26, s29;
	(pc) =	sbr.rel .LBB2_1-.Ltmp0, $4  }
0x10: {  	s18 =	sadd.s32 s7, s2;
	s6 =	sshrl.u32 s6, $0x3;
	s7 =	sadd.s32 $0x7200, s25  }
0x11: {  	s18 =	sshrl.u32 s18, $0x3;
	s12 =	sadd.s32 s6, s5;
	s5 =	sadd.s32 s10, s30  }
0x12: {  	s10 =	smax.u32 s13, $0x1;
	s13 =	simm.s32 $0x80;
	s6 =	sadd.s32 $0x400, s5  }
0x13: {  	s8 =	sadd.s32 $0x13800, s5;
	s9 =	sadd.s32 $0x55C00, s12;
	s12 =	simm.s32 $0x5  }
.LBB2_4:
0x14: {  	[spmem:s2] =	stream.indirect.scatter.add.f32 [tilespmem:s16], [sflag:$0x5], $0x80, s21, s13, $0xb8;
	[tilespmem:$0x1BF00] =	vst v63  }
0x15: {  	_ =	swait.ge [sflag:s12], $0x4000  }
0x16: {  	[sflag:s12] =	ssyncset.done $0x0  }
0x17: {  	s24 =	simm.s32 @!p0 $0x0;
	s25 =	simm.s32 @!p0 $0x5;
	[sflag:s12] =	ssyncadd.s32 $0xFFFFC000  }
0x18: {  	[tilespmem:s24], [sflag:$0x5] =	stream.linear.gather @!p0 [hbm4b:s8+s24], $0x100, $0x38;
	[tilespmem:$0x1BF00] =	vst v63  }
0x19: {  	_ =	swait.ge @!p0 [sflag:s25], $0x100  }
0x1a: {  	[sflag:s25] =	ssyncset.done @!p0 $0x0  }
0x1b: {  	s26 =	simm.s32 @!p0 $0x80;
	s28 =	simm.s32 @!p0 $0x300;
	[sflag:s25] =	ssyncadd.s32 @!p0 $0xFFFFFF00  }
0x1c: {  	[tilespmem:s28], [sflag:$0x1] =	stream.indirect.gather @!p0 [hbm4b:s4+s26], $0x80, s24, s26, $0xb8;
	[tilespmem:$0x1BF00] =	vst v63  }
0x1d: {  	s24 =	simm.s32 @!p0 $0x1  }
0x1e: {  	_ =	swait.ge @!p0 [sflag:s24], $0x4000  }
0x1f: {  	[sflag:s24] =	ssyncset.done @!p0 $0x0  }
0x20: {  	[sflag:s24] =	ssyncadd.s32 @!p0 $0xFFFFC000  }
0x21: {  	[spmem:s2] =	stream.indirect.scatter.add.f32 @!p0 [tilespmem:s28], [sflag:$0x5], $0x80, s26, s26, $0xb8;
	[tilespmem:$0x1BF00] =	vst v63  }
0x22: {  	_ =	swait.ge @!p0 [sflag:s25], $0x4000  }
0x23: {  	s23 =	sadd.s32 $0x1, s23;
	[sflag:s25] =	ssyncset.done @!p0 $0x0  }
0x24: {  	p1 =	sne.s32 s23, s10;
	[sflag:s25] =	ssyncadd.s32 @!p0 $0xFFFFC000  }
.Ltmp1:
0x25: {  	[bflag:$0x0] =	sbarrier.arrive $0xFFFF;
	(pc) =	sbr.rel @!p1 .LBB2_5-.Ltmp1, $4  }
0x26: {  	[hbm:s9], [sflag:s17] =	dma.local [spmem:s18], $0x2780  }
0x27: {  	_ =	swait.ge [sflag:s12], $0x2780  }
0x28: {  	[sflag:s12] =	ssyncset.done $0x0  }
0x29: {  	[sflag:s12] =	ssyncadd.s32 $0xFFFFD880  }
.LBB2_1:
0x2a: {  	[tilespmem:s3], [sflag:$0x5] =	stream.linear.gather [hbm4b:s5+s3], $0x100, $0x38;
	[tilespmem:$0x1BF00] =	vst v63  }
0x2b: {  	_ =	swait.ge [sflag:s12], $0x100  }
0x2c: {  	[sflag:s12] =	ssyncset.done $0x0  }
0x2d: {  	[sflag:s12] =	ssyncadd.s32 $0xFFFFFF00  }
0x2e: {  	[tilespmem:s14], [sflag:$0x1] =	stream.indirect.gather [hbm4b:s4+s13], $0x80, s3, s13, $0xb8;
	[tilespmem:$0x1BF00] =	vst v63  }
0x2f: {  	_ = 	snop  }
0x30: {  	[tilespmem:s15], [sflag:$0x5] =	stream.linear.gather [hbm4b:s6+s3], $0x100, $0x38;
	[tilespmem:$0x1BF00] =	vst v63  }
0x31: {  	_ =	swait.ge [sflag:s12], $0x100  }
0x32: {  	[sflag:s12] =	ssyncset.done $0x0  }
0x33: {  	[sflag:s12] =	ssyncadd.s32 $0xFFFFFF00  }
0x34: {  	[tilespmem:s16], [sflag:$0x2] =	stream.indirect.gather [hbm4b:s4+s13], $0x80, s15, s13, $0xb8;
	[tilespmem:$0x1BF00] =	vst v63  }
0x35: {  	[spmem:s18], [sflag:s17] =	dma.local [hbm:s7], $0x2780  }
0x36: {  	_ =	swait.ge [sflag:s12], $0x2780  }
0x37: {  	[sflag:s12] =	ssyncset.done $0x0  }
0x38: {  	[sflag:s12] =	ssyncadd.s32 $0xFFFFD880  }
0x39: {  	s24 =	simm.s32 $0xFFFED000;
	[bflag:$0x0] =	sbarrier.arrive $0xFFFF  }
.LBB2_2:
0x3a: {  	_ =	swait.ge [sflag:s19], $0x4000  }
0x3b: {  	[sflag:s19] =	ssyncset.done $0x0  }
0x3c: {  	[sflag:s19] =	ssyncadd.s32 $0xFFFFC000  }
0x3d: {  	v0 =	vld [tilespmem:$0x80]  }
0x3e: {  	v1 =	vld [tilespmem:$0x90]  }
0x3f: {  	v2 =	vld [tilespmem:$0xA0]  }
0x40: {  	v3 =	vld [tilespmem:$0xB0]  }
0x41: {  	v4 =	vld [tilespmem:$0xC0]  }
0x42: {  	v53 =	vld [tilespmem:$0xD0];
	[tilespmem:$0x200] =	vst v0  }
0x43: {  	v54 =	vld [tilespmem:$0xE0];
	[tilespmem:$0x210] =	vst v1  }
0x44: {  	v55 =	vld [tilespmem:$0xF0];
	[tilespmem:$0x220] =	vst v2  }
0x45: {  	[tilespmem:$0x230] =	vst v3  }
0x46: {  	[tilespmem:$0x240] =	vst v4  }
0x47: {  	[tilespmem:$0x250] =	vst v53  }
0x48: {  	p1 =	seq.s32 s24, $0x0;
	[tilespmem:$0x260] =	vst v54  }
0x49: {  	s25 =	simm.s32 @p1 $0x80;
	s26 =	simm.s32 @p1 $0x200;
	s28 =	simm.s32 @p1 $0x300;
	[tilespmem:$0x270] =	vst v55  }
0x4a: {  	[spmem:s2] =	stream.indirect.scatter.add.f32 @p1 [tilespmem:s28], [sflag:$0x5], $0x80, s26, s25, $0xb8;
	[tilespmem:$0x1BF00] =	vst v63  }
0x4b: {  	s25 =	simm.s32 @p1 $0x5  }
0x4c: {  	_ =	swait.ge @p1 [sflag:s25], $0x4000  }
0x4d: {  	s26 =	sadd.s32 @!p1 s24, s11;
	[sflag:s25] =	ssyncset.done @p1 $0x0  }
0x4e: {  	[sflag:s25] =	ssyncadd.s32 @p1 $0xFFFFC000;
	s25 =	sadd.s32 @!p1 $0x13800, s26;
	s26 =	simm.s32 @!p1 $0x0  }
0x4f: {  	[tilespmem:s26], [sflag:$0x3] =	stream.linear.gather @!p1 [hbm4b:s25+s26], $0x100, $0x38;
	[tilespmem:$0x1BF00] =	vst v63  }
0x50: {  	s29 =	simm.s32 @!p1 $0x300;
	s28 =	simm.s32 @!p1 $0x200;
	s25 =	simm.s32 @!p1 $0x80  }
0x51: {  	[spmem:s2] =	stream.indirect.scatter.add.f32 @!p1 [tilespmem:s29], [sflag:$0x5], $0x80, s28, s25, $0xb8;
	[tilespmem:$0x1BF00] =	vst v63  }
0x52: {  	s28 =	simm.s32 @!p1 $0x5  }
0x53: {  	_ =	swait.ge @!p1 [sflag:s28], $0x4000  }
0x54: {  	[sflag:s28] =	ssyncset.done @!p1 $0x0  }
0x55: {  	[sflag:s28] =	ssyncadd.s32 @!p1 $0xFFFFC000;
	s28 =	simm.s32 @!p1 $0x3  }
0x56: {  	_ =	swait.ge @!p1 [sflag:s28], $0x100  }
0x57: {  	[sflag:s28] =	ssyncset.done @!p1 $0x0  }
0x58: {  	[sflag:s28] =	ssyncadd.s32 @!p1 $0xFFFFFF00  }
0x59: {  	[tilespmem:s29], [sflag:$0x1] =	stream.indirect.gather @!p1 [hbm4b:s4+s25], $0x80, s26, s25, $0xb8;
	[tilespmem:$0x1BF00] =	vst v63  }
0x5a: {  	_ =	swait.ge [sflag:s20], $0x4000  }
0x5b: {  	[sflag:s20] =	ssyncset.done $0x0  }
0x5c: {  	[sflag:s20] =	ssyncadd.s32 $0xFFFFC000  }
0x5d: {  	v56 =	vld [tilespmem:$0x180]  }
0x5e: {  	v57 =	vld [tilespmem:$0x190]  }
0x5f: {  	v58 =	vld [tilespmem:$0x1A0]  }
0x60: {  	v59 =	vld [tilespmem:$0x1B0]  }
0x61: {  	v60 =	vld [tilespmem:$0x1C0]  }
0x62: {  	v61 =	vld [tilespmem:$0x1D0];
	[tilespmem:$0x280] =	vst v56  }
0x63: {  	v62 =	vld [tilespmem:$0x1E0];
	[tilespmem:$0x290] =	vst v57  }
0x64: {  	v63 =	vld [tilespmem:$0x1F0];
	[tilespmem:$0x2A0] =	vst v58  }
.Ltmp2:
0x65: {  	[tilespmem:$0x2B0] =	vst v59;
	(pc) =	sbr.rel @p1 .LBB2_4-.Ltmp2, $4  }
0x66: {  	[tilespmem:$0x2C0] =	vst v60  }
0x67: {  	[tilespmem:$0x2D0] =	vst v61  }
0x68: {  	[tilespmem:$0x2E0] =	vst v62  }
0x69: {  	[tilespmem:$0x2F0] =	vst v63  }
0x6a: {  	s25 =	sadd.s32 s24, s11  }
0x6b: {  	s25 =	sadd.s32 $0x13C00, s25  }
0x6c: {  	[tilespmem:s15], [sflag:$0x4] =	stream.linear.gather [hbm4b:s25+s3], $0x100, $0x38;
	[tilespmem:$0x1BF00] =	vst v63  }
0x6d: {  	_ = 	snop  }
0x6e: {  	[spmem:s2] =	stream.indirect.scatter.add.f32 [tilespmem:s16], [sflag:$0x5], $0x80, s21, s13, $0xb8;
	[tilespmem:$0x1BF00] =	vst v63  }
0x6f: {  	_ =	swait.ge [sflag:s12], $0x4000  }
0x70: {  	[sflag:s12] =	ssyncset.done $0x0  }
.Ltmp3:
0x71: {  	[sflag:s12] =	ssyncadd.s32 $0xFFFFC000;
	(pc) =	sbr.rel .LBB2_2-.Ltmp3, $4  }
0x72: {  	_ =	swait.ge [sflag:s22], $0x100  }
0x73: {  	[sflag:s22] =	ssyncset.done $0x0  }
0x74: {  	s24 =	sadd.s32 $0x800, s24;
	[sflag:s22] =	ssyncadd.s32 $0xFFFFFF00  }
0x75: {  	[tilespmem:s16], [sflag:$0x2] =	stream.indirect.gather [hbm4b:s4+s13], $0x80, s15, s13, $0xb8;
	[tilespmem:$0x1BF00] =	vst v63  }
.LBB2_5:
0x76: {  	_ =	sfence.sel $0x180000  }
0x77: {  	[bflag:$0x0] =	sbarrier.arrive $0xFFFF  }
0x78: {  	p0 =	sne.s32 s1, $0x0;
	_ =	strace $0x9000004A  }
0x79: {  	s0 =	sadd.s32 @!p0 $0x100000, s0;
	[bflag:$0x2] =	sbarrier.arrive $0xFFFF  }
0x7a: {  	[sflag:s0] =	ssyncadd.tile.s32 @!p0 $0x1;
	_ =	shalt  }
.Lfunc_end2:
_tile_overlayer_lowered:
.L_overlay_start_2:
0x7b: {  	(tag) =	ssettag $0x2  }
0x7c: {  	s0 =	rddreg [dreg:$0x0];
	s2 =	stileid.u32  }
0x7d: {  	s1 =	rddreg [dreg:$0x1];
	p0 =	sne.s32 s2, $0x0  }
0x7e: {  	s3 =	rddreg [dreg:$0x2];
	[bflag:$0x3] =	sbarrier.arrive $0xFFFF;
	s2 =	simm.s32 @!p0 $0x1C05  }
0x7f: {  	[timem:s3], [sflag:s2] =	dma.local @!p0 [hbm:s0], s1  }
0x80: {  	s0 =	simm.s32 @!p0 $0x5  }
0x81: {  	_ =	swait.ge @!p0 [sflag:s0], s1  }
0x82: {  	s1 =	ssub.s32 @!p0 $0x0, s1;
	[sflag:s0] =	ssyncset.done @!p0 $0x0  }
0x83: {  	[sflag:s0] =	ssyncadd.s32 @!p0 s1  }
0x84: {  	[bflag:$0x3] =	sbarrier.arrive $0xFFFF  }
0x85: {  	_ =	shalt  }

// kernel: kernel.16.cloned.1.call-start
scs
__scs_entry_jumppad:
0x0: {  	(pc) =	sbr.rel $0x88, $3  }
0x1: {  	(tag) =	ssettag $0x0;
	lr =	simm.s32 $0x1  }
0x2: {  	[smem:$0x3F7D] =	sst lr;
	_ =	strace $0xD0000000  }
0x3: {  	_ = 	snop  }
0x4: {  	_ = 	snop  }
0x5: {  	_ = 	snop  }
0x6: {  	_ = 	snop  }
0x7: {  	_ = 	snop  }
__scs_overlays_trampoline_lowered:
0x8: {  	[smem:$0x3F8C] =	sst s0  }
0x9: {  	[smem:$0x3F8D] =	sst s1  }
0xa: {  	[smem:$0x3F8E] =	sst s2  }
0xb: {  	[smem:$0x3F8F] =	sst s3  }
0xc: {  	[smem:$0x3F90] =	sst s4  }
0xd: {  	[smem:$0x3F91] =	sst s5  }
0xe: {  	[smem:$0x3F92] =	sst s6  }
0xf: {  	[smem:$0x3F93] =	sst s7  }
0x10: {  	[smem:$0x3F94] =	sst s8  }
0x11: {  	[smem:$0x3F95] =	sst s9;
	s0 =	simm.s32 @!p0 $0x0  }
0x12: {  	s1 =	sld [smem:$0x3F7B];
	s0 =	simm.s32 @p0 $0x1  }
0x13: {  	[smem:$0x3F96] =	sst s0;
	s0 =	simm.s32 @!p1 $0x0  }
0x14: {  	s2 =	sld [smem:$0x3F7A];
	s0 =	simm.s32 @p1 $0x1  }
0x15: {  	[smem:$0x3F97] =	sst s0;
	s0 =	simm.s32 @!p2 $0x0  }
0x16: {  	s3 =	sld [smem:$0x3FDB];
	s0 =	simm.s32 @p2 $0x1  }
0x17: {  	s4 =	simm.s32 $0x1BF5;
	[smem:$0x3F99] =	sst s0  }
0x18: {  	s0 =	sld [smem:$0x3F7C];
	_ =	swait.ge [sflag:s4], $0x0  }
0x19: {  	s7 =	sld [smem:$0x3F7D]  }
0x1a: {  	s8 =	sadd.s32 $0xFFFFE003, lr  }
0x1b: {  	s9 =	sadd.s32 $0xFFFFFEF7, lr;
	s5 =	simm.s32 $0xFFFFFFFF;
	p2 =	slt.u32 s8, $0xFFFFF086  }
0x1c: {  	p1 =	slt.u32 s9, $0xF7A;
	s5 =	simm.s32 @!p2 $0x0  }
0x1d: {  	s5 =	simm.s32 @p1 $0x1;
	p0 =	seq.s32 s7, s2  }
0x1e: {  	s7 =	smul.u32 @!p0 $0xF7A, s2;
	p2 =	seq.s32 @!p0 s5, $0x0  }
0x1f: {  	s9 =	smul.u32 $0xF7A, s1;
	s8 =	simm.s32 @!p0 $0x1BF5;
	p2 =	por !p2, p0  }
0x20: {  	[sflag:s8] =	ssyncset.s32 @!p0 $0xFFFFF086;
	s6 =	sadd.s32 @!p0 s3, s7;
	s7 =	simm.s32 @!p0 $0x108  }
0x21: {  	s3 =	sadd.s32 s3, s9;
	s6 =	sadd.s32 @!p0 $0x88, s6;
	s7 =	simm.s32 @p2 $0x1082  }
0x22: {  	[simem:s7], [sflag:s8] =	dma.local @!p0 [hbm:s6], $0xF7A  }
0x23: {  	s9 =	sor.u32 $0xD0000000, s2;
	s6 =	simm.s32 $0x108;
	_ =	swait.ge @!p0 [sflag:s8], $0x0  }
0x24: {  	s3 =	sadd.s32 $0x88, s3;
	s6 =	simm.s32 @!p1 $0x1082;
	[sflag:s4] =	ssyncset.s32 $0xFFFFF086  }
0x25: {  	[simem:s6], [sflag:s4] =	dma.local [hbm:s3], $0xF7A  }
0x26: {  	[smem:$0x3F7D] =	sst s1;
	(tag) =	ssettag s2;
	_ =	strace s9  }
0x27: {  	s1 =	sld [smem:$0x3F8D]  }
0x28: {  	s2 =	sld [smem:$0x3F8E]  }
0x29: {  	s4 =	sld [smem:$0x3F90]  }
0x2a: {  	p0 =	seq.s32 s5, $0x0;
	s5 =	sld [smem:$0x3F91]  }
0x2b: {  	s6 =	sld [smem:$0x3F92]  }
0x2c: {  	s7 =	sld [smem:$0x3F93]  }
0x2d: {  	s3 =	simm.s32 $0x108;
	s8 =	sld [smem:$0x3F94]  }
0x2e: {  	s3 =	simm.s32 @!p0 $0x1082;
	s9 =	sld [smem:$0x3F95]  }
0x2f: {  	lr =	sadd.s32 s0, s3;
	s0 =	sld [smem:$0x3F8C]  }
0x30: {  	s3 =	sld [smem:$0x3F8F]  }
0x31: {  	[smem:$0x3F98] =	sst s10  }
0x32: {  	s10 =	sld [smem:$0x3F96];
	_ =	sdelay $0x3  }
0x33: {  	p0 =	seq.s32 s10, $0x1;
	s10 =	sld [smem:$0x3F98];
	_ =	sdelay $0x3  }
0x34: {  	[smem:$0x3F98] =	sst s10  }
0x35: {  	s10 =	sld [smem:$0x3F97];
	_ =	sdelay $0x3  }
0x36: {  	p1 =	seq.s32 s10, $0x1;
	s10 =	sld [smem:$0x3F98];
	_ =	sdelay $0x3  }
0x37: {  	[smem:$0x3F98] =	sst s10  }
0x38: {  	s10 =	sld [smem:$0x3F99]  }
0x39: {  	_ = 	snop;
	(pc) =	sbr.ind lr, $3  }
0x3a: {  	_ = 	snop  }
0x3b: {  	_ = 	snop  }
0x3c: {  	p2 =	seq.s32 s10, $0x1;
	s10 =	sld [smem:$0x3F98]  }
0x3d: {  	_ =	shalt  }
0x3e: {  	_ =	shalt  }
0x3f: {  	_ =	shalt  }
0x40: {  	_ =	shalt  }
0x41: {  	_ =	shalt  }
0x42: {  	_ =	shalt  }
0x43: {  	_ =	shalt  }
0x44: {  	_ =	shalt  }
0x45: {  	_ =	shalt  }
0x46: {  	_ =	shalt  }
0x47: {  	_ =	shalt  }
0x48: {  	_ =	shalt  }
0x49: {  	_ =	shalt  }
0x4a: {  	_ =	shalt  }
0x4b: {  	_ =	shalt  }
0x4c: {  	_ =	shalt  }
0x4d: {  	_ =	shalt  }
0x4e: {  	_ =	shalt  }
0x4f: {  	_ =	shalt  }
0x50: {  	_ =	shalt  }
0x51: {  	_ =	shalt  }
0x52: {  	_ =	shalt  }
0x53: {  	_ =	shalt  }
0x54: {  	_ =	shalt  }
0x55: {  	_ =	shalt  }
0x56: {  	_ =	shalt  }
0x57: {  	_ =	shalt  }
0x58: {  	_ =	shalt  }
0x59: {  	_ =	shalt  }
0x5a: {  	_ =	shalt  }
0x5b: {  	_ =	shalt  }
0x5c: {  	_ =	shalt  }
0x5d: {  	_ =	shalt  }
0x5e: {  	_ =	shalt  }
0x5f: {  	_ =	shalt  }
0x60: {  	_ =	shalt  }
0x61: {  	_ =	shalt  }
0x62: {  	_ =	shalt  }
0x63: {  	_ =	shalt  }
0x64: {  	_ =	shalt  }
0x65: {  	_ =	shalt  }
0x66: {  	_ =	shalt  }
0x67: {  	_ =	shalt  }
0x68: {  	_ =	shalt  }
0x69: {  	_ =	shalt  }
0x6a: {  	_ =	shalt  }
0x6b: {  	_ =	shalt  }
0x6c: {  	_ =	shalt  }
0x6d: {  	_ =	shalt  }
0x6e: {  	_ =	shalt  }
0x6f: {  	_ =	shalt  }
0x70: {  	_ =	shalt  }
0x71: {  	_ =	shalt  }
0x72: {  	_ =	shalt  }
0x73: {  	_ =	shalt  }
0x74: {  	_ =	shalt  }
0x75: {  	_ =	shalt  }
0x76: {  	_ =	shalt  }
0x77: {  	_ =	shalt  }
0x78: {  	_ =	shalt  }
0x79: {  	_ =	shalt  }
0x7a: {  	_ =	shalt  }
0x7b: {  	_ =	shalt  }
0x7c: {  	_ =	shalt  }
0x7d: {  	_ =	shalt  }
0x7e: {  	_ =	shalt  }
0x7f: {  	_ =	shalt  }
0x80: {  	_ =	shalt  }
0x81: {  	_ =	shalt  }
0x82: {  	_ =	shalt  }
0x83: {  	_ =	shalt  }
0x84: {  	_ =	shalt  }
0x85: {  	_ =	shalt  }
0x86: {  	_ =	shalt  }
0x87: {  	_ =	shalt  }
.Lfunc_end0:
.L_simem_size_0:
called_computation.2_lowered:
.L_overlay_start_0:
0x88: {  	s2 =	sld [smem:$0x3FD9]  }
0x89: {  	s3 =	sld [smem:$0x3FFE];
	_ =	sdelay $0x1  }
0x8a: {  	s1 =	srdreg.scid  }
0x8b: {  	s0 =	sand.u32 $0x1, s1  }
0x8c: {  	s17 =	sshll.u32 s0, $0xA;
	s2 =	sadd.s32 s3, s2  }
0x8d: {  	s2 =	sadd.s32 s2, s17  }
0x8e: {  	[smem:$0x3FA4] =	sst s2  }
0x8f: {  	_ = 	snop  }
0x90: {  	s2 =	sld [smem:$0x3FC8];
	(tm) =	ssettm $0x1  }
0x91: {  	s18 =	sld [smem:$0x3FFB];
	_ =	sdelay $0x3  }
0x92: {  	_ =	strace s18  }
0x93: {  	s3 =	sld [smem:$0x3FFC];
	_ =	sdelay $0x3  }
0x94: {  	_ =	strace s3  }
0x95: {  	s3 =	sld [smem:$0x3FFD];
	_ =	sdelay $0x3  }
0x96: {  	_ =	strace s3  }
0x97: {  	_ =	strace $0x8FFFFFFF  }
0x98: {  	s19 =	sld [smem:$0x3FDB];
	_ =	sdelay $0x1  }
0x99: {  	s4 =	simm.s32 $_scs_section_size  }
0x9a: {  	s5 =	simm.s32 $_size__tile_overlayer_lowered;
	s6 =	simm.s32 $_tile_overlayer_lowered  }
0x9b: {  	s22 =	simm.s32 $0x1BFF;
	s21 =	sshll.u32 s6, $0x1;
	s3 =	sadd.s32 s4, s19  }
0x9c: {  	s7 =	simm.s32 $0x0;
	s20 =	sshll.u32 s5, $0x1;
	s5 =	sadd.s32 s21, s3  }
0x9d: {  	[timem:s7], [sflag:s22] =	dma.local [hbm:s5], s20  }
0x9e: {  	_ =	swait.ge [sflag:s22], s20  }
0x9f: {  	s4 =	ssub.s32 $0x0, s20;
	[sflag:s22] =	ssyncset.done $0x0  }
0xa0: {  	[sflag:s22] =	ssyncadd.s32 s4;
	_ =	sdelay $0x1  }
0xa1: {  	s23 =	simm.s32 $0x1B8B  }
0xa2: {  	_ =	swait.ge [sflag:s23], $0x1  }
0xa3: {  	[sflag:s23] =	ssyncset.done $0x0  }
0xa4: {  	s25 =	simm.s32 $0x1B8E;
	s24 =	sld [smem:$0x3FFE];
	[sflag:s23] =	ssyncadd.s32 $0xFFFFFFFF  }
0xa5: {  	s26 =	simm.s32 $execute0_lowered;
	[smem:$0x3FD2] =	sst s25  }
0xa6: {  	s5 =	sshll.u32 s26, $0x1;
	_ =	strace $0x8000004C;
	[dreg:$0x1] =	wrdreg $0xFFFFFFFF  }
0xa7: {  	s28 =	simm.s32 $_size_execute0_lowered;
	s3 =	sadd.s32 s3, s5;
	[dreg:$0x0] =	wrdreg $0x0  }
0xa8: {  	s5 =	sshll.u32 s28, $0x1;
	[dreg:$0x2] =	wrdreg s3  }
0xa9: {  	[dreg:$0x3] =	wrdreg s5  }
0xaa: {  	[dreg:$0x4] =	wrdreg $0xC0  }
0xab: {  	_ =	task [dreg:s7], $0x5FFFF  }
0xac: {  	[dreg:$0x1] =	wrdreg $0xFFFFFFFF  }
0xad: {  	[dreg:$0x0] =	wrdreg $0x60  }
0xae: {  	[dreg:$0x2] =	wrdreg s24  }
0xaf: {  	[dreg:$0x3] =	wrdreg s2  }
0xb0: {  	[dreg:$0x4] =	wrdreg $0x83000  }
0xb1: {  	[dreg:$0x5] =	wrdreg $0x9  }
0xb2: {  	_ =	task.clear_ibuf [dreg:s7], $0x6FFFF;
	_ =	strace $0x9000004C  }
0xb3: {  	s29 =	simm.s32 $0x9;
	_ =	strace $0x8000004E  }
0xb4: {  	_ =	swait.ge [sflag:s29], $0x1  }
0xb5: {  	[sflag:s29] =	ssyncadd.s32 $0xFFFFFFFF  }
0xb6: {  	_ =	strace $0x9000004E  }
0xb7: {  	_ =	sfence  }
0xb8: {  	s30 =	sld [smem:$0x0];
	_ =	sdelay $0x2  }
0xb9: {  	s31 =	sshll.u32 s1, $0xD;
	s1 =	sshrl.u32 s1, $0x2  }
0xba: {  	s3 =	sand.u32 $0x4000, s31;
	s1 =	sadd.s32 s1, s30  }
0xbb: {  	s0 =	sor.u32 s3, s0;
	s1 =	sshll.u32 s1, $0x11  }
0xbc: {  	s0 =	sor.u32 s1, s0  }
0xbd: {  	s0 =	sadd.s32 $0x8F2B, s0  }
0xbe: {  	[sflag:s0] =	ssyncadd.remote.s32 $0x1  }
0xbf: {  	_ =	sfence.sel $0xFFFF  }
0xc0: {  	[dreg:$0x0] =	wrdreg $0xFFFFFFFF;
	(pc) =	sbr.abs _section_cstart, $3  }
0xc1: {  	[dreg:$0x1] =	wrdreg $0xFFFFFFFF  }
0xc2: {  	_ =	task.clear_ibuf [dreg:s7], $0x2FFFF;
	_ =	strace $0x9FFFFFFF  }
0xc3: {  	(tm) =	ssettm $0x7FFFFFFF  }
tec
execute0_lowered:
.L_overlay_start_1:
0x0: {  	(tag) =	ssettag $0x1  }
0x1: {  	s5 =	rddreg [dreg:$0x0]  }
0x2: {  	s10 =	rddreg [dreg:$0x1]  }
0x3: {  	s2 =	rddreg [dreg:$0x2]  }
0x4: {  	s0 =	rddreg [dreg:$0x3]  }
0x5: {  	s1 =	stileid.u32;
	s4 =	srdreg.scid;
	s3 =	simm.s32 $0x0  }
0x6: {  	s14 =	simm.s32 $0x300;
	s15 =	simm.s32 $0x100;
	s16 =	simm.s32 $0x4300  }
0x7: {  	s19 =	simm.s32 $0x1;
	s20 =	simm.s32 $0x2;
	s21 =	simm.s32 $0x280  }
0x8: {  	s22 =	simm.s32 $0x4;
	s23 =	simm.s32 $0x0;
	s6 =	smul.u32 $0x13C00, s1  }
0x9: {  	s7 =	sand.u32 $0x1, s4;
	[smem:$0x7FF] =	sst s3;
	s4 =	sadd.s32 $0x2EA00, s5  }
0xa: {  	s17 =	sshll.u32 s1, $0x6;
	s28 =	smul.u32 $0x4F000, s1;
	p0 =	sgt.u32 s1, $0x1  }
0xb: {  	s8 =	smul.u32 $0x13C000, s7;
	_ =	strace $0x8000004D;
	s26 =	ssub.s32 $0x2, s7  }
0xc: {  	s11 =	sshll.u32 s7, $0x5;
	s31 =	sadd.s32 s17, s10;
	s9 =	sshrl.u32 s6, $0x3  }
0xd: {  	s29 =	sshrl.u32 s26, $0x1;
	s30 =	sor.u32 s11, s17;
	s7 =	sshrl.u32 s28, $0x2  }
0xe: {  	s11 =	sadd.s32 s11, s31;
	s17 =	sor.u32 $0x1C05, s17;
	s6 =	sadd.s32 s6, s8  }
.Ltmp0:
0xf: {  	s25 =	sadd.s32 s9, s5;
	s13 =	ssub.s32 s26, s29;
	(pc) =	sbr.rel .LBB2_1-.Ltmp0, $4  }
0x10: {  	s18 =	sadd.s32 s7, s2;
	s6 =	sshrl.u32 s6, $0x3;
	s7 =	sadd.s32 $0x7200, s25  }
0x11: {  	s18 =	sshrl.u32 s18, $0x3;
	s12 =	sadd.s32 s6, s5;
	s5 =	sadd.s32 s10, s30  }
0x12: {  	s10 =	smax.u32 s13, $0x1;
	s13 =	simm.s32 $0x80;
	s6 =	sadd.s32 $0x400, s5  }
0x13: {  	s8 =	sadd.s32 $0x13800, s5;
	s9 =	sadd.s32 $0x55C00, s12;
	s12 =	simm.s32 $0x5  }
.LBB2_4:
0x14: {  	[spmem:s2] =	stream.indirect.scatter.add.f32 [tilespmem:s16], [sflag:$0x5], $0x80, s21, s13, $0xb8;
	[tilespmem:$0x1BF00] =	vst v63  }
0x15: {  	_ =	swait.ge [sflag:s12], $0x4000  }
0x16: {  	[sflag:s12] =	ssyncset.done $0x0  }
0x17: {  	s24 =	simm.s32 @!p0 $0x0;
	s25 =	simm.s32 @!p0 $0x5;
	[sflag:s12] =	ssyncadd.s32 $0xFFFFC000  }
0x18: {  	[tilespmem:s24], [sflag:$0x5] =	stream.linear.gather @!p0 [hbm4b:s8+s24], $0x100, $0x38;
	[tilespmem:$0x1BF00] =	vst v63  }
0x19: {  	_ =	swait.ge @!p0 [sflag:s25], $0x100  }
0x1a: {  	[sflag:s25] =	ssyncset.done @!p0 $0x0  }
0x1b: {  	s26 =	simm.s32 @!p0 $0x80;
	s28 =	simm.s32 @!p0 $0x300;
	[sflag:s25] =	ssyncadd.s32 @!p0 $0xFFFFFF00  }
0x1c: {  	[tilespmem:s28], [sflag:$0x1] =	stream.indirect.gather @!p0 [hbm4b:s4+s26], $0x80, s24, s26, $0xb8;
	[tilespmem:$0x1BF00] =	vst v63  }
0x1d: {  	s24 =	simm.s32 @!p0 $0x1  }
0x1e: {  	_ =	swait.ge @!p0 [sflag:s24], $0x4000  }
0x1f: {  	[sflag:s24] =	ssyncset.done @!p0 $0x0  }
0x20: {  	[sflag:s24] =	ssyncadd.s32 @!p0 $0xFFFFC000  }
0x21: {  	[spmem:s2] =	stream.indirect.scatter.add.f32 @!p0 [tilespmem:s28], [sflag:$0x5], $0x80, s26, s26, $0xb8;
	[tilespmem:$0x1BF00] =	vst v63  }
0x22: {  	_ =	swait.ge @!p0 [sflag:s25], $0x4000  }
0x23: {  	s23 =	sadd.s32 $0x1, s23;
	[sflag:s25] =	ssyncset.done @!p0 $0x0  }
0x24: {  	p1 =	sne.s32 s23, s10;
	[sflag:s25] =	ssyncadd.s32 @!p0 $0xFFFFC000  }
.Ltmp1:
0x25: {  	[bflag:$0x0] =	sbarrier.arrive $0xFFFF;
	(pc) =	sbr.rel @!p1 .LBB2_5-.Ltmp1, $4  }
0x26: {  	[hbm:s9], [sflag:s17] =	dma.local [spmem:s18], $0x2780  }
0x27: {  	_ =	swait.ge [sflag:s12], $0x2780  }
0x28: {  	[sflag:s12] =	ssyncset.done $0x0  }
0x29: {  	[sflag:s12] =	ssyncadd.s32 $0xFFFFD880  }
.LBB2_1:
0x2a: {  	[tilespmem:s3], [sflag:$0x5] =	stream.linear.gather [hbm4b:s5+s3], $0x100, $0x38;
	[tilespmem:$0x1BF00] =	vst v63  }
0x2b: {  	_ =	swait.ge [sflag:s12], $0x100  }
0x2c: {  	[sflag:s12] =	ssyncset.done $0x0  }
0x2d: {  	[sflag:s12] =	ssyncadd.s32 $0xFFFFFF00  }
0x2e: {  	[tilespmem:s14], [sflag:$0x1] =	stream.indirect.gather [hbm4b:s4+s13], $0x80, s3, s13, $0xb8;
	[tilespmem:$0x1BF00] =	vst v63  }
0x2f: {  	_ = 	snop  }
0x30: {  	[tilespmem:s15], [sflag:$0x5] =	stream.linear.gather [hbm4b:s6+s3], $0x100, $0x38;
	[tilespmem:$0x1BF00] =	vst v63  }
0x31: {  	_ =	swait.ge [sflag:s12], $0x100  }
0x32: {  	[sflag:s12] =	ssyncset.done $0x0  }
0x33: {  	[sflag:s12] =	ssyncadd.s32 $0xFFFFFF00  }
0x34: {  	[tilespmem:s16], [sflag:$0x2] =	stream.indirect.gather [hbm4b:s4+s13], $0x80, s15, s13, $0xb8;
	[tilespmem:$0x1BF00] =	vst v63  }
0x35: {  	[spmem:s18], [sflag:s17] =	dma.local [hbm:s7], $0x2780  }
0x36: {  	_ =	swait.ge [sflag:s12], $0x2780  }
0x37: {  	[sflag:s12] =	ssyncset.done $0x0  }
0x38: {  	[sflag:s12] =	ssyncadd.s32 $0xFFFFD880  }
0x39: {  	s24 =	simm.s32 $0xFFFED000;
	[bflag:$0x0] =	sbarrier.arrive $0xFFFF  }
.LBB2_2:
0x3a: {  	_ =	swait.ge [sflag:s19], $0x4000  }
0x3b: {  	[sflag:s19] =	ssyncset.done $0x0  }
0x3c: {  	[sflag:s19] =	ssyncadd.s32 $0xFFFFC000  }
0x3d: {  	v0 =	vld [tilespmem:$0x80]  }
0x3e: {  	v1 =	vld [tilespmem:$0x90]  }
0x3f: {  	v2 =	vld [tilespmem:$0xA0]  }
0x40: {  	v3 =	vld [tilespmem:$0xB0]  }
0x41: {  	v4 =	vld [tilespmem:$0xC0]  }
0x42: {  	v53 =	vld [tilespmem:$0xD0];
	[tilespmem:$0x200] =	vst v0  }
0x43: {  	v54 =	vld [tilespmem:$0xE0];
	[tilespmem:$0x210] =	vst v1  }
0x44: {  	v55 =	vld [tilespmem:$0xF0];
	[tilespmem:$0x220] =	vst v2  }
0x45: {  	[tilespmem:$0x230] =	vst v3  }
0x46: {  	[tilespmem:$0x240] =	vst v4  }
0x47: {  	[tilespmem:$0x250] =	vst v53  }
0x48: {  	p1 =	seq.s32 s24, $0x0;
	[tilespmem:$0x260] =	vst v54  }
0x49: {  	s25 =	simm.s32 @p1 $0x80;
	s26 =	simm.s32 @p1 $0x200;
	s28 =	simm.s32 @p1 $0x300;
	[tilespmem:$0x270] =	vst v55  }
0x4a: {  	[spmem:s2] =	stream.indirect.scatter.add.f32 @p1 [tilespmem:s28], [sflag:$0x5], $0x80, s26, s25, $0xb8;
	[tilespmem:$0x1BF00] =	vst v63  }
0x4b: {  	s25 =	simm.s32 @p1 $0x5  }
0x4c: {  	_ =	swait.ge @p1 [sflag:s25], $0x4000  }
0x4d: {  	s26 =	sadd.s32 @!p1 s24, s11;
	[sflag:s25] =	ssyncset.done @p1 $0x0  }
0x4e: {  	[sflag:s25] =	ssyncadd.s32 @p1 $0xFFFFC000;
	s25 =	sadd.s32 @!p1 $0x13800, s26;
	s26 =	simm.s32 @!p1 $0x0  }
0x4f: {  	[tilespmem:s26], [sflag:$0x3] =	stream.linear.gather @!p1 [hbm4b:s25+s26], $0x100, $0x38;
	[tilespmem:$0x1BF00] =	vst v63  }
0x50: {  	s29 =	simm.s32 @!p1 $0x300;
	s28 =	simm.s32 @!p1 $0x200;
	s25 =	simm.s32 @!p1 $0x80  }
0x51: {  	[spmem:s2] =	stream.indirect.scatter.add.f32 @!p1 [tilespmem:s29], [sflag:$0x5], $0x80, s28, s25, $0xb8;
	[tilespmem:$0x1BF00] =	vst v63  }
0x52: {  	s28 =	simm.s32 @!p1 $0x5  }
0x53: {  	_ =	swait.ge @!p1 [sflag:s28], $0x4000  }
0x54: {  	[sflag:s28] =	ssyncset.done @!p1 $0x0  }
0x55: {  	[sflag:s28] =	ssyncadd.s32 @!p1 $0xFFFFC000;
	s28 =	simm.s32 @!p1 $0x3  }
0x56: {  	_ =	swait.ge @!p1 [sflag:s28], $0x100  }
0x57: {  	[sflag:s28] =	ssyncset.done @!p1 $0x0  }
0x58: {  	[sflag:s28] =	ssyncadd.s32 @!p1 $0xFFFFFF00  }
0x59: {  	[tilespmem:s29], [sflag:$0x1] =	stream.indirect.gather @!p1 [hbm4b:s4+s25], $0x80, s26, s25, $0xb8;
	[tilespmem:$0x1BF00] =	vst v63  }
0x5a: {  	_ =	swait.ge [sflag:s20], $0x4000  }
0x5b: {  	[sflag:s20] =	ssyncset.done $0x0  }
0x5c: {  	[sflag:s20] =	ssyncadd.s32 $0xFFFFC000  }
0x5d: {  	v56 =	vld [tilespmem:$0x180]  }
0x5e: {  	v57 =	vld [tilespmem:$0x190]  }
0x5f: {  	v58 =	vld [tilespmem:$0x1A0]  }
0x60: {  	v59 =	vld [tilespmem:$0x1B0]  }
0x61: {  	v60 =	vld [tilespmem:$0x1C0]  }
0x62: {  	v61 =	vld [tilespmem:$0x1D0];
	[tilespmem:$0x280] =	vst v56  }
0x63: {  	v62 =	vld [tilespmem:$0x1E0];
	[tilespmem:$0x290] =	vst v57  }
0x64: {  	v63 =	vld [tilespmem:$0x1F0];
	[tilespmem:$0x2A0] =	vst v58  }
.Ltmp2:
0x65: {  	[tilespmem:$0x2B0] =	vst v59;
	(pc) =	sbr.rel @p1 .LBB2_4-.Ltmp2, $4  }
0x66: {  	[tilespmem:$0x2C0] =	vst v60  }
0x67: {  	[tilespmem:$0x2D0] =	vst v61  }
0x68: {  	[tilespmem:$0x2E0] =	vst v62  }
0x69: {  	[tilespmem:$0x2F0] =	vst v63  }
0x6a: {  	s25 =	sadd.s32 s24, s11  }
0x6b: {  	s25 =	sadd.s32 $0x13C00, s25  }
0x6c: {  	[tilespmem:s15], [sflag:$0x4] =	stream.linear.gather [hbm4b:s25+s3], $0x100, $0x38;
	[tilespmem:$0x1BF00] =	vst v63  }
0x6d: {  	_ = 	snop  }
0x6e: {  	[spmem:s2] =	stream.indirect.scatter.add.f32 [tilespmem:s16], [sflag:$0x5], $0x80, s21, s13, $0xb8;
	[tilespmem:$0x1BF00] =	vst v63  }
0x6f: {  	_ =	swait.ge [sflag:s12], $0x4000  }
0x70: {  	[sflag:s12] =	ssyncset.done $0x0  }
.Ltmp3:
0x71: {  	[sflag:s12] =	ssyncadd.s32 $0xFFFFC000;
	(pc) =	sbr.rel .LBB2_2-.Ltmp3, $4  }
0x72: {  	_ =	swait.ge [sflag:s22], $0x100  }
0x73: {  	[sflag:s22] =	ssyncset.done $0x0  }
0x74: {  	s24 =	sadd.s32 $0x800, s24;
	[sflag:s22] =	ssyncadd.s32 $0xFFFFFF00  }
0x75: {  	[tilespmem:s16], [sflag:$0x2] =	stream.indirect.gather [hbm4b:s4+s13], $0x80, s15, s13, $0xb8;
	[tilespmem:$0x1BF00] =	vst v63  }
.LBB2_5:
0x76: {  	_ =	sfence.sel $0x180000  }
0x77: {  	[bflag:$0x0] =	sbarrier.arrive $0xFFFF  }
0x78: {  	p0 =	sne.s32 s1, $0x0;
	_ =	strace $0x9000004D  }
0x79: {  	s0 =	sadd.s32 @!p0 $0x100000, s0;
	[bflag:$0x2] =	sbarrier.arrive $0xFFFF  }
0x7a: {  	[sflag:s0] =	ssyncadd.tile.s32 @!p0 $0x1;
	_ =	shalt  }
.Lfunc_end2:
_tile_overlayer_lowered:
.L_overlay_start_2:
0x7b: {  	(tag) =	ssettag $0x2  }
0x7c: {  	s0 =	rddreg [dreg:$0x0];
	s2 =	stileid.u32  }
0x7d: {  	s1 =	rddreg [dreg:$0x1];
	p0 =	sne.s32 s2, $0x0  }
0x7e: {  	s3 =	rddreg [dreg:$0x2];
	[bflag:$0x3] =	sbarrier.arrive $0xFFFF;
	s2 =	simm.s32 @!p0 $0x1C05  }
0x7f: {  	[timem:s3], [sflag:s2] =	dma.local @!p0 [hbm:s0], s1  }
0x80: {  	s0 =	simm.s32 @!p0 $0x5  }
0x81: {  	_ =	swait.ge @!p0 [sflag:s0], s1  }
0x82: {  	s1 =	ssub.s32 @!p0 $0x0, s1;
	[sflag:s0] =	ssyncset.done @!p0 $0x0  }
0x83: {  	[sflag:s0] =	ssyncadd.s32 @!p0 s1  }
0x84: {  	[bflag:$0x3] =	sbarrier.arrive $0xFFFF  }
0x85: {  	_ =	shalt  }

// kernel: kernel.19.cloned.1.call-start
scs
__scs_entry_jumppad:
0x0: {  	(pc) =	sbr.rel $0x88, $3  }
0x1: {  	(tag) =	ssettag $0x0;
	lr =	simm.s32 $0x1  }
0x2: {  	[smem:$0x3F7D] =	sst lr;
	_ =	strace $0xD0000000  }
0x3: {  	_ = 	snop  }
0x4: {  	_ = 	snop  }
0x5: {  	_ = 	snop  }
0x6: {  	_ = 	snop  }
0x7: {  	_ = 	snop  }
__scs_overlays_trampoline_lowered:
0x8: {  	[smem:$0x3F8C] =	sst s0  }
0x9: {  	[smem:$0x3F8D] =	sst s1  }
0xa: {  	[smem:$0x3F8E] =	sst s2  }
0xb: {  	[smem:$0x3F8F] =	sst s3  }
0xc: {  	[smem:$0x3F90] =	sst s4  }
0xd: {  	[smem:$0x3F91] =	sst s5  }
0xe: {  	[smem:$0x3F92] =	sst s6  }
0xf: {  	[smem:$0x3F93] =	sst s7  }
0x10: {  	[smem:$0x3F94] =	sst s8  }
0x11: {  	[smem:$0x3F95] =	sst s9;
	s0 =	simm.s32 @!p0 $0x0  }
0x12: {  	s1 =	sld [smem:$0x3F7B];
	s0 =	simm.s32 @p0 $0x1  }
0x13: {  	[smem:$0x3F96] =	sst s0;
	s0 =	simm.s32 @!p1 $0x0  }
0x14: {  	s2 =	sld [smem:$0x3F7A];
	s0 =	simm.s32 @p1 $0x1  }
0x15: {  	[smem:$0x3F97] =	sst s0;
	s0 =	simm.s32 @!p2 $0x0  }
0x16: {  	s3 =	sld [smem:$0x3FDB];
	s0 =	simm.s32 @p2 $0x1  }
0x17: {  	s4 =	simm.s32 $0x1BF5;
	[smem:$0x3F99] =	sst s0  }
0x18: {  	s0 =	sld [smem:$0x3F7C];
	_ =	swait.ge [sflag:s4], $0x0  }
0x19: {  	s7 =	sld [smem:$0x3F7D]  }
0x1a: {  	s8 =	sadd.s32 $0xFFFFE003, lr  }
0x1b: {  	s9 =	sadd.s32 $0xFFFFFEF7, lr;
	s5 =	simm.s32 $0xFFFFFFFF;
	p2 =	slt.u32 s8, $0xFFFFF086  }
0x1c: {  	p1 =	slt.u32 s9, $0xF7A;
	s5 =	simm.s32 @!p2 $0x0  }
0x1d: {  	s5 =	simm.s32 @p1 $0x1;
	p0 =	seq.s32 s7, s2  }
0x1e: {  	s7 =	smul.u32 @!p0 $0xF7A, s2;
	p2 =	seq.s32 @!p0 s5, $0x0  }
0x1f: {  	s9 =	smul.u32 $0xF7A, s1;
	s8 =	simm.s32 @!p0 $0x1BF5;
	p2 =	por !p2, p0  }
0x20: {  	[sflag:s8] =	ssyncset.s32 @!p0 $0xFFFFF086;
	s6 =	sadd.s32 @!p0 s3, s7;
	s7 =	simm.s32 @!p0 $0x108  }
0x21: {  	s3 =	sadd.s32 s3, s9;
	s6 =	sadd.s32 @!p0 $0x88, s6;
	s7 =	simm.s32 @p2 $0x1082  }
0x22: {  	[simem:s7], [sflag:s8] =	dma.local @!p0 [hbm:s6], $0xF7A  }
0x23: {  	s9 =	sor.u32 $0xD0000000, s2;
	s6 =	simm.s32 $0x108;
	_ =	swait.ge @!p0 [sflag:s8], $0x0  }
0x24: {  	s3 =	sadd.s32 $0x88, s3;
	s6 =	simm.s32 @!p1 $0x1082;
	[sflag:s4] =	ssyncset.s32 $0xFFFFF086  }
0x25: {  	[simem:s6], [sflag:s4] =	dma.local [hbm:s3], $0xF7A  }
0x26: {  	[smem:$0x3F7D] =	sst s1;
	(tag) =	ssettag s2;
	_ =	strace s9  }
0x27: {  	s1 =	sld [smem:$0x3F8D]  }
0x28: {  	s2 =	sld [smem:$0x3F8E]  }
0x29: {  	s4 =	sld [smem:$0x3F90]  }
0x2a: {  	p0 =	seq.s32 s5, $0x0;
	s5 =	sld [smem:$0x3F91]  }
0x2b: {  	s6 =	sld [smem:$0x3F92]  }
0x2c: {  	s7 =	sld [smem:$0x3F93]  }
0x2d: {  	s3 =	simm.s32 $0x108;
	s8 =	sld [smem:$0x3F94]  }
0x2e: {  	s3 =	simm.s32 @!p0 $0x1082;
	s9 =	sld [smem:$0x3F95]  }
0x2f: {  	lr =	sadd.s32 s0, s3;
	s0 =	sld [smem:$0x3F8C]  }
0x30: {  	s3 =	sld [smem:$0x3F8F]  }
0x31: {  	[smem:$0x3F98] =	sst s10  }
0x32: {  	s10 =	sld [smem:$0x3F96];
	_ =	sdelay $0x3  }
0x33: {  	p0 =	seq.s32 s10, $0x1;
	s10 =	sld [smem:$0x3F98];
	_ =	sdelay $0x3  }
0x34: {  	[smem:$0x3F98] =	sst s10  }
0x35: {  	s10 =	sld [smem:$0x3F97];
	_ =	sdelay $0x3  }
0x36: {  	p1 =	seq.s32 s10, $0x1;
	s10 =	sld [smem:$0x3F98];
	_ =	sdelay $0x3  }
0x37: {  	[smem:$0x3F98] =	sst s10  }
0x38: {  	s10 =	sld [smem:$0x3F99]  }
0x39: {  	_ = 	snop;
	(pc) =	sbr.ind lr, $3  }
0x3a: {  	_ = 	snop  }
0x3b: {  	_ = 	snop  }
0x3c: {  	p2 =	seq.s32 s10, $0x1;
	s10 =	sld [smem:$0x3F98]  }
0x3d: {  	_ =	shalt  }
0x3e: {  	_ =	shalt  }
0x3f: {  	_ =	shalt  }
0x40: {  	_ =	shalt  }
0x41: {  	_ =	shalt  }
0x42: {  	_ =	shalt  }
0x43: {  	_ =	shalt  }
0x44: {  	_ =	shalt  }
0x45: {  	_ =	shalt  }
0x46: {  	_ =	shalt  }
0x47: {  	_ =	shalt  }
0x48: {  	_ =	shalt  }
0x49: {  	_ =	shalt  }
0x4a: {  	_ =	shalt  }
0x4b: {  	_ =	shalt  }
0x4c: {  	_ =	shalt  }
0x4d: {  	_ =	shalt  }
0x4e: {  	_ =	shalt  }
0x4f: {  	_ =	shalt  }
0x50: {  	_ =	shalt  }
0x51: {  	_ =	shalt  }
0x52: {  	_ =	shalt  }
0x53: {  	_ =	shalt  }
0x54: {  	_ =	shalt  }
0x55: {  	_ =	shalt  }
0x56: {  	_ =	shalt  }
0x57: {  	_ =	shalt  }
0x58: {  	_ =	shalt  }
0x59: {  	_ =	shalt  }
0x5a: {  	_ =	shalt  }
0x5b: {  	_ =	shalt  }
0x5c: {  	_ =	shalt  }
0x5d: {  	_ =	shalt  }
0x5e: {  	_ =	shalt  }
0x5f: {  	_ =	shalt  }
0x60: {  	_ =	shalt  }
0x61: {  	_ =	shalt  }
0x62: {  	_ =	shalt  }
0x63: {  	_ =	shalt  }
0x64: {  	_ =	shalt  }
0x65: {  	_ =	shalt  }
0x66: {  	_ =	shalt  }
0x67: {  	_ =	shalt  }
0x68: {  	_ =	shalt  }
0x69: {  	_ =	shalt  }
0x6a: {  	_ =	shalt  }
0x6b: {  	_ =	shalt  }
0x6c: {  	_ =	shalt  }
0x6d: {  	_ =	shalt  }
0x6e: {  	_ =	shalt  }
0x6f: {  	_ =	shalt  }
0x70: {  	_ =	shalt  }
0x71: {  	_ =	shalt  }
0x72: {  	_ =	shalt  }
0x73: {  	_ =	shalt  }
0x74: {  	_ =	shalt  }
0x75: {  	_ =	shalt  }
0x76: {  	_ =	shalt  }
0x77: {  	_ =	shalt  }
0x78: {  	_ =	shalt  }
0x79: {  	_ =	shalt  }
0x7a: {  	_ =	shalt  }
0x7b: {  	_ =	shalt  }
0x7c: {  	_ =	shalt  }
0x7d: {  	_ =	shalt  }
0x7e: {  	_ =	shalt  }
0x7f: {  	_ =	shalt  }
0x80: {  	_ =	shalt  }
0x81: {  	_ =	shalt  }
0x82: {  	_ =	shalt  }
0x83: {  	_ =	shalt  }
0x84: {  	_ =	shalt  }
0x85: {  	_ =	shalt  }
0x86: {  	_ =	shalt  }
0x87: {  	_ =	shalt  }
.Lfunc_end0:
.L_simem_size_0:
called_computation.3_lowered:
.L_overlay_start_0:
0x88: {  	s2 =	sld [smem:$0x3FD9]  }
0x89: {  	s3 =	sld [smem:$0x3FFE];
	_ =	sdelay $0x1  }
0x8a: {  	s1 =	srdreg.scid  }
0x8b: {  	s0 =	sand.u32 $0x1, s1  }
0x8c: {  	s14 =	sshll.u32 s0, $0xA;
	s2 =	sadd.s32 s3, s2  }
0x8d: {  	s2 =	sadd.s32 s2, s14  }
0x8e: {  	[smem:$0x3FA4] =	sst s2  }
0x8f: {  	_ = 	snop  }
0x90: {  	s2 =	sld [smem:$0x3FD0];
	_ =	sdelay $0x2  }
0x91: {  	s4 =	simm.s32 $0xA;
	s5 =	simm.s32 $0x10;
	s15 =	sld [smem:$0x3FC7]  }
0x92: {  	[smem:s5], [sflag:s4] =	dma.local [hbm:s2], $0x1  }
0x93: {  	_ =	swait.eq [sflag:s4], $0x1  }
0x94: {  	[sflag:s4] =	ssyncset.done $0x0  }
0x95: {  	s16 =	sld [smem:$0x10];
	[sflag:s4] =	ssyncadd.s32 $0xFFFFFFFF  }
0x96: {  	s17 =	sld [smem:$0x11];
	(tm) =	ssettm $0x1  }
0x97: {  	s18 =	sld [smem:$0x3FFB];
	_ =	sdelay $0x3  }
0x98: {  	_ =	strace s18  }
0x99: {  	s5 =	sld [smem:$0x3FFC];
	_ =	sdelay $0x3  }
0x9a: {  	_ =	strace s5  }
0x9b: {  	s5 =	sld [smem:$0x3FFD];
	_ =	sdelay $0x3  }
0x9c: {  	_ =	strace s5  }
0x9d: {  	_ =	strace $0x8FFFFFFF  }
0x9e: {  	s19 =	sld [smem:$0x3FDB];
	_ =	sdelay $0x1  }
0x9f: {  	s6 =	simm.s32 $_scs_section_size  }
0xa0: {  	s7 =	simm.s32 $_size__tile_overlayer_lowered;
	s8 =	simm.s32 $_tile_overlayer_lowered  }
0xa1: {  	s22 =	simm.s32 $0x1BFF;
	s21 =	sshll.u32 s8, $0x1;
	s5 =	sadd.s32 s6, s19  }
0xa2: {  	s9 =	simm.s32 $0x0;
	s20 =	sshll.u32 s7, $0x1;
	s7 =	sadd.s32 s21, s5  }
0xa3: {  	[timem:s9], [sflag:s22] =	dma.local [hbm:s7], s20  }
0xa4: {  	_ =	swait.ge [sflag:s22], s20  }
0xa5: {  	s6 =	ssub.s32 $0x0, s20;
	[sflag:s22] =	ssyncset.done $0x0  }
0xa6: {  	[sflag:s22] =	ssyncadd.s32 s6;
	_ =	sdelay $0x1  }
0xa7: {  	s23 =	simm.s32 $0x1B8B  }
0xa8: {  	_ =	swait.ge [sflag:s23], $0x1  }
0xa9: {  	[sflag:s23] =	ssyncset.done $0x0  }
0xaa: {  	s25 =	simm.s32 $0x1B8E;
	s24 =	sld [smem:$0x3FFE];
	[sflag:s23] =	ssyncadd.s32 $0xFFFFFFFF  }
0xab: {  	s26 =	simm.s32 $execute0_lowered;
	[smem:$0x3FD2] =	sst s25  }
0xac: {  	s7 =	sshll.u32 s26, $0x1;
	_ =	strace $0x8000004F;
	[dreg:$0x1] =	wrdreg $0xFFFFFFFF  }
0xad: {  	s28 =	simm.s32 $_size_execute0_lowered;
	s5 =	sadd.s32 s5, s7;
	[dreg:$0x0] =	wrdreg $0x0  }
0xae: {  	s7 =	sshll.u32 s28, $0x1;
	[dreg:$0x2] =	wrdreg s5  }
0xaf: {  	[dreg:$0x3] =	wrdreg s7  }
0xb0: {  	[dreg:$0x4] =	wrdreg $0xC0  }
0xb1: {  	_ =	task [dreg:s9], $0x5FFFF  }
0xb2: {  	[dreg:$0x1] =	wrdreg $0xFFFFFFFF  }
0xb3: {  	[dreg:$0x0] =	wrdreg $0x60  }
0xb4: {  	[dreg:$0x2] =	wrdreg s24  }
0xb5: {  	[dreg:$0x3] =	wrdreg s17  }
0xb6: {  	[dreg:$0x4] =	wrdreg s16  }
0xb7: {  	[dreg:$0x5] =	wrdreg s15  }
0xb8: {  	[dreg:$0x6] =	wrdreg $0x9  }
0xb9: {  	_ =	task.clear_ibuf [dreg:s9], $0x7FFFF;
	_ =	strace $0x9000004F  }
0xba: {  	s29 =	simm.s32 $0x9;
	_ =	strace $0x80000051  }
0xbb: {  	_ =	swait.ge [sflag:s29], $0x1  }
0xbc: {  	[sflag:s29] =	ssyncadd.s32 $0xFFFFFFFF  }
0xbd: {  	_ =	strace $0x90000051  }
0xbe: {  	_ =	sfence  }
0xbf: {  	s30 =	sld [smem:$0x0];
	_ =	sdelay $0x2  }
0xc0: {  	s31 =	sshll.u32 s1, $0xD;
	s1 =	sshrl.u32 s1, $0x2  }
0xc1: {  	s3 =	sand.u32 $0x4000, s31;
	s1 =	sadd.s32 s1, s30  }
0xc2: {  	s0 =	sor.u32 s3, s0;
	s1 =	sshll.u32 s1, $0x11  }
0xc3: {  	s0 =	sor.u32 s1, s0  }
0xc4: {  	s0 =	sadd.s32 $0x8F2B, s0  }
0xc5: {  	[sflag:s0] =	ssyncadd.remote.s32 $0x1  }
0xc6: {  	_ =	sfence.sel $0xFFFF  }
0xc7: {  	[dreg:$0x0] =	wrdreg $0xFFFFFFFF;
	(pc) =	sbr.abs _section_cstart, $3  }
0xc8: {  	[dreg:$0x1] =	wrdreg $0xFFFFFFFF  }
0xc9: {  	_ =	task.clear_ibuf [dreg:s9], $0x2FFFF;
	_ =	strace $0x9FFFFFFF  }
0xca: {  	(tm) =	ssettm $0x7FFFFFFF  }
0xcb: {  	_ =	shalt  }
tec
execute0_lowered:
.L_overlay_start_1:
0x0: {  	(tag) =	ssettag $0x1  }
0x1: {  	s17 =	rddreg [dreg:$0x0]  }
0x2: {  	s4 =	rddreg [dreg:$0x1]  }
0x3: {  	s10 =	rddreg [dreg:$0x2]  }
0x4: {  	s1 =	srdreg.scid;
	s0 =	stileid.u32  }
0x5: {  	s2 =	rddreg [dreg:$0x3];
	s15 =	sand.u32 $0x1, s1;
	s5 =	sshll.u32 s0, $0x1  }
0x6: {  	s3 =	simm.s32 $0x0;
	s1 =	rddreg [dreg:$0x4];
	s12 =	sor.u32 s15, s5  }
0x7: {  	[smem:$0x7FF] =	sst s3;
	s11 =	sshll.u32 s12, $0x4  }
0x8: {  	_ =	strace $0x80000050;
	s5 =	simm.s32 $0x2;
	s4 =	sadd.s32 s4, s11  }
0x9: {  	[tilespmem:s3], [sflag:$0x2] =	stream.linear.gather [hbm4b:s4+s3], $0x80, $0x38;
	[tilespmem:$0x4200] =	vst v63  }
0xa: {  	_ =	swait.ge [sflag:s5], $0x80  }
0xb: {  	s7 =	simm.s32 $0x80;
	[sflag:s5] =	ssyncset.done $0x0  }
0xc: {  	s8 =	simm.s32 $0x1;
	s6 =	sadd.s32 $0x7200, s17;
	[sflag:s5] =	ssyncadd.s32 $0xFFFFFF80  }
0xd: {  	[tilespmem:s7], [sflag:$0x1] =	stream.indirect.gather [hbm4b:s6+s7], $0x80, s3, s7, $0xb8;
	[tilespmem:$0x4200] =	vst v63  }
0xe: {  	s9 =	sshll.u32 s12, $0xB;
	_ =	swait.ge [sflag:s8], $0x4000  }
0xf: {  	s13 =	sadd.s32 s9, s17;
	[sflag:s8] =	ssyncset.done $0x0  }
0x10: {  	s9 =	sadd.s32 $0x2E400, s13;
	[sflag:s8] =	ssyncadd.s32 $0xFFFFC000  }
0x11: {  	[hbm4b:s9+s3] =	stream.linear.scatter [tilespmem:s7], [sflag:$0x2], $0x4000, $0x38;
	[tilespmem:$0x4200] =	vst v63  }
0x12: {  	_ =	swait.ge [sflag:s5], $0x4000  }
0x13: {  	[sflag:s5] =	ssyncset.done $0x0  }
0x14: {  	s10 =	sadd.s32 s10, s11;
	[sflag:s5] =	ssyncadd.s32 $0xFFFFC000  }
0x15: {  	[tilespmem:s3], [sflag:$0x2] =	stream.linear.gather [hbm4b:s10+s3], $0x80, $0x38;
	[tilespmem:$0x4200] =	vst v63  }
0x16: {  	_ =	swait.ge [sflag:s5], $0x80  }
0x17: {  	[sflag:s5] =	ssyncset.done $0x0  }
0x18: {  	[sflag:s5] =	ssyncadd.s32 $0xFFFFFF80  }
0x19: {  	[tilespmem:s7], [sflag:$0x1] =	stream.indirect.gather [hbm4b:s6+s7], $0x80, s3, s7, $0xb8;
	[tilespmem:$0x4200] =	vst v63  }
0x1a: {  	_ =	swait.ge [sflag:s8], $0x4000  }
0x1b: {  	[sflag:s8] =	ssyncset.done $0x0  }
0x1c: {  	s11 =	sadd.s32 $0x3E400, s13;
	[sflag:s8] =	ssyncadd.s32 $0xFFFFC000  }
0x1d: {  	[hbm4b:s11+s3] =	stream.linear.scatter [tilespmem:s7], [sflag:$0x2], $0x4000, $0x38;
	[tilespmem:$0x4200] =	vst v63  }
0x1e: {  	s18 =	ssub.s32 $0x2, s15;
	p0 =	sne.s32 s12, $0x0;
	_ =	swait.ge [sflag:s5], $0x4000  }
0x1f: {  	s19 =	sshrl.u32 s18, $0x1;
	s12 =	simm.s32 @!p0 $0x2;
	[sflag:s5] =	ssyncset.done $0x0  }
0x20: {  	s14 =	simm.s32 @!p0 $0x4080;
	s13 =	simm.s32 @!p0 $0x0;
	[sflag:s5] =	ssyncadd.s32 $0xFFFFC000  }
0x21: {  	[tilespmem:s14], [sflag:$0x2] =	stream.linear.gather @!p0 [hbm4b:s2+s13], $0x80, $0x38;
	[tilespmem:$0x4200] =	vst v63  }
0x22: {  	s18 =	ssub.s32 s18, s19;
	_ =	swait.ge @!p0 [sflag:s12], $0x80  }
0x23: {  	s15 =	simm.s32 @!p0 $0x4100;
	s18 =	smax.u32 s18, $0x1;
	[sflag:s12] =	ssyncset.done @!p0 $0x0  }
0x24: {  	s16 =	simm.s32 @!p0 $0x1;
	s18 =	sadd.s32 $0xFFFFFFFF, s18;
	[sflag:s12] =	ssyncadd.s32 @!p0 $0xFFFFFF80  }
0x25: {  	[tilespmem:s15], [sflag:$0x1] =	stream.indirect.gather @!p0 [hbm4b:s6+s12], $0x80, s14, s12, $0xb8;
	[tilespmem:$0x4200] =	vst v63  }
0x26: {  	p1 =	sne.s32 s18, $0x0;
	_ =	swait.ge @!p0 [sflag:s16], $0x100  }
.Ltmp0:
0x27: {  	[sflag:s16] =	ssyncset.done @!p0 $0x0;
	(pc) =	sbr.rel @!p1 .LBB2_2-.Ltmp0, $4  }
0x28: {  	s17 =	sadd.s32 $0x4E400, s17;
	[sflag:s16] =	ssyncadd.s32 @!p0 $0xFFFFFF00  }
0x29: {  	[hbm4b:s17+s13] =	stream.linear.scatter @!p0 [tilespmem:s15], [sflag:$0x2], $0x100, $0x38;
	[tilespmem:$0x4200] =	vst v63  }
0x2a: {  	_ =	swait.ge @!p0 [sflag:s12], $0x100  }
0x2b: {  	[sflag:s12] =	ssyncset.done @!p0 $0x0  }
.LBB2_1:
0x2c: {  	s18 =	sadd.s32 $0xFFFFFFFF, s18;
	[sflag:s12] =	ssyncadd.s32 @!p0 $0xFFFFFF00  }
0x2d: {  	[tilespmem:s3], [sflag:$0x2] =	stream.linear.gather [hbm4b:s4+s3], $0x80, $0x38;
	[tilespmem:$0x4200] =	vst v63  }
0x2e: {  	p1 =	sne.s32 s18, $0x0;
	_ =	swait.ge [sflag:s5], $0x80  }
0x2f: {  	[sflag:s5] =	ssyncset.done $0x0  }
0x30: {  	[sflag:s5] =	ssyncadd.s32 $0xFFFFFF80  }
0x31: {  	[tilespmem:s7], [sflag:$0x1] =	stream.indirect.gather [hbm4b:s6+s7], $0x80, s3, s7, $0xb8;
	[tilespmem:$0x4200] =	vst v63  }
0x32: {  	_ =	swait.ge [sflag:s8], $0x4000  }
0x33: {  	[sflag:s8] =	ssyncset.done $0x0  }
0x34: {  	[sflag:s8] =	ssyncadd.s32 $0xFFFFC000  }
0x35: {  	[hbm4b:s9+s3] =	stream.linear.scatter [tilespmem:s7], [sflag:$0x2], $0x4000, $0x38;
	[tilespmem:$0x4200] =	vst v63  }
0x36: {  	_ =	swait.ge [sflag:s5], $0x4000  }
0x37: {  	[sflag:s5] =	ssyncset.done $0x0  }
0x38: {  	[sflag:s5] =	ssyncadd.s32 $0xFFFFC000  }
0x39: {  	[tilespmem:s3], [sflag:$0x2] =	stream.linear.gather [hbm4b:s10+s3], $0x80, $0x38;
	[tilespmem:$0x4200] =	vst v63  }
0x3a: {  	_ =	swait.ge [sflag:s5], $0x80  }
0x3b: {  	[sflag:s5] =	ssyncset.done $0x0  }
0x3c: {  	[sflag:s5] =	ssyncadd.s32 $0xFFFFFF80  }
0x3d: {  	[tilespmem:s7], [sflag:$0x1] =	stream.indirect.gather [hbm4b:s6+s7], $0x80, s3, s7, $0xb8;
	[tilespmem:$0x4200] =	vst v63  }
0x3e: {  	_ =	swait.ge [sflag:s8], $0x4000  }
0x3f: {  	[sflag:s8] =	ssyncset.done $0x0  }
0x40: {  	[sflag:s8] =	ssyncadd.s32 $0xFFFFC000  }
0x41: {  	[hbm4b:s11+s3] =	stream.linear.scatter [tilespmem:s7], [sflag:$0x2], $0x4000, $0x38;
	[tilespmem:$0x4200] =	vst v63  }
0x42: {  	_ =	swait.ge [sflag:s5], $0x4000  }
0x43: {  	[sflag:s5] =	ssyncset.done $0x0  }
0x44: {  	[sflag:s5] =	ssyncadd.s32 $0xFFFFC000  }
0x45: {  	[tilespmem:s14], [sflag:$0x2] =	stream.linear.gather @!p0 [hbm4b:s2+s13], $0x80, $0x38;
	[tilespmem:$0x4200] =	vst v63  }
0x46: {  	_ =	swait.ge @!p0 [sflag:s12], $0x80  }
0x47: {  	[sflag:s12] =	ssyncset.done @!p0 $0x0  }
0x48: {  	[sflag:s12] =	ssyncadd.s32 @!p0 $0xFFFFFF80  }
0x49: {  	[tilespmem:s15], [sflag:$0x1] =	stream.indirect.gather @!p0 [hbm4b:s6+s12], $0x80, s14, s12, $0xb8;
	[tilespmem:$0x4200] =	vst v63  }
0x4a: {  	_ =	swait.ge @!p0 [sflag:s16], $0x100  }
.Ltmp1:
0x4b: {  	[sflag:s16] =	ssyncset.done @!p0 $0x0;
	(pc) =	sbr.rel @p1 .LBB2_1-.Ltmp1, $4  }
0x4c: {  	[sflag:s16] =	ssyncadd.s32 @!p0 $0xFFFFFF00  }
0x4d: {  	[hbm4b:s17+s13] =	stream.linear.scatter @!p0 [tilespmem:s15], [sflag:$0x2], $0x100, $0x38;
	[tilespmem:$0x4200] =	vst v63  }
0x4e: {  	_ =	swait.ge @!p0 [sflag:s12], $0x100  }
0x4f: {  	[sflag:s12] =	ssyncset.done @!p0 $0x0  }
.LBB2_2:
0x50: {  	[sflag:s12] =	ssyncadd.s32 @!p0 $0xFFFFFF00  }
0x51: {  	_ =	sfence.sel $0x180000  }
0x52: {  	[bflag:$0x0] =	sbarrier.arrive $0xFFFF  }
0x53: {  	p0 =	sne.s32 s0, $0x0;
	_ =	strace $0x90000050  }
0x54: {  	s0 =	sadd.s32 @!p0 $0x100000, s1;
	[bflag:$0x2] =	sbarrier.arrive $0xFFFF  }
0x55: {  	[sflag:s0] =	ssyncadd.tile.s32 @!p0 $0x1;
	_ =	shalt  }
.Lfunc_end2:
_tile_overlayer_lowered:
.L_overlay_start_2:
0x56: {  	(tag) =	ssettag $0x2  }
0x57: {  	s0 =	rddreg [dreg:$0x0];
	s2 =	stileid.u32  }
0x58: {  	s1 =	rddreg [dreg:$0x1];
	p0 =	sne.s32 s2, $0x0  }
0x59: {  	s3 =	rddreg [dreg:$0x2];
	[bflag:$0x3] =	sbarrier.arrive $0xFFFF;
	s2 =	simm.s32 @!p0 $0x1C02  }
0x5a: {  	[timem:s3], [sflag:s2] =	dma.local @!p0 [hbm:s0], s1  }
0x5b: {  	s0 =	simm.s32 @!p0 $0x2  }
0x5c: {  	_ =	swait.ge @!p0 [sflag:s0], s1  }
0x5d: {  	s1 =	ssub.s32 @!p0 $0x0, s1;
	[sflag:s0] =	ssyncset.done @!p0 $0x0  }
0x5e: {  	[sflag:s0] =	ssyncadd.s32 @!p0 s1  }
0x5f: {  	[bflag:$0x3] =	sbarrier.arrive $0xFFFF  }
0x60: {  	_ =	shalt  }

</sc_bundles>
